<compile_context>
chip_gen: v7x
topology: tpu7x:2x2x1
jax: 0.10.2.dev20260603
libtpu: 0.0.44.dev20260713+nightly
codegen_flags: <defaults>
</compile_context>

<pallas_src>
import functools

import jax
import jax.numpy as jnp
from jax import lax
from jax.experimental import pallas as pl
from jax.experimental.pallas import tpu as pltpu
from jax.experimental.pallas import tpu_sc as plsc

N = 10000
E = 320000
NPAD = 10240
STR = 640
NC = 2
NS = 16
NWK = NC * NS
EW = E // NWK
CH = 80
DW = CH * 128
RB = 1024

@functools.cache
def _mesh():
    return plsc.VectorSubcoreMesh(core_axis_name="c", subcore_axis_name="s",
                                  num_cores=NC, num_subcores=NS)


@functools.cache
def _make_deg():
    return functools.partial(
        pl.kernel,
        out_type=jax.ShapeDtypeStruct((NC, NPAD), jnp.float32),
        mesh=_mesh(),
        scratch_types=[
            pltpu.VMEM((CH, 128), jnp.int32),
            pltpu.VMEM((NPAD,), jnp.float32),
            pltpu.VMEM((STR,), jnp.float32),
            pltpu.VMEM((STR,), jnp.float32),
            pltpu.VMEM_SHARED((NS, NPAD), jnp.float32),
        ],
        compiler_params=pltpu.CompilerParams(needs_layout_passes=False,
                                             use_tc_tiling_on_sc=False),
    )(_deg_body)


def _deg_body(dstw, outd, ids, degl, acc, tmp, degsh):
    c = lax.axis_index("c")
    s = lax.axis_index("s")
    w = c * NS + s
    pltpu.sync_copy(dstw.at[w], ids)
    zeros = jnp.zeros((16,), jnp.float32)
    ones = jnp.ones((16,), jnp.float32)

    def _zero(i, _):
        degl[pl.ds(i * 16, 16)] = zeros
        return 0

    lax.fori_loop(0, NPAD // 16, _zero, 0)

    def _count(r, _):
        for k in range(8):
            idx = ids[r, pl.ds(k * 16, 16)]
            plsc.addupdate_scatter(degl, [idx], ones)
        return 0

    lax.fori_loop(0, CH, _count, 0)
    pltpu.sync_copy(degl, degsh.at[s])
    plsc.subcore_barrier()

    def _zacc(i, _):
        acc[pl.ds(i * 16, 16)] = zeros
        return 0

    lax.fori_loop(0, STR // 16, _zacc, 0)

    def _red(t, _):
        pltpu.sync_copy(degsh.at[t, pl.ds(s * STR, STR)], tmp)

        def _add(q, _):
            sl = pl.ds(q * 16, 16)
            acc[sl] = acc[sl] + tmp[sl]
            return 0

        lax.fori_loop(0, STR // 16, _add, 0)
        return 0

    lax.fori_loop(0, NS, _red, 0)
    pltpu.sync_copy(acc, outd.at[c, pl.ds(s * STR, STR)])


@functools.cache
def _make_scatter(D):
    @functools.partial(
        pl.kernel,
        out_type=jax.ShapeDtypeStruct((NC, NPAD, D), jnp.float32),
        mesh=_mesh(),
        scratch_types=[
            pltpu.VMEM((CH // 2, 128), jnp.int32),
            pltpu.VMEM((CH // 2, 128), jnp.int32),
            pltpu.VMEM((128, D), jnp.float32),
            pltpu.VMEM((128, D), jnp.float32),
            pltpu.VMEM((128, D), jnp.float32),
            pltpu.VMEM((128, D), jnp.float32),
            pltpu.VMEM_SHARED((NPAD, D), jnp.float32),
            pltpu.VMEM_SHARED((NPAD, D), jnp.float32),
            pltpu.SemaphoreType.DMA,
            pltpu.SemaphoreType.DMA,
            pltpu.SemaphoreType.DMA,
            pltpu.SemaphoreType.DMA,
            pltpu.SemaphoreType.DMA,
            pltpu.SemaphoreType.DMA,
            pltpu.SemaphoreType.DMA,
            pltpu.SemaphoreType.DMA,
        ],
        compiler_params=pltpu.CompilerParams(needs_layout_passes=False,
                                             use_tc_tiling_on_sc=False),
    )
    def _scatter(srcw, dstw, g, out, src_l, dst_l, bA0, bA1, bB0, bB1,
                 accum, gsh, gsA0, gsA1, ssA0, ssA1, gsB0, gsB1, ssB0, ssB1):
        c = lax.axis_index("c")
        s = lax.axis_index("s")
        w = c * NS + s
        CHH = CH // 2

        stripe = pl.ds(s * STR, STR)
        pltpu.async_copy(g.at[stripe], gsh.at[stripe], gsA1)

        zeros = jnp.zeros((16,), jnp.float32)

        def _zb(i, _):
            for k in range(D // 16):
                bA0[i, pl.ds(k * 16, 16)] = zeros
            return 0

        lax.fori_loop(0, 128, _zb, 0)
        for k in range(STR // 128):
            pltpu.sync_copy(bA0, accum.at[pl.ds(s * STR + k * 128, 128)])
        pltpu.make_async_copy(g.at[stripe], gsh.at[stripe], gsA1).wait()
        plsc.subcore_barrier()

        T = CHH // 4

        def _pair(t, off, b0, b1, gs0, gs1, ss0, ss1):
            j0 = 4 * t + off
            j1 = j0 + 2
            pltpu.make_async_copy(gsh.at[src_l.at[j0]], b0, gs0).wait()

            @pl.when(t > 0)
            def _():
                pltpu.make_async_copy(b1, accum.at[dst_l.at[j1]], ss1).wait()

            pltpu.async_copy(gsh.at[src_l.at[j1]], b1, gs1)
            pltpu.async_copy(b0, accum.at[dst_l.at[j0]], ss0, add=True)
            pltpu.make_async_copy(gsh.at[src_l.at[j1]], b1, gs1).wait()
            pltpu.make_async_copy(b0, accum.at[dst_l.at[j0]], ss0).wait()

            @pl.when(t < T - 1)
            def _():
                pltpu.async_copy(gsh.at[src_l.at[j0 + 4]], b0, gs0)

            pltpu.async_copy(b1, accum.at[dst_l.at[j1]], ss1, add=True)

        def _step(t, _):
            _pair(t, 0, bA0, bA1, gsA0, gsA1, ssA0, ssA1)
            _pair(t, 1, bB0, bB1, gsB0, gsB1, ssB0, ssB1)
            return 0

        for base in (0, CHH):
            pltpu.sync_copy(srcw.at[w, pl.ds(base, CHH)], src_l)
            pltpu.sync_copy(dstw.at[w, pl.ds(base, CHH)], dst_l)
            pltpu.async_copy(gsh.at[src_l.at[0]], bA0, gsA0)
            pltpu.async_copy(gsh.at[src_l.at[1]], bB0, gsB0)
            lax.fori_loop(0, T, _step, 0)
            pltpu.make_async_copy(bA1, accum.at[dst_l.at[CHH - 2]],
                                  ssA1).wait()
            pltpu.make_async_copy(bB1, accum.at[dst_l.at[CHH - 1]],
                                  ssB1).wait()
        plsc.subcore_barrier()
        pltpu.sync_copy(
            accum.at[pl.ds(s * STR, STR)], out.at[c, pl.ds(s * STR, STR)]
        )

    return _scatter


def _dinv_of(degp_blk):
    deg = degp_blk[0, :] + degp_blk[1, :] + 1.0
    return lax.rsqrt(jnp.maximum(deg, 1.0))


def _enc1_body(x_ref, w1_ref, degp_ref, out_ref):
    dinv = _dinv_of(degp_ref)
    h = jnp.dot(x_ref[...], w1_ref[...], preferred_element_type=jnp.float32,
                precision=lax.Precision.HIGHEST)
    out_ref[...] = h * dinv[:, None]


def _enc1(x, W1, degp):
    return pl.pallas_call(
        _enc1_body,
        grid=(NPAD // RB,),
        in_specs=[
            pl.BlockSpec((RB, 128), lambda i: (i, 0)),
            pl.BlockSpec((128, 64), lambda i: (0, 0)),
            pl.BlockSpec((NC, RB), lambda i: (0, i)),
        ],
        out_specs=pl.BlockSpec((RB, 64), lambda i: (i, 0)),
        out_shape=jax.ShapeDtypeStruct((NPAD, 64), jnp.float32),
    )(x, W1, degp)


def _enc2_body(s1_ref, g1_ref, degp_ref, b1_ref, w2_ref, out_ref):
    dinv = _dinv_of(degp_ref)
    conv = dinv[:, None] * (s1_ref[0] + s1_ref[1] + g1_ref[...]) + b1_ref[...]
    h = jnp.maximum(conv, 0.0)
    t = jnp.dot(h, w2_ref[...], preferred_element_type=jnp.float32,
                precision=lax.Precision.HIGHEST)
    out_ref[...] = t * dinv[:, None]


def _enc2(S1, g1, degp, b1, W2):
    return pl.pallas_call(
        _enc2_body,
        grid=(NPAD // RB,),
        in_specs=[
            pl.BlockSpec((NC, RB, 64), lambda i: (0, i, 0)),
            pl.BlockSpec((RB, 64), lambda i: (i, 0)),
            pl.BlockSpec((NC, RB), lambda i: (0, i)),
            pl.BlockSpec((1, 64), lambda i: (0, 0)),
            pl.BlockSpec((64, 32), lambda i: (0, 0)),
        ],
        out_specs=pl.BlockSpec((RB, 32), lambda i: (i, 0)),
        out_shape=jax.ShapeDtypeStruct((NPAD, 32), jnp.float32),
    )(S1, g1, degp, b1, W2)


def _dec_body(s2_ref, g2_ref, degp_ref, b2_ref, wd1_ref, bd1_ref, wd2_ref,
              bd2_ref, eps_ref, dec_ref, mu_ref, lv_ref):
    dinv = _dinv_of(degp_ref)
    enc = dinv[:, None] * (s2_ref[0] + s2_ref[1] + g2_ref[...]) + b2_ref[...]
    mu = enc[:, :16]
    lv = enc[:, 16:]
    mu_ref[...] = mu
    lv_ref[...] = lv
    std = jnp.exp(0.5 * lv)
    z = mu + eps_ref[...] * std
    d = jnp.dot(z, wd1_ref[...], preferred_element_type=jnp.float32,
                precision=lax.Precision.HIGHEST) + bd1_ref[...]
    d = jnp.maximum(d, 0.0)
    o = jnp.dot(d, wd2_ref[...], preferred_element_type=jnp.float32,
                precision=lax.Precision.HIGHEST) + bd2_ref[...]
    dec_ref[...] = jax.nn.sigmoid(o)


def _dec(S2, g2, degp, b2, Wd1, bd1, Wd2, bd2, eps_p):
    return pl.pallas_call(
        _dec_body,
        grid=(NPAD // RB,),
        in_specs=[
            pl.BlockSpec((NC, RB, 32), lambda i: (0, i, 0)),
            pl.BlockSpec((RB, 32), lambda i: (i, 0)),
            pl.BlockSpec((NC, RB), lambda i: (0, i)),
            pl.BlockSpec((1, 32), lambda i: (0, 0)),
            pl.BlockSpec((16, 64), lambda i: (0, 0)),
            pl.BlockSpec((1, 64), lambda i: (0, 0)),
            pl.BlockSpec((64, 128), lambda i: (0, 0)),
            pl.BlockSpec((1, 128), lambda i: (0, 0)),
            pl.BlockSpec((RB, 16), lambda i: (i, 0)),
        ],
        out_specs=[
            pl.BlockSpec((RB, 128), lambda i: (i, 0)),
            pl.BlockSpec((RB, 16), lambda i: (i, 0)),
            pl.BlockSpec((RB, 16), lambda i: (i, 0)),
        ],
        out_shape=[
            jax.ShapeDtypeStruct((N, 128), jnp.float32),
            jax.ShapeDtypeStruct((N, 16), jnp.float32),
            jax.ShapeDtypeStruct((N, 16), jnp.float32),
        ],
    )(S2, g2, degp, b2, Wd1, bd1, Wd2, bd2, eps_p)


@jax.jit
def kernel(x, edge_index, W1, b1, W2, b2, Wd1, bd1, Wd2, bd2):
    ei = edge_index.astype(jnp.int32)
    srcw = jnp.pad(ei[0].reshape(NWK, EW), ((0, 0), (0, DW - EW)))
    dstw = jnp.pad(ei[1].reshape(NWK, EW), ((0, 0), (0, DW - EW)),
                   constant_values=N)
    srcw = srcw.reshape(NWK, CH, 128)
    dstw = dstw.reshape(NWK, CH, 128)

    eps = jax.random.normal(jax.random.key(42), (N, 16), dtype=jnp.float32)

    degp = _make_deg()(dstw)
    g1 = _enc1(x, W1, degp)
    S1 = _make_scatter(64)(srcw, dstw, g1)
    g2 = _enc2(S1, g1, degp, b1.reshape(1, 64), W2)
    S2 = _make_scatter(32)(srcw, dstw, g2)
    dec, mu, lv = _dec(S2, g2, degp, b2.reshape(1, 32), Wd1,
                       bd1.reshape(1, 64), Wd2, bd2.reshape(1, 128), eps)
    return (dec, mu, lv)

# --- scband reference (transcript-rebuilt; emitter-appended) ---
"""Pipeline reference for scband-graph-vae-12695923327676 (READ-ONLY COPY).

The authoritative reference and input builder live on the scoring server;
editing this copy changes nothing except your own understanding.
"""

import jax, jax.numpy as jnp
import numpy as np

N_NODES = 10000
N_EDGES = 320000
IN_DIM = 128
HID_DIM = 64
LAT_DIM = 16


def gcn_conv(x, edge_index, W, b, num_nodes):
    # PyG-style GCNConv: add self-loops, symmetric normalization, linear transform, scatter-add
    src = edge_index[0]
    dst = edge_index[1]
    loop = jnp.arange(num_nodes, dtype=edge_index.dtype)
    src = jnp.concatenate([src, loop])
    dst = jnp.concatenate([dst, loop])
    deg = jnp.zeros((num_nodes,), dtype=x.dtype).at[dst].add(1.0)
    dinv = jax.lax.rsqrt(jnp.maximum(deg, 1.0))
    norm = dinv[src] * dinv[dst]
    h = x @ W  # [N, out]
    msg = h[src] * norm[:, None]  # gather (SparseCore)
    out = jnp.zeros((num_nodes, W.shape[1]), dtype=x.dtype).at[dst].add(msg)  # scatter-add
    return out + b


def setup_inputs(seed: int = 0) -> dict:
    key = jax.random.key(seed)
    ks = jax.random.split(key, 12)
    x = jax.random.normal(ks[0], (N_NODES, IN_DIM), dtype=jnp.float32)
    edge_index = jax.random.randint(ks[1], (2, N_EDGES), 0, N_NODES, dtype=jnp.int64)
    # encoder GCN weights (stored [in, out])
    W1 = jax.random.normal(ks[2], (IN_DIM, HID_DIM), dtype=jnp.float32) * (1.0 / np.sqrt(IN_DIM))
    b1 = jnp.zeros((HID_DIM,), dtype=jnp.float32)
    W2 = jax.random.normal(ks[3], (HID_DIM, 2 * LAT_DIM), dtype=jnp.float32) * (1.0 / np.sqrt(HID_DIM))
    b2 = jnp.zeros((2 * LAT_DIM,), dtype=jnp.float32)
    # decoder MLP weights
    Wd1 = jax.random.normal(ks[4], (LAT_DIM, HID_DIM), dtype=jnp.float32) * (1.0 / np.sqrt(LAT_DIM))
    bd1 = jnp.zeros((HID_DIM,), dtype=jnp.float32)
    Wd2 = jax.random.normal(ks[5], (HID_DIM, IN_DIM), dtype=jnp.float32) * (1.0 / np.sqrt(HID_DIM))
    bd2 = jnp.zeros((IN_DIM,), dtype=jnp.float32)
    return {"x": x, "edge_index": edge_index, "W1": W1, "b1": b1, "W2": W2, "b2": b2,
            "Wd1": Wd1, "bd1": bd1, "Wd2": Wd2, "bd2": bd2}


def reference(x, edge_index, W1, b1, W2, b2, Wd1, bd1, Wd2, bd2):
    num_nodes = x.shape[0]
    h = jax.nn.relu(gcn_conv(x, edge_index, W1, b1, num_nodes))
    enc = gcn_conv(h, edge_index, W2, b2, num_nodes)
    mu, log_var = jnp.split(enc, 2, axis=-1)
    std = jnp.exp(0.5 * log_var)
    eps = jax.random.normal(jax.random.key(42), std.shape, dtype=std.dtype)
    z = mu + eps * std
    d = jax.nn.relu(z @ Wd1 + bd1)
    decoded = jax.nn.sigmoid(d @ Wd2 + bd2)
    return (decoded, mu, log_var)

if __name__ == "__main__":
    import jax
    _d = setup_inputs()
    print(jax.jit(kernel)(*tuple(_d.values())))

</pallas_src>

<mosaic_0001>
#map = affine_map<(d0, d1) -> (0, 0, 0)>
#map1 = affine_map<(d0, d1) -> (0, 0)>
module attributes {stable_mosaic.version = 14 : i64} {
  func.func @_scatter(%arg0: i32, %arg1: i32, %arg2: memref<32x80x128xi32, #tpu.memory_space<hbm>>, %arg3: memref<32x80x128xi32, #tpu.memory_space<hbm>>, %arg4: memref<10240x64xf32, #tpu.memory_space<hbm>>, %arg5: memref<2x10240x64xf32, #tpu.memory_space<hbm>>, %arg6: memref<40x128xi32, #tpu.memory_space<vmem>>, %arg7: memref<40x128xi32, #tpu.memory_space<vmem>>, %arg8: memref<128x64xf32, #tpu.memory_space<vmem>>, %arg9: memref<128x64xf32, #tpu.memory_space<vmem>>, %arg10: memref<128x64xf32, #tpu.memory_space<vmem>>, %arg11: memref<128x64xf32, #tpu.memory_space<vmem>>, %arg12: memref<10240x64xf32, #tpu.memory_space<vmem_shared>>, %arg13: memref<10240x64xf32, #tpu.memory_space<vmem_shared>>, %arg14: memref<!tpu.dma_semaphore, #tpu.memory_space<semaphore_mem>>, %arg15: memref<!tpu.dma_semaphore, #tpu.memory_space<semaphore_mem>>, %arg16: memref<!tpu.dma_semaphore, #tpu.memory_space<semaphore_mem>>, %arg17: memref<!tpu.dma_semaphore, #tpu.memory_space<semaphore_mem>>, %arg18: memref<!tpu.dma_semaphore, #tpu.memory_space<semaphore_mem>>, %arg19: memref<!tpu.dma_semaphore, #tpu.memory_space<semaphore_mem>>, %arg20: memref<!tpu.dma_semaphore, #tpu.memory_space<semaphore_mem>>, %arg21: memref<!tpu.dma_semaphore, #tpu.memory_space<semaphore_mem>>) attributes {dimension_semantics = [#tpu.dimension_semantics<core_parallel>, #tpu.dimension_semantics<subcore_parallel>], iteration_bounds = array<i64: 2, 16>, scalar_prefetch = 0 : i64, scratch_operands = 16 : i64, tpu.core_type = #tpu.core_type<sc_vector_subcore>, window_params = [{transform_indices = #map}, {transform_indices = #map}, {transform_indices = #map1}, {transform_indices = #map}]} {
    %mul3A = arith.constant 16 : i32
    %mul3A_0 = arith.muli %arg0, %mul3A : i32
    %add3A = arith.addi %mul3A_0, %arg1 : i32
    %mul3A_1 = arith.constant 640 : i32
    %mul3A_2 = arith.muli %arg1, %mul3A_1 : i32
    %dma_start3A = arith.constant 0 : i32
    %dma_start3A_3 = tpu.memref_slice %arg13[%mul3A_2, %dma_start3A] : memref<10240x64xf32, #tpu.memory_space<vmem_shared>> -> memref<640x64xf32, #tpu.memory_space<vmem_shared>>
    %dma_start3A_4 = arith.constant 0 : i32
    %dma_start3A_5 = tpu.memref_slice %arg4[%mul3A_2, %dma_start3A_4] : memref<10240x64xf32, #tpu.memory_space<hbm>> -> memref<640x64xf32, #tpu.memory_space<hbm>>
    tpu.enqueue_dma source(%dma_start3A_5 : memref<640x64xf32, #tpu.memory_space<hbm>>) target(%dma_start3A_3 : memref<640x64xf32, #tpu.memory_space<vmem_shared>>) target_semaphore(%arg15 : memref<!tpu.dma_semaphore, #tpu.memory_space<semaphore_mem>>)
    %broadcast_in_dim3A = arith.constant 0.000000e+00 : f32
    %broadcast_in_dim3A_6 = vector.broadcast %broadcast_in_dim3A : f32 to vector<16xf32>
    %scan3A = arith.constant 0 : i32
    %scan3A_7 = arith.constant 0 : i32
    %scan3A_8 = arith.constant 128 : i32
    %scan3A_9 = arith.addi %scan3A_7, %scan3A_8 : i32
    %scan3A_10 = arith.constant 1 : i32
    %scan3A_11 = scf.for %scan3A_111 = %scan3A_7 to %scan3A_9 step %scan3A_10 iter_args(%scan3A_112 = %scan3A) -> (i32)  : i32 {
      %swap3A = arith.index_cast %scan3A_111 : i32 to index
      %swap3A_113 = arith.constant 0 : index
      %swap3A_114 = tpu.vector_load %arg8[%swap3A, %swap3A_113] {strides = array<i32>} : memref<128x64xf32, #tpu.memory_space<vmem>>, vector<16xf32>,
      tpu.vector_store %arg8[%swap3A, %swap3A_113], %broadcast_in_dim3A_6 {strides = array<i32>} : memref<128x64xf32, #tpu.memory_space<vmem>>, vector<16xf32>,
      %swap3A_115 = arith.index_cast %scan3A_111 : i32 to index
      %swap3A_116 = arith.constant 16 : index
      %swap3A_117 = tpu.vector_load %arg8[%swap3A_115, %swap3A_116] {strides = array<i32>} : memref<128x64xf32, #tpu.memory_space<vmem>>, vector<16xf32>,
      tpu.vector_store %arg8[%swap3A_115, %swap3A_116], %broadcast_in_dim3A_6 {strides = array<i32>} : memref<128x64xf32, #tpu.memory_space<vmem>>, vector<16xf32>,
      %swap3A_118 = arith.index_cast %scan3A_111 : i32 to index
      %swap3A_119 = arith.constant 32 : index
      %swap3A_120 = tpu.vector_load %arg8[%swap3A_118, %swap3A_119] {strides = array<i32>} : memref<128x64xf32, #tpu.memory_space<vmem>>, vector<16xf32>,
      tpu.vector_store %arg8[%swap3A_118, %swap3A_119], %broadcast_in_dim3A_6 {strides = array<i32>} : memref<128x64xf32, #tpu.memory_space<vmem>>, vector<16xf32>,
      %swap3A_121 = arith.index_cast %scan3A_111 : i32 to index
      %swap3A_122 = arith.constant 48 : index
      %swap3A_123 = tpu.vector_load %arg8[%swap3A_121, %swap3A_122] {strides = array<i32>} : memref<128x64xf32, #tpu.memory_space<vmem>>, vector<16xf32>,
      tpu.vector_store %arg8[%swap3A_121, %swap3A_122], %broadcast_in_dim3A_6 {strides = array<i32>} : memref<128x64xf32, #tpu.memory_space<vmem>>, vector<16xf32>,
      %scan3A_124 = arith.constant 0 : i32
      scf.yield %scan3A_124 : i32
    }
    %scan3A_12 = arith.constant 128 : i32
    %mul3A_13 = arith.constant 640 : i32
    %mul3A_14 = arith.muli %arg1, %mul3A_13 : i32
    %add3A_15 = arith.constant 0 : i32
    %add3A_16 = arith.addi %mul3A_14, %add3A_15 : i32
    "tpu.region"() ({
      %run_scoped3A = tpu.sem_alloc : memref<!tpu.dma_semaphore, #tpu.memory_space<semaphore_mem>>
      %dma_start3A_111 = arith.constant 0 : i32
      %dma_start3A_112 = tpu.memref_slice %arg12[%add3A_16, %dma_start3A_111] : memref<10240x64xf32, #tpu.memory_space<vmem_shared>> -> memref<128x64xf32, #tpu.memory_space<vmem_shared>>
      %dma_start3A_113 = arith.constant 0 : i32
      %dma_start3A_114 = tpu.memref_slice %arg12[%add3A_16, %dma_start3A_113] : memref<10240x64xf32, #tpu.memory_space<vmem_shared>> -> memref<128x64xf32, #tpu.memory_space<vmem_shared>>
      tpu.enqueue_dma source(%arg8 : memref<128x64xf32, #tpu.memory_space<vmem>>) target(%dma_start3A_114 : memref<128x64xf32, #tpu.memory_space<vmem_shared>>) target_semaphore(%run_scoped3A : memref<!tpu.dma_semaphore, #tpu.memory_space<semaphore_mem>>)
      %dma_wait3A_115 = arith.constant 0 : i32
      %dma_wait3A_116 = tpu.memref_slice %arg12[%add3A_16, %dma_wait3A_115] : memref<10240x64xf32, #tpu.memory_space<vmem_shared>> -> memref<128x64xf32, #tpu.memory_space<vmem_shared>>
      %dma_wait3A_117 = arith.constant 0 : i32
      %dma_wait3A_118 = tpu.memref_slice %arg12[%add3A_16, %dma_wait3A_117] : memref<10240x64xf32, #tpu.memory_space<vmem_shared>> -> memref<128x64xf32, #tpu.memory_space<vmem_shared>>
      tpu.wait_dma2 semaphore(%run_scoped3A : memref<!tpu.dma_semaphore, #tpu.memory_space<semaphore_mem>>) src(%arg8 : memref<128x64xf32, #tpu.memory_space<vmem>>) dst(%dma_wait3A_118 : memref<128x64xf32, #tpu.memory_space<vmem_shared>>)
      tpu.yield
    }) : () -> ()
    %mul3A_17 = arith.constant 640 : i32
    %mul3A_18 = arith.muli %arg1, %mul3A_17 : i32
    %add3A_19 = arith.constant 128 : i32
    %add3A_20 = arith.addi %mul3A_18, %add3A_19 : i32
    "tpu.region"() ({
      %run_scoped3A = tpu.sem_alloc : memref<!tpu.dma_semaphore, #tpu.memory_space<semaphore_mem>>
      %dma_start3A_111 = arith.constant 0 : i32
      %dma_start3A_112 = tpu.memref_slice %arg12[%add3A_20, %dma_start3A_111] : memref<10240x64xf32, #tpu.memory_space<vmem_shared>> -> memref<128x64xf32, #tpu.memory_space<vmem_shared>>
      %dma_start3A_113 = arith.constant 0 : i32
      %dma_start3A_114 = tpu.memref_slice %arg12[%add3A_20, %dma_start3A_113] : memref<10240x64xf32, #tpu.memory_space<vmem_shared>> -> memref<128x64xf32, #tpu.memory_space<vmem_shared>>
      tpu.enqueue_dma source(%arg8 : memref<128x64xf32, #tpu.memory_space<vmem>>) target(%dma_start3A_114 : memref<128x64xf32, #tpu.memory_space<vmem_shared>>) target_semaphore(%run_scoped3A : memref<!tpu.dma_semaphore, #tpu.memory_space<semaphore_mem>>)
      %dma_wait3A_115 = arith.constant 0 : i32
      %dma_wait3A_116 = tpu.memref_slice %arg12[%add3A_20, %dma_wait3A_115] : memref<10240x64xf32, #tpu.memory_space<vmem_shared>> -> memref<128x64xf32, #tpu.memory_space<vmem_shared>>
      %dma_wait3A_117 = arith.constant 0 : i32
      %dma_wait3A_118 = tpu.memref_slice %arg12[%add3A_20, %dma_wait3A_117] : memref<10240x64xf32, #tpu.memory_space<vmem_shared>> -> memref<128x64xf32, #tpu.memory_space<vmem_shared>>
      tpu.wait_dma2 semaphore(%run_scoped3A : memref<!tpu.dma_semaphore, #tpu.memory_space<semaphore_mem>>) src(%arg8 : memref<128x64xf32, #tpu.memory_space<vmem>>) dst(%dma_wait3A_118 : memref<128x64xf32, #tpu.memory_space<vmem_shared>>)
      tpu.yield
    }) : () -> ()
    %mul3A_21 = arith.constant 640 : i32
    %mul3A_22 = arith.muli %arg1, %mul3A_21 : i32
    %add3A_23 = arith.constant 256 : i32
    %add3A_24 = arith.addi %mul3A_22, %add3A_23 : i32
    "tpu.region"() ({
      %run_scoped3A = tpu.sem_alloc : memref<!tpu.dma_semaphore, #tpu.memory_space<semaphore_mem>>
      %dma_start3A_111 = arith.constant 0 : i32
      %dma_start3A_112 = tpu.memref_slice %arg12[%add3A_24, %dma_start3A_111] : memref<10240x64xf32, #tpu.memory_space<vmem_shared>> -> memref<128x64xf32, #tpu.memory_space<vmem_shared>>
      %dma_start3A_113 = arith.constant 0 : i32
      %dma_start3A_114 = tpu.memref_slice %arg12[%add3A_24, %dma_start3A_113] : memref<10240x64xf32, #tpu.memory_space<vmem_shared>> -> memref<128x64xf32, #tpu.memory_space<vmem_shared>>
      tpu.enqueue_dma source(%arg8 : memref<128x64xf32, #tpu.memory_space<vmem>>) target(%dma_start3A_114 : memref<128x64xf32, #tpu.memory_space<vmem_shared>>) target_semaphore(%run_scoped3A : memref<!tpu.dma_semaphore, #tpu.memory_space<semaphore_mem>>)
      %dma_wait3A_115 = arith.constant 0 : i32
      %dma_wait3A_116 = tpu.memref_slice %arg12[%add3A_24, %dma_wait3A_115] : memref<10240x64xf32, #tpu.memory_space<vmem_shared>> -> memref<128x64xf32, #tpu.memory_space<vmem_shared>>
      %dma_wait3A_117 = arith.constant 0 : i32
      %dma_wait3A_118 = tpu.memref_slice %arg12[%add3A_24, %dma_wait3A_117] : memref<10240x64xf32, #tpu.memory_space<vmem_shared>> -> memref<128x64xf32, #tpu.memory_space<vmem_shared>>
      tpu.wait_dma2 semaphore(%run_scoped3A : memref<!tpu.dma_semaphore, #tpu.memory_space<semaphore_mem>>) src(%arg8 : memref<128x64xf32, #tpu.memory_space<vmem>>) dst(%dma_wait3A_118 : memref<128x64xf32, #tpu.memory_space<vmem_shared>>)
      tpu.yield
    }) : () -> ()
    %mul3A_25 = arith.constant 640 : i32
    %mul3A_26 = arith.muli %arg1, %mul3A_25 : i32
    %add3A_27 = arith.constant 384 : i32
    %add3A_28 = arith.addi %mul3A_26, %add3A_27 : i32
    "tpu.region"() ({
      %run_scoped3A = tpu.sem_alloc : memref<!tpu.dma_semaphore, #tpu.memory_space<semaphore_mem>>
      %dma_start3A_111 = arith.constant 0 : i32
      %dma_start3A_112 = tpu.memref_slice %arg12[%add3A_28, %dma_start3A_111] : memref<10240x64xf32, #tpu.memory_space<vmem_shared>> -> memref<128x64xf32, #tpu.memory_space<vmem_shared>>
      %dma_start3A_113 = arith.constant 0 : i32
      %dma_start3A_114 = tpu.memref_slice %arg12[%add3A_28, %dma_start3A_113] : memref<10240x64xf32, #tpu.memory_space<vmem_shared>> -> memref<128x64xf32, #tpu.memory_space<vmem_shared>>
      tpu.enqueue_dma source(%arg8 : memref<128x64xf32, #tpu.memory_space<vmem>>) target(%dma_start3A_114 : memref<128x64xf32, #tpu.memory_space<vmem_shared>>) target_semaphore(%run_scoped3A : memref<!tpu.dma_semaphore, #tpu.memory_space<semaphore_mem>>)
      %dma_wait3A_115 = arith.constant 0 : i32
      %dma_wait3A_116 = tpu.memref_slice %arg12[%add3A_28, %dma_wait3A_115] : memref<10240x64xf32, #tpu.memory_space<vmem_shared>> -> memref<128x64xf32, #tpu.memory_space<vmem_shared>>
      %dma_wait3A_117 = arith.constant 0 : i32
      %dma_wait3A_118 = tpu.memref_slice %arg12[%add3A_28, %dma_wait3A_117] : memref<10240x64xf32, #tpu.memory_space<vmem_shared>> -> memref<128x64xf32, #tpu.memory_space<vmem_shared>>
      tpu.wait_dma2 semaphore(%run_scoped3A : memref<!tpu.dma_semaphore, #tpu.memory_space<semaphore_mem>>) src(%arg8 : memref<128x64xf32, #tpu.memory_space<vmem>>) dst(%dma_wait3A_118 : memref<128x64xf32, #tpu.memory_space<vmem_shared>>)
      tpu.yield
    }) : () -> ()
    %mul3A_29 = arith.constant 640 : i32
    %mul3A_30 = arith.muli %arg1, %mul3A_29 : i32
    %add3A_31 = arith.constant 512 : i32
    %add3A_32 = arith.addi %mul3A_30, %add3A_31 : i32
    "tpu.region"() ({
      %run_scoped3A = tpu.sem_alloc : memref<!tpu.dma_semaphore, #tpu.memory_space<semaphore_mem>>
      %dma_start3A_111 = arith.constant 0 : i32
      %dma_start3A_112 = tpu.memref_slice %arg12[%add3A_32, %dma_start3A_111] : memref<10240x64xf32, #tpu.memory_space<vmem_shared>> -> memref<128x64xf32, #tpu.memory_space<vmem_shared>>
      %dma_start3A_113 = arith.constant 0 : i32
      %dma_start3A_114 = tpu.memref_slice %arg12[%add3A_32, %dma_start3A_113] : memref<10240x64xf32, #tpu.memory_space<vmem_shared>> -> memref<128x64xf32, #tpu.memory_space<vmem_shared>>
      tpu.enqueue_dma source(%arg8 : memref<128x64xf32, #tpu.memory_space<vmem>>) target(%dma_start3A_114 : memref<128x64xf32, #tpu.memory_space<vmem_shared>>) target_semaphore(%run_scoped3A : memref<!tpu.dma_semaphore, #tpu.memory_space<semaphore_mem>>)
      %dma_wait3A_115 = arith.constant 0 : i32
      %dma_wait3A_116 = tpu.memref_slice %arg12[%add3A_32, %dma_wait3A_115] : memref<10240x64xf32, #tpu.memory_space<vmem_shared>> -> memref<128x64xf32, #tpu.memory_space<vmem_shared>>
      %dma_wait3A_117 = arith.constant 0 : i32
      %dma_wait3A_118 = tpu.memref_slice %arg12[%add3A_32, %dma_wait3A_117] : memref<10240x64xf32, #tpu.memory_space<vmem_shared>> -> memref<128x64xf32, #tpu.memory_space<vmem_shared>>
      tpu.wait_dma2 semaphore(%run_scoped3A : memref<!tpu.dma_semaphore, #tpu.memory_space<semaphore_mem>>) src(%arg8 : memref<128x64xf32, #tpu.memory_space<vmem>>) dst(%dma_wait3A_118 : memref<128x64xf32, #tpu.memory_space<vmem_shared>>)
      tpu.yield
    }) : () -> ()
    %dma_wait3A = arith.constant 0 : i32
    %dma_wait3A_33 = tpu.memref_slice %arg13[%mul3A_2, %dma_wait3A] : memref<10240x64xf32, #tpu.memory_space<vmem_shared>> -> memref<640x64xf32, #tpu.memory_space<vmem_shared>>
    %dma_wait3A_34 = arith.constant 0 : i32
    %dma_wait3A_35 = tpu.memref_slice %arg4[%mul3A_2, %dma_wait3A_34] : memref<10240x64xf32, #tpu.memory_space<hbm>> -> memref<640x64xf32, #tpu.memory_space<hbm>>
    tpu.wait_dma2 semaphore(%arg15 : memref<!tpu.dma_semaphore, #tpu.memory_space<semaphore_mem>>) src(%dma_wait3A_35 : memref<640x64xf32, #tpu.memory_space<hbm>>) dst(%dma_wait3A_33 : memref<640x64xf32, #tpu.memory_space<vmem_shared>>)
    %barrier3A = arith.constant 0 : index
    tpu.barrier barrier_id(%barrier3A)
    "tpu.region"() ({
      %run_scoped3A = tpu.sem_alloc : memref<!tpu.dma_semaphore, #tpu.memory_space<semaphore_mem>>
      %dma_start3A_111 = arith.constant 0 : i32
      %dma_start3A_112 = arith.constant 0 : i32
      %dma_start3A_113 = tpu.memref_slice %arg2[%add3A, %dma_start3A_111, %dma_start3A_112] : memref<32x80x128xi32, #tpu.memory_space<hbm>> -> memref<1x40x128xi32, #tpu.memory_space<hbm>>
      %dma_start3A_114 = tpu.memref_squeeze %dma_start3A_113 : memref<1x40x128xi32, #tpu.memory_space<hbm>> -> memref<40x128xi32, #tpu.memory_space<hbm>>
      %dma_start3A_115 = arith.constant 0 : i32
      %dma_start3A_116 = arith.constant 0 : i32
      %dma_start3A_117 = tpu.memref_slice %arg2[%add3A, %dma_start3A_115, %dma_start3A_116] : memref<32x80x128xi32, #tpu.memory_space<hbm>> -> memref<1x40x128xi32, #tpu.memory_space<hbm>>
      %dma_start3A_118 = tpu.memref_squeeze %dma_start3A_117 : memref<1x40x128xi32, #tpu.memory_space<hbm>> -> memref<40x128xi32, #tpu.memory_space<hbm>>
      tpu.enqueue_dma source(%dma_start3A_118 : memref<40x128xi32, #tpu.memory_space<hbm>>) target(%arg6 : memref<40x128xi32, #tpu.memory_space<vmem>>) target_semaphore(%run_scoped3A : memref<!tpu.dma_semaphore, #tpu.memory_space<semaphore_mem>>)
      %dma_wait3A_119 = arith.constant 0 : i32
      %dma_wait3A_120 = arith.constant 0 : i32
      %dma_wait3A_121 = tpu.memref_slice %arg2[%add3A, %dma_wait3A_119, %dma_wait3A_120] : memref<32x80x128xi32, #tpu.memory_space<hbm>> -> memref<1x40x128xi32, #tpu.memory_space<hbm>>
      %dma_wait3A_122 = tpu.memref_squeeze %dma_wait3A_121 : memref<1x40x128xi32, #tpu.memory_space<hbm>> -> memref<40x128xi32, #tpu.memory_space<hbm>>
      %dma_wait3A_123 = arith.constant 0 : i32
      %dma_wait3A_124 = arith.constant 0 : i32
      %dma_wait3A_125 = tpu.memref_slice %arg2[%add3A, %dma_wait3A_123, %dma_wait3A_124] : memref<32x80x128xi32, #tpu.memory_space<hbm>> -> memref<1x40x128xi32, #tpu.memory_space<hbm>>
      %dma_wait3A_126 = tpu.memref_squeeze %dma_wait3A_125 : memref<1x40x128xi32, #tpu.memory_space<hbm>> -> memref<40x128xi32, #tpu.memory_space<hbm>>
      tpu.wait_dma2 semaphore(%run_scoped3A : memref<!tpu.dma_semaphore, #tpu.memory_space<semaphore_mem>>) src(%dma_wait3A_126 : memref<40x128xi32, #tpu.memory_space<hbm>>) dst(%arg6 : memref<40x128xi32, #tpu.memory_space<vmem>>)
      tpu.yield
    }) : () -> ()
    "tpu.region"() ({
      %run_scoped3A = tpu.sem_alloc : memref<!tpu.dma_semaphore, #tpu.memory_space<semaphore_mem>>
      %dma_start3A_111 = arith.constant 0 : i32
      %dma_start3A_112 = arith.constant 0 : i32
      %dma_start3A_113 = tpu.memref_slice %arg3[%add3A, %dma_start3A_111, %dma_start3A_112] : memref<32x80x128xi32, #tpu.memory_space<hbm>> -> memref<1x40x128xi32, #tpu.memory_space<hbm>>
      %dma_start3A_114 = tpu.memref_squeeze %dma_start3A_113 : memref<1x40x128xi32, #tpu.memory_space<hbm>> -> memref<40x128xi32, #tpu.memory_space<hbm>>
      %dma_start3A_115 = arith.constant 0 : i32
      %dma_start3A_116 = arith.constant 0 : i32
      %dma_start3A_117 = tpu.memref_slice %arg3[%add3A, %dma_start3A_115, %dma_start3A_116] : memref<32x80x128xi32, #tpu.memory_space<hbm>> -> memref<1x40x128xi32, #tpu.memory_space<hbm>>
      %dma_start3A_118 = tpu.memref_squeeze %dma_start3A_117 : memref<1x40x128xi32, #tpu.memory_space<hbm>> -> memref<40x128xi32, #tpu.memory_space<hbm>>
      tpu.enqueue_dma source(%dma_start3A_118 : memref<40x128xi32, #tpu.memory_space<hbm>>) target(%arg7 : memref<40x128xi32, #tpu.memory_space<vmem>>) target_semaphore(%run_scoped3A : memref<!tpu.dma_semaphore, #tpu.memory_space<semaphore_mem>>)
      %dma_wait3A_119 = arith.constant 0 : i32
      %dma_wait3A_120 = arith.constant 0 : i32
      %dma_wait3A_121 = tpu.memref_slice %arg3[%add3A, %dma_wait3A_119, %dma_wait3A_120] : memref<32x80x128xi32, #tpu.memory_space<hbm>> -> memref<1x40x128xi32, #tpu.memory_space<hbm>>
      %dma_wait3A_122 = tpu.memref_squeeze %dma_wait3A_121 : memref<1x40x128xi32, #tpu.memory_space<hbm>> -> memref<40x128xi32, #tpu.memory_space<hbm>>
      %dma_wait3A_123 = arith.constant 0 : i32
      %dma_wait3A_124 = arith.constant 0 : i32
      %dma_wait3A_125 = tpu.memref_slice %arg3[%add3A, %dma_wait3A_123, %dma_wait3A_124] : memref<32x80x128xi32, #tpu.memory_space<hbm>> -> memref<1x40x128xi32, #tpu.memory_space<hbm>>
      %dma_wait3A_126 = tpu.memref_squeeze %dma_wait3A_125 : memref<1x40x128xi32, #tpu.memory_space<hbm>> -> memref<40x128xi32, #tpu.memory_space<hbm>>
      tpu.wait_dma2 semaphore(%run_scoped3A : memref<!tpu.dma_semaphore, #tpu.memory_space<semaphore_mem>>) src(%dma_wait3A_126 : memref<40x128xi32, #tpu.memory_space<hbm>>) dst(%arg7 : memref<40x128xi32, #tpu.memory_space<vmem>>)
      tpu.yield
    }) : () -> ()
    %dma_start3A_36 = arith.constant 0 : i32
    %dma_start3A_37 = arith.constant 0 : i32
    %dma_start3A_38 = tpu.memref_slice %arg6[%dma_start3A_36, %dma_start3A_37] : memref<40x128xi32, #tpu.memory_space<vmem>> -> memref<1x128xi32, #tpu.memory_space<vmem>>
    %dma_start3A_39 = tpu.memref_squeeze %dma_start3A_38 : memref<1x128xi32, #tpu.memory_space<vmem>> -> memref<128xi32, #tpu.memory_space<vmem>>
    %dma_start3A_40 = arith.constant 0 : i32
    %dma_start3A_41 = arith.constant 0 : i32
    %dma_start3A_42 = tpu.memref_slice %arg13[%dma_start3A_40, %dma_start3A_41] : memref<10240x64xf32, #tpu.memory_space<vmem_shared>> -> memref<10240x64xf32, #tpu.memory_space<vmem_shared>>
    tpu.enqueue_indirect_dma source(%dma_start3A_42 : memref<10240x64xf32, #tpu.memory_space<vmem_shared>>) target(%arg8 : memref<128x64xf32, #tpu.memory_space<vmem>>) offsets(%dma_start3A_39 : memref<128xi32, #tpu.memory_space<vmem>>) semaphore(%arg14 : memref<!tpu.dma_semaphore, #tpu.memory_space<semaphore_mem>>)
    %dma_start3A_43 = arith.constant 1 : i32
    %dma_start3A_44 = arith.constant 0 : i32
    %dma_start3A_45 = tpu.memref_slice %arg6[%dma_start3A_43, %dma_start3A_44] : memref<40x128xi32, #tpu.memory_space<vmem>> -> memref<1x128xi32, #tpu.memory_space<vmem>>
    %dma_start3A_46 = tpu.memref_squeeze %dma_start3A_45 : memref<1x128xi32, #tpu.memory_space<vmem>> -> memref<128xi32, #tpu.memory_space<vmem>>
    %dma_start3A_47 = arith.constant 0 : i32
    %dma_start3A_48 = arith.constant 0 : i32
    %dma_start3A_49 = tpu.memref_slice %arg13[%dma_start3A_47, %dma_start3A_48] : memref<10240x64xf32, #tpu.memory_space<vmem_shared>> -> memref<10240x64xf32, #tpu.memory_space<vmem_shared>>
    tpu.enqueue_indirect_dma source(%dma_start3A_49 : memref<10240x64xf32, #tpu.memory_space<vmem_shared>>) target(%arg10 : memref<128x64xf32, #tpu.memory_space<vmem>>) offsets(%dma_start3A_46 : memref<128xi32, #tpu.memory_space<vmem>>) semaphore(%arg18 : memref<!tpu.dma_semaphore, #tpu.memory_space<semaphore_mem>>)
    %scan3A_50 = arith.constant 0 : i32
    %scan3A_51 = arith.constant 0 : i32
    %scan3A_52 = arith.constant 10 : i32
    %scan3A_53 = arith.addi %scan3A_51, %scan3A_52 : i32
    %scan3A_54 = arith.constant 1 : i32
    %scan3A_55 = scf.for %scan3A_111 = %scan3A_51 to %scan3A_53 step %scan3A_54 iter_args(%scan3A_112 = %scan3A_50) -> (i32)  : i32 {
      %mul3A_113 = arith.constant 4 : i32
      %mul3A_114 = arith.muli %mul3A_113, %scan3A_111 : i32
      %add3A_115 = arith.constant 0 : i32
      %add3A_116 = arith.addi %mul3A_114, %add3A_115 : i32
      %add3A_117 = arith.constant 2 : i32
      %add3A_118 = arith.addi %add3A_116, %add3A_117 : i32
      %dma_wait3A_119 = arith.constant 0 : i32
      %dma_wait3A_120 = tpu.memref_slice %arg6[%add3A_116, %dma_wait3A_119] : memref<40x128xi32, #tpu.memory_space<vmem>> -> memref<1x128xi32, #tpu.memory_space<vmem>>
      %dma_wait3A_121 = tpu.memref_squeeze %dma_wait3A_120 : memref<1x128xi32, #tpu.memory_space<vmem>> -> memref<128xi32, #tpu.memory_space<vmem>>
      %dma_wait3A_122 = arith.constant 0 : i32
      %dma_wait3A_123 = arith.constant 0 : i32
      %dma_wait3A_124 = tpu.memref_slice %arg13[%dma_wait3A_122, %dma_wait3A_123] : memref<10240x64xf32, #tpu.memory_space<vmem_shared>> -> memref<10240x64xf32, #tpu.memory_space<vmem_shared>>
      tpu.wait_indirect_dma semaphore(%arg14 : memref<!tpu.dma_semaphore, #tpu.memory_space<semaphore_mem>>) src(%dma_wait3A_124 : memref<10240x64xf32, #tpu.memory_space<vmem_shared>>) dst(%arg8 : memref<128x64xf32, #tpu.memory_space<vmem>>)
      %gt3A = arith.constant 0 : i32
      %gt3A_125 = arith.cmpi sgt, %scan3A_111, %gt3A : i32
      %convert_element_type3A = arith.extui %gt3A_125 : i1 to i32
      %cond3A = arith.constant 0 : i32
      %cond3A_126 = arith.cmpi ne, %convert_element_type3A, %cond3A : i32
      scf.if %cond3A_126 {
        %dma_wait3A_214 = arith.constant 0 : i32
        %dma_wait3A_215 = tpu.memref_slice %arg7[%add3A_118, %dma_wait3A_214] : memref<40x128xi32, #tpu.memory_space<vmem>> -> memref<1x128xi32, #tpu.memory_space<vmem>>
        %dma_wait3A_216 = tpu.memref_squeeze %dma_wait3A_215 : memref<1x128xi32, #tpu.memory_space<vmem>> -> memref<128xi32, #tpu.memory_space<vmem>>
        %dma_wait3A_217 = arith.constant 0 : i32
        %dma_wait3A_218 = arith.constant 0 : i32
        %dma_wait3A_219 = tpu.memref_slice %arg12[%dma_wait3A_217, %dma_wait3A_218] : memref<10240x64xf32, #tpu.memory_space<vmem_shared>> -> memref<10240x64xf32, #tpu.memory_space<vmem_shared>>
        tpu.wait_indirect_dma semaphore(%arg17 : memref<!tpu.dma_semaphore, #tpu.memory_space<semaphore_mem>>) src(%arg9 : memref<128x64xf32, #tpu.memory_space<vmem>>) dst(%dma_wait3A_219 : memref<10240x64xf32, #tpu.memory_space<vmem_shared>>)
      } else {
      }
      %dma_start3A_127 = arith.constant 0 : i32
      %dma_start3A_128 = tpu.memref_slice %arg6[%add3A_118, %dma_start3A_127] : memref<40x128xi32, #tpu.memory_space<vmem>> -> memref<1x128xi32, #tpu.memory_space<vmem>>
      %dma_start3A_129 = tpu.memref_squeeze %dma_start3A_128 : memref<1x128xi32, #tpu.memory_space<vmem>> -> memref<128xi32, #tpu.memory_space<vmem>>
      %dma_start3A_130 = arith.constant 0 : i32
      %dma_start3A_131 = arith.constant 0 : i32
      %dma_start3A_132 = tpu.memref_slice %arg13[%dma_start3A_130, %dma_start3A_131] : memref<10240x64xf32, #tpu.memory_space<vmem_shared>> -> memref<10240x64xf32, #tpu.memory_space<vmem_shared>>
      tpu.enqueue_indirect_dma source(%dma_start3A_132 : memref<10240x64xf32, #tpu.memory_space<vmem_shared>>) target(%arg9 : memref<128x64xf32, #tpu.memory_space<vmem>>) offsets(%dma_start3A_129 : memref<128xi32, #tpu.memory_space<vmem>>) semaphore(%arg15 : memref<!tpu.dma_semaphore, #tpu.memory_space<semaphore_mem>>)
      %dma_start3A_133 = arith.constant 0 : i32
      %dma_start3A_134 = tpu.memref_slice %arg7[%add3A_116, %dma_start3A_133] : memref<40x128xi32, #tpu.memory_space<vmem>> -> memref<1x128xi32, #tpu.memory_space<vmem>>
      %dma_start3A_135 = tpu.memref_squeeze %dma_start3A_134 : memref<1x128xi32, #tpu.memory_space<vmem>> -> memref<128xi32, #tpu.memory_space<vmem>>
      %dma_start3A_136 = arith.constant 0 : i32
      %dma_start3A_137 = arith.constant 0 : i32
      %dma_start3A_138 = tpu.memref_slice %arg12[%dma_start3A_136, %dma_start3A_137] : memref<10240x64xf32, #tpu.memory_space<vmem_shared>> -> memref<10240x64xf32, #tpu.memory_space<vmem_shared>>
      tpu.enqueue_indirect_dma source(%arg8 : memref<128x64xf32, #tpu.memory_space<vmem>>) target(%dma_start3A_138 : memref<10240x64xf32, #tpu.memory_space<vmem_shared>>) offsets(%dma_start3A_135 : memref<128xi32, #tpu.memory_space<vmem>>) semaphore(%arg16 : memref<!tpu.dma_semaphore, #tpu.memory_space<semaphore_mem>>) {add = true}
      %dma_wait3A_139 = arith.constant 0 : i32
      %dma_wait3A_140 = tpu.memref_slice %arg6[%add3A_118, %dma_wait3A_139] : memref<40x128xi32, #tpu.memory_space<vmem>> -> memref<1x128xi32, #tpu.memory_space<vmem>>
      %dma_wait3A_141 = tpu.memref_squeeze %dma_wait3A_140 : memref<1x128xi32, #tpu.memory_space<vmem>> -> memref<128xi32, #tpu.memory_space<vmem>>
      %dma_wait3A_142 = arith.constant 0 : i32
      %dma_wait3A_143 = arith.constant 0 : i32
      %dma_wait3A_144 = tpu.memref_slice %arg13[%dma_wait3A_142, %dma_wait3A_143] : memref<10240x64xf32, #tpu.memory_space<vmem_shared>> -> memref<10240x64xf32, #tpu.memory_space<vmem_shared>>
      tpu.wait_indirect_dma semaphore(%arg15 : memref<!tpu.dma_semaphore, #tpu.memory_space<semaphore_mem>>) src(%dma_wait3A_144 : memref<10240x64xf32, #tpu.memory_space<vmem_shared>>) dst(%arg9 : memref<128x64xf32, #tpu.memory_space<vmem>>)
      %dma_wait3A_145 = arith.constant 0 : i32
      %dma_wait3A_146 = tpu.memref_slice %arg7[%add3A_116, %dma_wait3A_145] : memref<40x128xi32, #tpu.memory_space<vmem>> -> memref<1x128xi32, #tpu.memory_space<vmem>>
      %dma_wait3A_147 = tpu.memref_squeeze %dma_wait3A_146 : memref<1x128xi32, #tpu.memory_space<vmem>> -> memref<128xi32, #tpu.memory_space<vmem>>
      %dma_wait3A_148 = arith.constant 0 : i32
      %dma_wait3A_149 = arith.constant 0 : i32
      %dma_wait3A_150 = tpu.memref_slice %arg12[%dma_wait3A_148, %dma_wait3A_149] : memref<10240x64xf32, #tpu.memory_space<vmem_shared>> -> memref<10240x64xf32, #tpu.memory_space<vmem_shared>>
      tpu.wait_indirect_dma semaphore(%arg16 : memref<!tpu.dma_semaphore, #tpu.memory_space<semaphore_mem>>) src(%arg8 : memref<128x64xf32, #tpu.memory_space<vmem>>) dst(%dma_wait3A_150 : memref<10240x64xf32, #tpu.memory_space<vmem_shared>>)
      %lt3A = arith.constant 9 : i32
      %lt3A_151 = arith.cmpi slt, %scan3A_111, %lt3A : i32
      %convert_element_type3A_152 = arith.extui %lt3A_151 : i1 to i32
      %cond3A_153 = arith.constant 0 : i32
      %cond3A_154 = arith.cmpi ne, %convert_element_type3A_152, %cond3A_153 : i32
      scf.if %cond3A_154 {
        %add3A_214 = arith.constant 4 : i32
        %add3A_215 = arith.addi %add3A_116, %add3A_214 : i32
        %dma_start3A_216 = arith.constant 0 : i32
        %dma_start3A_217 = tpu.memref_slice %arg6[%add3A_215, %dma_start3A_216] : memref<40x128xi32, #tpu.memory_space<vmem>> -> memref<1x128xi32, #tpu.memory_space<vmem>>
        %dma_start3A_218 = tpu.memref_squeeze %dma_start3A_217 : memref<1x128xi32, #tpu.memory_space<vmem>> -> memref<128xi32, #tpu.memory_space<vmem>>
        %dma_start3A_219 = arith.constant 0 : i32
        %dma_start3A_220 = arith.constant 0 : i32
        %dma_start3A_221 = tpu.memref_slice %arg13[%dma_start3A_219, %dma_start3A_220] : memref<10240x64xf32, #tpu.memory_space<vmem_shared>> -> memref<10240x64xf32, #tpu.memory_space<vmem_shared>>
        tpu.enqueue_indirect_dma source(%dma_start3A_221 : memref<10240x64xf32, #tpu.memory_space<vmem_shared>>) target(%arg8 : memref<128x64xf32, #tpu.memory_space<vmem>>) offsets(%dma_start3A_218 : memref<128xi32, #tpu.memory_space<vmem>>) semaphore(%arg14 : memref<!tpu.dma_semaphore, #tpu.memory_space<semaphore_mem>>)
      } else {
      }
      %dma_start3A_155 = arith.constant 0 : i32
      %dma_start3A_156 = tpu.memref_slice %arg7[%add3A_118, %dma_start3A_155] : memref<40x128xi32, #tpu.memory_space<vmem>> -> memref<1x128xi32, #tpu.memory_space<vmem>>
      %dma_start3A_157 = tpu.memref_squeeze %dma_start3A_156 : memref<1x128xi32, #tpu.memory_space<vmem>> -> memref<128xi32, #tpu.memory_space<vmem>>
      %dma_start3A_158 = arith.constant 0 : i32
      %dma_start3A_159 = arith.constant 0 : i32
      %dma_start3A_160 = tpu.memref_slice %arg12[%dma_start3A_158, %dma_start3A_159] : memref<10240x64xf32, #tpu.memory_space<vmem_shared>> -> memref<10240x64xf32, #tpu.memory_space<vmem_shared>>
      tpu.enqueue_indirect_dma source(%arg9 : memref<128x64xf32, #tpu.memory_space<vmem>>) target(%dma_start3A_160 : memref<10240x64xf32, #tpu.memory_space<vmem_shared>>) offsets(%dma_start3A_157 : memref<128xi32, #tpu.memory_space<vmem>>) semaphore(%arg17 : memref<!tpu.dma_semaphore, #tpu.memory_space<semaphore_mem>>) {add = true}
      %mul3A_161 = arith.constant 4 : i32
      %mul3A_162 = arith.muli %mul3A_161, %scan3A_111 : i32
      %add3A_163 = arith.constant 1 : i32
      %add3A_164 = arith.addi %mul3A_162, %add3A_163 : i32
      %add3A_165 = arith.constant 2 : i32
      %add3A_166 = arith.addi %add3A_164, %add3A_165 : i32
      %dma_wait3A_167 = arith.constant 0 : i32
      %dma_wait3A_168 = tpu.memref_slice %arg6[%add3A_164, %dma_wait3A_167] : memref<40x128xi32, #tpu.memory_space<vmem>> -> memref<1x128xi32, #tpu.memory_space<vmem>>
      %dma_wait3A_169 = tpu.memref_squeeze %dma_wait3A_168 : memref<1x128xi32, #tpu.memory_space<vmem>> -> memref<128xi32, #tpu.memory_space<vmem>>
      %dma_wait3A_170 = arith.constant 0 : i32
      %dma_wait3A_171 = arith.constant 0 : i32
      %dma_wait3A_172 = tpu.memref_slice %arg13[%dma_wait3A_170, %dma_wait3A_171] : memref<10240x64xf32, #tpu.memory_space<vmem_shared>> -> memref<10240x64xf32, #tpu.memory_space<vmem_shared>>
      tpu.wait_indirect_dma semaphore(%arg18 : memref<!tpu.dma_semaphore, #tpu.memory_space<semaphore_mem>>) src(%dma_wait3A_172 : memref<10240x64xf32, #tpu.memory_space<vmem_shared>>) dst(%arg10 : memref<128x64xf32, #tpu.memory_space<vmem>>)
      %gt3A_173 = arith.constant 0 : i32
      %gt3A_174 = arith.cmpi sgt, %scan3A_111, %gt3A_173 : i32
      %convert_element_type3A_175 = arith.extui %gt3A_174 : i1 to i32
      %cond3A_176 = arith.constant 0 : i32
      %cond3A_177 = arith.cmpi ne, %convert_element_type3A_175, %cond3A_176 : i32
      scf.if %cond3A_177 {
        %dma_wait3A_214 = arith.constant 0 : i32
        %dma_wait3A_215 = tpu.memref_slice %arg7[%add3A_166, %dma_wait3A_214] : memref<40x128xi32, #tpu.memory_space<vmem>> -> memref<1x128xi32, #tpu.memory_space<vmem>>
        %dma_wait3A_216 = tpu.memref_squeeze %dma_wait3A_215 : memref<1x128xi32, #tpu.memory_space<vmem>> -> memref<128xi32, #tpu.memory_space<vmem>>
        %dma_wait3A_217 = arith.constant 0 : i32
        %dma_wait3A_218 = arith.constant 0 : i32
        %dma_wait3A_219 = tpu.memref_slice %arg12[%dma_wait3A_217, %dma_wait3A_218] : memref<10240x64xf32, #tpu.memory_space<vmem_shared>> -> memref<10240x64xf32, #tpu.memory_space<vmem_shared>>
        tpu.wait_indirect_dma semaphore(%arg21 : memref<!tpu.dma_semaphore, #tpu.memory_space<semaphore_mem>>) src(%arg11 : memref<128x64xf32, #tpu.memory_space<vmem>>) dst(%dma_wait3A_219 : memref<10240x64xf32, #tpu.memory_space<vmem_shared>>)
      } else {
      }
      %dma_start3A_178 = arith.constant 0 : i32
      %dma_start3A_179 = tpu.memref_slice %arg6[%add3A_166, %dma_start3A_178] : memref<40x128xi32, #tpu.memory_space<vmem>> -> memref<1x128xi32, #tpu.memory_space<vmem>>
      %dma_start3A_180 = tpu.memref_squeeze %dma_start3A_179 : memref<1x128xi32, #tpu.memory_space<vmem>> -> memref<128xi32, #tpu.memory_space<vmem>>
      %dma_start3A_181 = arith.constant 0 : i32
      %dma_start3A_182 = arith.constant 0 : i32
      %dma_start3A_183 = tpu.memref_slice %arg13[%dma_start3A_181, %dma_start3A_182] : memref<10240x64xf32, #tpu.memory_space<vmem_shared>> -> memref<10240x64xf32, #tpu.memory_space<vmem_shared>>
      tpu.enqueue_indirect_dma source(%dma_start3A_183 : memref<10240x64xf32, #tpu.memory_space<vmem_shared>>) target(%arg11 : memref<128x64xf32, #tpu.memory_space<vmem>>) offsets(%dma_start3A_180 : memref<128xi32, #tpu.memory_space<vmem>>) semaphore(%arg19 : memref<!tpu.dma_semaphore, #tpu.memory_space<semaphore_mem>>)
      %dma_start3A_184 = arith.constant 0 : i32
      %dma_start3A_185 = tpu.memref_slice %arg7[%add3A_164, %dma_start3A_184] : memref<40x128xi32, #tpu.memory_space<vmem>> -> memref<1x128xi32, #tpu.memory_space<vmem>>
      %dma_start3A_186 = tpu.memref_squeeze %dma_start3A_185 : memref<1x128xi32, #tpu.memory_space<vmem>> -> memref<128xi32, #tpu.memory_space<vmem>>
      %dma_start3A_187 = arith.constant 0 : i32
      %dma_start3A_188 = arith.constant 0 : i32
      %dma_start3A_189 = tpu.memref_slice %arg12[%dma_start3A_187, %dma_start3A_188] : memref<10240x64xf32, #tpu.memory_space<vmem_shared>> -> memref<10240x64xf32, #tpu.memory_space<vmem_shared>>
      tpu.enqueue_indirect_dma source(%arg10 : memref<128x64xf32, #tpu.memory_space<vmem>>) target(%dma_start3A_189 : memref<10240x64xf32, #tpu.memory_space<vmem_shared>>) offsets(%dma_start3A_186 : memref<128xi32, #tpu.memory_space<vmem>>) semaphore(%arg20 : memref<!tpu.dma_semaphore, #tpu.memory_space<semaphore_mem>>) {add = true}
      %dma_wait3A_190 = arith.constant 0 : i32
      %dma_wait3A_191 = tpu.memref_slice %arg6[%add3A_166, %dma_wait3A_190] : memref<40x128xi32, #tpu.memory_space<vmem>> -> memref<1x128xi32, #tpu.memory_space<vmem>>
      %dma_wait3A_192 = tpu.memref_squeeze %dma_wait3A_191 : memref<1x128xi32, #tpu.memory_space<vmem>> -> memref<128xi32, #tpu.memory_space<vmem>>
      %dma_wait3A_193 = arith.constant 0 : i32
      %dma_wait3A_194 = arith.constant 0 : i32
      %dma_wait3A_195 = tpu.memref_slice %arg13[%dma_wait3A_193, %dma_wait3A_194] : memref<10240x64xf32, #tpu.memory_space<vmem_shared>> -> memref<10240x64xf32, #tpu.memory_space<vmem_shared>>
      tpu.wait_indirect_dma semaphore(%arg19 : memref<!tpu.dma_semaphore, #tpu.memory_space<semaphore_mem>>) src(%dma_wait3A_195 : memref<10240x64xf32, #tpu.memory_space<vmem_shared>>) dst(%arg11 : memref<128x64xf32, #tpu.memory_space<vmem>>)
      %dma_wait3A_196 = arith.constant 0 : i32
      %dma_wait3A_197 = tpu.memref_slice %arg7[%add3A_164, %dma_wait3A_196] : memref<40x128xi32, #tpu.memory_space<vmem>> -> memref<1x128xi32, #tpu.memory_space<vmem>>
      %dma_wait3A_198 = tpu.memref_squeeze %dma_wait3A_197 : memref<1x128xi32, #tpu.memory_space<vmem>> -> memref<128xi32, #tpu.memory_space<vmem>>
      %dma_wait3A_199 = arith.constant 0 : i32
      %dma_wait3A_200 = arith.constant 0 : i32
      %dma_wait3A_201 = tpu.memref_slice %arg12[%dma_wait3A_199, %dma_wait3A_200] : memref<10240x64xf32, #tpu.memory_space<vmem_shared>> -> memref<10240x64xf32, #tpu.memory_space<vmem_shared>>
      tpu.wait_indirect_dma semaphore(%arg20 : memref<!tpu.dma_semaphore, #tpu.memory_space<semaphore_mem>>) src(%arg10 : memref<128x64xf32, #tpu.memory_space<vmem>>) dst(%dma_wait3A_201 : memref<10240x64xf32, #tpu.memory_space<vmem_shared>>)
      %lt3A_202 = arith.constant 9 : i32
      %lt3A_203 = arith.cmpi slt, %scan3A_111, %lt3A_202 : i32
      %convert_element_type3A_204 = arith.extui %lt3A_203 : i1 to i32
      %cond3A_205 = arith.constant 0 : i32
      %cond3A_206 = arith.cmpi ne, %convert_element_type3A_204, %cond3A_205 : i32
      scf.if %cond3A_206 {
        %add3A_214 = arith.constant 4 : i32
        %add3A_215 = arith.addi %add3A_164, %add3A_214 : i32
        %dma_start3A_216 = arith.constant 0 : i32
        %dma_start3A_217 = tpu.memref_slice %arg6[%add3A_215, %dma_start3A_216] : memref<40x128xi32, #tpu.memory_space<vmem>> -> memref<1x128xi32, #tpu.memory_space<vmem>>
        %dma_start3A_218 = tpu.memref_squeeze %dma_start3A_217 : memref<1x128xi32, #tpu.memory_space<vmem>> -> memref<128xi32, #tpu.memory_space<vmem>>
        %dma_start3A_219 = arith.constant 0 : i32
        %dma_start3A_220 = arith.constant 0 : i32
        %dma_start3A_221 = tpu.memref_slice %arg13[%dma_start3A_219, %dma_start3A_220] : memref<10240x64xf32, #tpu.memory_space<vmem_shared>> -> memref<10240x64xf32, #tpu.memory_space<vmem_shared>>
        tpu.enqueue_indirect_dma source(%dma_start3A_221 : memref<10240x64xf32, #tpu.memory_space<vmem_shared>>) target(%arg10 : memref<128x64xf32, #tpu.memory_space<vmem>>) offsets(%dma_start3A_218 : memref<128xi32, #tpu.memory_space<vmem>>) semaphore(%arg18 : memref<!tpu.dma_semaphore, #tpu.memory_space<semaphore_mem>>)
      } else {
      }
      %dma_start3A_207 = arith.constant 0 : i32
      %dma_start3A_208 = tpu.memref_slice %arg7[%add3A_166, %dma_start3A_207] : memref<40x128xi32, #tpu.memory_space<vmem>> -> memref<1x128xi32, #tpu.memory_space<vmem>>
      %dma_start3A_209 = tpu.memref_squeeze %dma_start3A_208 : memref<1x128xi32, #tpu.memory_space<vmem>> -> memref<128xi32, #tpu.memory_space<vmem>>
      %dma_start3A_210 = arith.constant 0 : i32
      %dma_start3A_211 = arith.constant 0 : i32
      %dma_start3A_212 = tpu.memref_slice %arg12[%dma_start3A_210, %dma_start3A_211] : memref<10240x64xf32, #tpu.memory_space<vmem_shared>> -> memref<10240x64xf32, #tpu.memory_space<vmem_shared>>
      tpu.enqueue_indirect_dma source(%arg11 : memref<128x64xf32, #tpu.memory_space<vmem>>) target(%dma_start3A_212 : memref<10240x64xf32, #tpu.memory_space<vmem_shared>>) offsets(%dma_start3A_209 : memref<128xi32, #tpu.memory_space<vmem>>) semaphore(%arg21 : memref<!tpu.dma_semaphore, #tpu.memory_space<semaphore_mem>>) {add = true}
      %scan3A_213 = arith.constant 0 : i32
      scf.yield %scan3A_213 : i32
    }
    %scan3A_56 = arith.constant 10 : i32
    %dma_wait3A_57 = arith.constant 38 : i32
    %dma_wait3A_58 = arith.constant 0 : i32
    %dma_wait3A_59 = tpu.memref_slice %arg7[%dma_wait3A_57, %dma_wait3A_58] : memref<40x128xi32, #tpu.memory_space<vmem>> -> memref<1x128xi32, #tpu.memory_space<vmem>>
    %dma_wait3A_60 = tpu.memref_squeeze %dma_wait3A_59 : memref<1x128xi32, #tpu.memory_space<vmem>> -> memref<128xi32, #tpu.memory_space<vmem>>
    %dma_wait3A_61 = arith.constant 0 : i32
    %dma_wait3A_62 = arith.constant 0 : i32
    %dma_wait3A_63 = tpu.memref_slice %arg12[%dma_wait3A_61, %dma_wait3A_62] : memref<10240x64xf32, #tpu.memory_space<vmem_shared>> -> memref<10240x64xf32, #tpu.memory_space<vmem_shared>>
    tpu.wait_indirect_dma semaphore(%arg17 : memref<!tpu.dma_semaphore, #tpu.memory_space<semaphore_mem>>) src(%arg9 : memref<128x64xf32, #tpu.memory_space<vmem>>) dst(%dma_wait3A_63 : memref<10240x64xf32, #tpu.memory_space<vmem_shared>>)
    %dma_wait3A_64 = arith.constant 39 : i32
    %dma_wait3A_65 = arith.constant 0 : i32
    %dma_wait3A_66 = tpu.memref_slice %arg7[%dma_wait3A_64, %dma_wait3A_65] : memref<40x128xi32, #tpu.memory_space<vmem>> -> memref<1x128xi32, #tpu.memory_space<vmem>>
    %dma_wait3A_67 = tpu.memref_squeeze %dma_wait3A_66 : memref<1x128xi32, #tpu.memory_space<vmem>> -> memref<128xi32, #tpu.memory_space<vmem>>
    %dma_wait3A_68 = arith.constant 0 : i32
    %dma_wait3A_69 = arith.constant 0 : i32
    %dma_wait3A_70 = tpu.memref_slice %arg12[%dma_wait3A_68, %dma_wait3A_69] : memref<10240x64xf32, #tpu.memory_space<vmem_shared>> -> memref<10240x64xf32, #tpu.memory_space<vmem_shared>>
    tpu.wait_indirect_dma semaphore(%arg21 : memref<!tpu.dma_semaphore, #tpu.memory_space<semaphore_mem>>) src(%arg11 : memref<128x64xf32, #tpu.memory_space<vmem>>) dst(%dma_wait3A_70 : memref<10240x64xf32, #tpu.memory_space<vmem_shared>>)
    "tpu.region"() ({
      %run_scoped3A = tpu.sem_alloc : memref<!tpu.dma_semaphore, #tpu.memory_space<semaphore_mem>>
      %dma_start3A_111 = arith.constant 40 : i32
      %dma_start3A_112 = arith.constant 0 : i32
      %dma_start3A_113 = tpu.memref_slice %arg2[%add3A, %dma_start3A_111, %dma_start3A_112] : memref<32x80x128xi32, #tpu.memory_space<hbm>> -> memref<1x40x128xi32, #tpu.memory_space<hbm>>
      %dma_start3A_114 = tpu.memref_squeeze %dma_start3A_113 : memref<1x40x128xi32, #tpu.memory_space<hbm>> -> memref<40x128xi32, #tpu.memory_space<hbm>>
      %dma_start3A_115 = arith.constant 40 : i32
      %dma_start3A_116 = arith.constant 0 : i32
      %dma_start3A_117 = tpu.memref_slice %arg2[%add3A, %dma_start3A_115, %dma_start3A_116] : memref<32x80x128xi32, #tpu.memory_space<hbm>> -> memref<1x40x128xi32, #tpu.memory_space<hbm>>
      %dma_start3A_118 = tpu.memref_squeeze %dma_start3A_117 : memref<1x40x128xi32, #tpu.memory_space<hbm>> -> memref<40x128xi32, #tpu.memory_space<hbm>>
      tpu.enqueue_dma source(%dma_start3A_118 : memref<40x128xi32, #tpu.memory_space<hbm>>) target(%arg6 : memref<40x128xi32, #tpu.memory_space<vmem>>) target_semaphore(%run_scoped3A : memref<!tpu.dma_semaphore, #tpu.memory_space<semaphore_mem>>)
      %dma_wait3A_119 = arith.constant 40 : i32
      %dma_wait3A_120 = arith.constant 0 : i32
      %dma_wait3A_121 = tpu.memref_slice %arg2[%add3A, %dma_wait3A_119, %dma_wait3A_120] : memref<32x80x128xi32, #tpu.memory_space<hbm>> -> memref<1x40x128xi32, #tpu.memory_space<hbm>>
      %dma_wait3A_122 = tpu.memref_squeeze %dma_wait3A_121 : memref<1x40x128xi32, #tpu.memory_space<hbm>> -> memref<40x128xi32, #tpu.memory_space<hbm>>
      %dma_wait3A_123 = arith.constant 40 : i32
      %dma_wait3A_124 = arith.constant 0 : i32
      %dma_wait3A_125 = tpu.memref_slice %arg2[%add3A, %dma_wait3A_123, %dma_wait3A_124] : memref<32x80x128xi32, #tpu.memory_space<hbm>> -> memref<1x40x128xi32, #tpu.memory_space<hbm>>
      %dma_wait3A_126 = tpu.memref_squeeze %dma_wait3A_125 : memref<1x40x128xi32, #tpu.memory_space<hbm>> -> memref<40x128xi32, #tpu.memory_space<hbm>>
      tpu.wait_dma2 semaphore(%run_scoped3A : memref<!tpu.dma_semaphore, #tpu.memory_space<semaphore_mem>>) src(%dma_wait3A_126 : memref<40x128xi32, #tpu.memory_space<hbm>>) dst(%arg6 : memref<40x128xi32, #tpu.memory_space<vmem>>)
      tpu.yield
    }) : () -> ()
    "tpu.region"() ({
      %run_scoped3A = tpu.sem_alloc : memref<!tpu.dma_semaphore, #tpu.memory_space<semaphore_mem>>
      %dma_start3A_111 = arith.constant 40 : i32
      %dma_start3A_112 = arith.constant 0 : i32
      %dma_start3A_113 = tpu.memref_slice %arg3[%add3A, %dma_start3A_111, %dma_start3A_112] : memref<32x80x128xi32, #tpu.memory_space<hbm>> -> memref<1x40x128xi32, #tpu.memory_space<hbm>>
      %dma_start3A_114 = tpu.memref_squeeze %dma_start3A_113 : memref<1x40x128xi32, #tpu.memory_space<hbm>> -> memref<40x128xi32, #tpu.memory_space<hbm>>
      %dma_start3A_115 = arith.constant 40 : i32
      %dma_start3A_116 = arith.constant 0 : i32
      %dma_start3A_117 = tpu.memref_slice %arg3[%add3A, %dma_start3A_115, %dma_start3A_116] : memref<32x80x128xi32, #tpu.memory_space<hbm>> -> memref<1x40x128xi32, #tpu.memory_space<hbm>>
      %dma_start3A_118 = tpu.memref_squeeze %dma_start3A_117 : memref<1x40x128xi32, #tpu.memory_space<hbm>> -> memref<40x128xi32, #tpu.memory_space<hbm>>
      tpu.enqueue_dma source(%dma_start3A_118 : memref<40x128xi32, #tpu.memory_space<hbm>>) target(%arg7 : memref<40x128xi32, #tpu.memory_space<vmem>>) target_semaphore(%run_scoped3A : memref<!tpu.dma_semaphore, #tpu.memory_space<semaphore_mem>>)
      %dma_wait3A_119 = arith.constant 40 : i32
      %dma_wait3A_120 = arith.constant 0 : i32
      %dma_wait3A_121 = tpu.memref_slice %arg3[%add3A, %dma_wait3A_119, %dma_wait3A_120] : memref<32x80x128xi32, #tpu.memory_space<hbm>> -> memref<1x40x128xi32, #tpu.memory_space<hbm>>
      %dma_wait3A_122 = tpu.memref_squeeze %dma_wait3A_121 : memref<1x40x128xi32, #tpu.memory_space<hbm>> -> memref<40x128xi32, #tpu.memory_space<hbm>>
      %dma_wait3A_123 = arith.constant 40 : i32
      %dma_wait3A_124 = arith.constant 0 : i32
      %dma_wait3A_125 = tpu.memref_slice %arg3[%add3A, %dma_wait3A_123, %dma_wait3A_124] : memref<32x80x128xi32, #tpu.memory_space<hbm>> -> memref<1x40x128xi32, #tpu.memory_space<hbm>>
      %dma_wait3A_126 = tpu.memref_squeeze %dma_wait3A_125 : memref<1x40x128xi32, #tpu.memory_space<hbm>> -> memref<40x128xi32, #tpu.memory_space<hbm>>
      tpu.wait_dma2 semaphore(%run_scoped3A : memref<!tpu.dma_semaphore, #tpu.memory_space<semaphore_mem>>) src(%dma_wait3A_126 : memref<40x128xi32, #tpu.memory_space<hbm>>) dst(%arg7 : memref<40x128xi32, #tpu.memory_space<vmem>>)
      tpu.yield
    }) : () -> ()
    %dma_start3A_71 = arith.constant 0 : i32
    %dma_start3A_72 = arith.constant 0 : i32
    %dma_start3A_73 = tpu.memref_slice %arg6[%dma_start3A_71, %dma_start3A_72] : memref<40x128xi32, #tpu.memory_space<vmem>> -> memref<1x128xi32, #tpu.memory_space<vmem>>
    %dma_start3A_74 = tpu.memref_squeeze %dma_start3A_73 : memref<1x128xi32, #tpu.memory_space<vmem>> -> memref<128xi32, #tpu.memory_space<vmem>>
    %dma_start3A_75 = arith.constant 0 : i32
    %dma_start3A_76 = arith.constant 0 : i32
    %dma_start3A_77 = tpu.memref_slice %arg13[%dma_start3A_75, %dma_start3A_76] : memref<10240x64xf32, #tpu.memory_space<vmem_shared>> -> memref<10240x64xf32, #tpu.memory_space<vmem_shared>>
    tpu.enqueue_indirect_dma source(%dma_start3A_77 : memref<10240x64xf32, #tpu.memory_space<vmem_shared>>) target(%arg8 : memref<128x64xf32, #tpu.memory_space<vmem>>) offsets(%dma_start3A_74 : memref<128xi32, #tpu.memory_space<vmem>>) semaphore(%arg14 : memref<!tpu.dma_semaphore, #tpu.memory_space<semaphore_mem>>)
    %dma_start3A_78 = arith.constant 1 : i32
    %dma_start3A_79 = arith.constant 0 : i32
    %dma_start3A_80 = tpu.memref_slice %arg6[%dma_start3A_78, %dma_start3A_79] : memref<40x128xi32, #tpu.memory_space<vmem>> -> memref<1x128xi32, #tpu.memory_space<vmem>>
    %dma_start3A_81 = tpu.memref_squeeze %dma_start3A_80 : memref<1x128xi32, #tpu.memory_space<vmem>> -> memref<128xi32, #tpu.memory_space<vmem>>
    %dma_start3A_82 = arith.constant 0 : i32
    %dma_start3A_83 = arith.constant 0 : i32
    %dma_start3A_84 = tpu.memref_slice %arg13[%dma_start3A_82, %dma_start3A_83] : memref<10240x64xf32, #tpu.memory_space<vmem_shared>> -> memref<10240x64xf32, #tpu.memory_space<vmem_shared>>
    tpu.enqueue_indirect_dma source(%dma_start3A_84 : memref<10240x64xf32, #tpu.memory_space<vmem_shared>>) target(%arg10 : memref<128x64xf32, #tpu.memory_space<vmem>>) offsets(%dma_start3A_81 : memref<128xi32, #tpu.memory_space<vmem>>) semaphore(%arg18 : memref<!tpu.dma_semaphore, #tpu.memory_space<semaphore_mem>>)
    %scan3A_85 = arith.constant 0 : i32
    %scan3A_86 = arith.constant 0 : i32
    %scan3A_87 = arith.constant 10 : i32
    %scan3A_88 = arith.addi %scan3A_86, %scan3A_87 : i32
    %scan3A_89 = arith.constant 1 : i32
    %scan3A_90 = scf.for %scan3A_111 = %scan3A_86 to %scan3A_88 step %scan3A_89 iter_args(%scan3A_112 = %scan3A_85) -> (i32)  : i32 {
      %mul3A_113 = arith.constant 4 : i32
      %mul3A_114 = arith.muli %mul3A_113, %scan3A_111 : i32
      %add3A_115 = arith.constant 0 : i32
      %add3A_116 = arith.addi %mul3A_114, %add3A_115 : i32
      %add3A_117 = arith.constant 2 : i32
      %add3A_118 = arith.addi %add3A_116, %add3A_117 : i32
      %dma_wait3A_119 = arith.constant 0 : i32
      %dma_wait3A_120 = tpu.memref_slice %arg6[%add3A_116, %dma_wait3A_119] : memref<40x128xi32, #tpu.memory_space<vmem>> -> memref<1x128xi32, #tpu.memory_space<vmem>>
      %dma_wait3A_121 = tpu.memref_squeeze %dma_wait3A_120 : memref<1x128xi32, #tpu.memory_space<vmem>> -> memref<128xi32, #tpu.memory_space<vmem>>
      %dma_wait3A_122 = arith.constant 0 : i32
      %dma_wait3A_123 = arith.constant 0 : i32
      %dma_wait3A_124 = tpu.memref_slice %arg13[%dma_wait3A_122, %dma_wait3A_123] : memref<10240x64xf32, #tpu.memory_space<vmem_shared>> -> memref<10240x64xf32, #tpu.memory_space<vmem_shared>>
      tpu.wait_indirect_dma semaphore(%arg14 : memref<!tpu.dma_semaphore, #tpu.memory_space<semaphore_mem>>) src(%dma_wait3A_124 : memref<10240x64xf32, #tpu.memory_space<vmem_shared>>) dst(%arg8 : memref<128x64xf32, #tpu.memory_space<vmem>>)
      %gt3A = arith.constant 0 : i32
      %gt3A_125 = arith.cmpi sgt, %scan3A_111, %gt3A : i32
      %convert_element_type3A = arith.extui %gt3A_125 : i1 to i32
      %cond3A = arith.constant 0 : i32
      %cond3A_126 = arith.cmpi ne, %convert_element_type3A, %cond3A : i32
      scf.if %cond3A_126 {
        %dma_wait3A_214 = arith.constant 0 : i32
        %dma_wait3A_215 = tpu.memref_slice %arg7[%add3A_118, %dma_wait3A_214] : memref<40x128xi32, #tpu.memory_space<vmem>> -> memref<1x128xi32, #tpu.memory_space<vmem>>
        %dma_wait3A_216 = tpu.memref_squeeze %dma_wait3A_215 : memref<1x128xi32, #tpu.memory_space<vmem>> -> memref<128xi32, #tpu.memory_space<vmem>>
        %dma_wait3A_217 = arith.constant 0 : i32
        %dma_wait3A_218 = arith.constant 0 : i32
        %dma_wait3A_219 = tpu.memref_slice %arg12[%dma_wait3A_217, %dma_wait3A_218] : memref<10240x64xf32, #tpu.memory_space<vmem_shared>> -> memref<10240x64xf32, #tpu.memory_space<vmem_shared>>
        tpu.wait_indirect_dma semaphore(%arg17 : memref<!tpu.dma_semaphore, #tpu.memory_space<semaphore_mem>>) src(%arg9 : memref<128x64xf32, #tpu.memory_space<vmem>>) dst(%dma_wait3A_219 : memref<10240x64xf32, #tpu.memory_space<vmem_shared>>)
      } else {
      }
      %dma_start3A_127 = arith.constant 0 : i32
      %dma_start3A_128 = tpu.memref_slice %arg6[%add3A_118, %dma_start3A_127] : memref<40x128xi32, #tpu.memory_space<vmem>> -> memref<1x128xi32, #tpu.memory_space<vmem>>
      %dma_start3A_129 = tpu.memref_squeeze %dma_start3A_128 : memref<1x128xi32, #tpu.memory_space<vmem>> -> memref<128xi32, #tpu.memory_space<vmem>>
      %dma_start3A_130 = arith.constant 0 : i32
      %dma_start3A_131 = arith.constant 0 : i32
      %dma_start3A_132 = tpu.memref_slice %arg13[%dma_start3A_130, %dma_start3A_131] : memref<10240x64xf32, #tpu.memory_space<vmem_shared>> -> memref<10240x64xf32, #tpu.memory_space<vmem_shared>>
      tpu.enqueue_indirect_dma source(%dma_start3A_132 : memref<10240x64xf32, #tpu.memory_space<vmem_shared>>) target(%arg9 : memref<128x64xf32, #tpu.memory_space<vmem>>) offsets(%dma_start3A_129 : memref<128xi32, #tpu.memory_space<vmem>>) semaphore(%arg15 : memref<!tpu.dma_semaphore, #tpu.memory_space<semaphore_mem>>)
      %dma_start3A_133 = arith.constant 0 : i32
      %dma_start3A_134 = tpu.memref_slice %arg7[%add3A_116, %dma_start3A_133] : memref<40x128xi32, #tpu.memory_space<vmem>> -> memref<1x128xi32, #tpu.memory_space<vmem>>
      %dma_start3A_135 = tpu.memref_squeeze %dma_start3A_134 : memref<1x128xi32, #tpu.memory_space<vmem>> -> memref<128xi32, #tpu.memory_space<vmem>>
      %dma_start3A_136 = arith.constant 0 : i32
      %dma_start3A_137 = arith.constant 0 : i32
      %dma_start3A_138 = tpu.memref_slice %arg12[%dma_start3A_136, %dma_start3A_137] : memref<10240x64xf32, #tpu.memory_space<vmem_shared>> -> memref<10240x64xf32, #tpu.memory_space<vmem_shared>>
      tpu.enqueue_indirect_dma source(%arg8 : memref<128x64xf32, #tpu.memory_space<vmem>>) target(%dma_start3A_138 : memref<10240x64xf32, #tpu.memory_space<vmem_shared>>) offsets(%dma_start3A_135 : memref<128xi32, #tpu.memory_space<vmem>>) semaphore(%arg16 : memref<!tpu.dma_semaphore, #tpu.memory_space<semaphore_mem>>) {add = true}
      %dma_wait3A_139 = arith.constant 0 : i32
      %dma_wait3A_140 = tpu.memref_slice %arg6[%add3A_118, %dma_wait3A_139] : memref<40x128xi32, #tpu.memory_space<vmem>> -> memref<1x128xi32, #tpu.memory_space<vmem>>
      %dma_wait3A_141 = tpu.memref_squeeze %dma_wait3A_140 : memref<1x128xi32, #tpu.memory_space<vmem>> -> memref<128xi32, #tpu.memory_space<vmem>>
      %dma_wait3A_142 = arith.constant 0 : i32
      %dma_wait3A_143 = arith.constant 0 : i32
      %dma_wait3A_144 = tpu.memref_slice %arg13[%dma_wait3A_142, %dma_wait3A_143] : memref<10240x64xf32, #tpu.memory_space<vmem_shared>> -> memref<10240x64xf32, #tpu.memory_space<vmem_shared>>
      tpu.wait_indirect_dma semaphore(%arg15 : memref<!tpu.dma_semaphore, #tpu.memory_space<semaphore_mem>>) src(%dma_wait3A_144 : memref<10240x64xf32, #tpu.memory_space<vmem_shared>>) dst(%arg9 : memref<128x64xf32, #tpu.memory_space<vmem>>)
      %dma_wait3A_145 = arith.constant 0 : i32
      %dma_wait3A_146 = tpu.memref_slice %arg7[%add3A_116, %dma_wait3A_145] : memref<40x128xi32, #tpu.memory_space<vmem>> -> memref<1x128xi32, #tpu.memory_space<vmem>>
      %dma_wait3A_147 = tpu.memref_squeeze %dma_wait3A_146 : memref<1x128xi32, #tpu.memory_space<vmem>> -> memref<128xi32, #tpu.memory_space<vmem>>
      %dma_wait3A_148 = arith.constant 0 : i32
      %dma_wait3A_149 = arith.constant 0 : i32
      %dma_wait3A_150 = tpu.memref_slice %arg12[%dma_wait3A_148, %dma_wait3A_149] : memref<10240x64xf32, #tpu.memory_space<vmem_shared>> -> memref<10240x64xf32, #tpu.memory_space<vmem_shared>>
      tpu.wait_indirect_dma semaphore(%arg16 : memref<!tpu.dma_semaphore, #tpu.memory_space<semaphore_mem>>) src(%arg8 : memref<128x64xf32, #tpu.memory_space<vmem>>) dst(%dma_wait3A_150 : memref<10240x64xf32, #tpu.memory_space<vmem_shared>>)
      %lt3A = arith.constant 9 : i32
      %lt3A_151 = arith.cmpi slt, %scan3A_111, %lt3A : i32
      %convert_element_type3A_152 = arith.extui %lt3A_151 : i1 to i32
      %cond3A_153 = arith.constant 0 : i32
      %cond3A_154 = arith.cmpi ne, %convert_element_type3A_152, %cond3A_153 : i32
      scf.if %cond3A_154 {
        %add3A_214 = arith.constant 4 : i32
        %add3A_215 = arith.addi %add3A_116, %add3A_214 : i32
        %dma_start3A_216 = arith.constant 0 : i32
        %dma_start3A_217 = tpu.memref_slice %arg6[%add3A_215, %dma_start3A_216] : memref<40x128xi32, #tpu.memory_space<vmem>> -> memref<1x128xi32, #tpu.memory_space<vmem>>
        %dma_start3A_218 = tpu.memref_squeeze %dma_start3A_217 : memref<1x128xi32, #tpu.memory_space<vmem>> -> memref<128xi32, #tpu.memory_space<vmem>>
        %dma_start3A_219 = arith.constant 0 : i32
        %dma_start3A_220 = arith.constant 0 : i32
        %dma_start3A_221 = tpu.memref_slice %arg13[%dma_start3A_219, %dma_start3A_220] : memref<10240x64xf32, #tpu.memory_space<vmem_shared>> -> memref<10240x64xf32, #tpu.memory_space<vmem_shared>>
        tpu.enqueue_indirect_dma source(%dma_start3A_221 : memref<10240x64xf32, #tpu.memory_space<vmem_shared>>) target(%arg8 : memref<128x64xf32, #tpu.memory_space<vmem>>) offsets(%dma_start3A_218 : memref<128xi32, #tpu.memory_space<vmem>>) semaphore(%arg14 : memref<!tpu.dma_semaphore, #tpu.memory_space<semaphore_mem>>)
      } else {
      }
      %dma_start3A_155 = arith.constant 0 : i32
      %dma_start3A_156 = tpu.memref_slice %arg7[%add3A_118, %dma_start3A_155] : memref<40x128xi32, #tpu.memory_space<vmem>> -> memref<1x128xi32, #tpu.memory_space<vmem>>
      %dma_start3A_157 = tpu.memref_squeeze %dma_start3A_156 : memref<1x128xi32, #tpu.memory_space<vmem>> -> memref<128xi32, #tpu.memory_space<vmem>>
      %dma_start3A_158 = arith.constant 0 : i32
      %dma_start3A_159 = arith.constant 0 : i32
      %dma_start3A_160 = tpu.memref_slice %arg12[%dma_start3A_158, %dma_start3A_159] : memref<10240x64xf32, #tpu.memory_space<vmem_shared>> -> memref<10240x64xf32, #tpu.memory_space<vmem_shared>>
      tpu.enqueue_indirect_dma source(%arg9 : memref<128x64xf32, #tpu.memory_space<vmem>>) target(%dma_start3A_160 : memref<10240x64xf32, #tpu.memory_space<vmem_shared>>) offsets(%dma_start3A_157 : memref<128xi32, #tpu.memory_space<vmem>>) semaphore(%arg17 : memref<!tpu.dma_semaphore, #tpu.memory_space<semaphore_mem>>) {add = true}
      %mul3A_161 = arith.constant 4 : i32
      %mul3A_162 = arith.muli %mul3A_161, %scan3A_111 : i32
      %add3A_163 = arith.constant 1 : i32
      %add3A_164 = arith.addi %mul3A_162, %add3A_163 : i32
      %add3A_165 = arith.constant 2 : i32
      %add3A_166 = arith.addi %add3A_164, %add3A_165 : i32
      %dma_wait3A_167 = arith.constant 0 : i32
      %dma_wait3A_168 = tpu.memref_slice %arg6[%add3A_164, %dma_wait3A_167] : memref<40x128xi32, #tpu.memory_space<vmem>> -> memref<1x128xi32, #tpu.memory_space<vmem>>
      %dma_wait3A_169 = tpu.memref_squeeze %dma_wait3A_168 : memref<1x128xi32, #tpu.memory_space<vmem>> -> memref<128xi32, #tpu.memory_space<vmem>>
      %dma_wait3A_170 = arith.constant 0 : i32
      %dma_wait3A_171 = arith.constant 0 : i32
      %dma_wait3A_172 = tpu.memref_slice %arg13[%dma_wait3A_170, %dma_wait3A_171] : memref<10240x64xf32, #tpu.memory_space<vmem_shared>> -> memref<10240x64xf32, #tpu.memory_space<vmem_shared>>
      tpu.wait_indirect_dma semaphore(%arg18 : memref<!tpu.dma_semaphore, #tpu.memory_space<semaphore_mem>>) src(%dma_wait3A_172 : memref<10240x64xf32, #tpu.memory_space<vmem_shared>>) dst(%arg10 : memref<128x64xf32, #tpu.memory_space<vmem>>)
      %gt3A_173 = arith.constant 0 : i32
      %gt3A_174 = arith.cmpi sgt, %scan3A_111, %gt3A_173 : i32
      %convert_element_type3A_175 = arith.extui %gt3A_174 : i1 to i32
      %cond3A_176 = arith.constant 0 : i32
      %cond3A_177 = arith.cmpi ne, %convert_element_type3A_175, %cond3A_176 : i32
      scf.if %cond3A_177 {
        %dma_wait3A_214 = arith.constant 0 : i32
        %dma_wait3A_215 = tpu.memref_slice %arg7[%add3A_166, %dma_wait3A_214] : memref<40x128xi32, #tpu.memory_space<vmem>> -> memref<1x128xi32, #tpu.memory_space<vmem>>
        %dma_wait3A_216 = tpu.memref_squeeze %dma_wait3A_215 : memref<1x128xi32, #tpu.memory_space<vmem>> -> memref<128xi32, #tpu.memory_space<vmem>>
        %dma_wait3A_217 = arith.constant 0 : i32
        %dma_wait3A_218 = arith.constant 0 : i32
        %dma_wait3A_219 = tpu.memref_slice %arg12[%dma_wait3A_217, %dma_wait3A_218] : memref<10240x64xf32, #tpu.memory_space<vmem_shared>> -> memref<10240x64xf32, #tpu.memory_space<vmem_shared>>
        tpu.wait_indirect_dma semaphore(%arg21 : memref<!tpu.dma_semaphore, #tpu.memory_space<semaphore_mem>>) src(%arg11 : memref<128x64xf32, #tpu.memory_space<vmem>>) dst(%dma_wait3A_219 : memref<10240x64xf32, #tpu.memory_space<vmem_shared>>)
      } else {
      }
      %dma_start3A_178 = arith.constant 0 : i32
      %dma_start3A_179 = tpu.memref_slice %arg6[%add3A_166, %dma_start3A_178] : memref<40x128xi32, #tpu.memory_space<vmem>> -> memref<1x128xi32, #tpu.memory_space<vmem>>
      %dma_start3A_180 = tpu.memref_squeeze %dma_start3A_179 : memref<1x128xi32, #tpu.memory_space<vmem>> -> memref<128xi32, #tpu.memory_space<vmem>>
      %dma_start3A_181 = arith.constant 0 : i32
      %dma_start3A_182 = arith.constant 0 : i32
      %dma_start3A_183 = tpu.memref_slice %arg13[%dma_start3A_181, %dma_start3A_182] : memref<10240x64xf32, #tpu.memory_space<vmem_shared>> -> memref<10240x64xf32, #tpu.memory_space<vmem_shared>>
      tpu.enqueue_indirect_dma source(%dma_start3A_183 : memref<10240x64xf32, #tpu.memory_space<vmem_shared>>) target(%arg11 : memref<128x64xf32, #tpu.memory_space<vmem>>) offsets(%dma_start3A_180 : memref<128xi32, #tpu.memory_space<vmem>>) semaphore(%arg19 : memref<!tpu.dma_semaphore, #tpu.memory_space<semaphore_mem>>)
      %dma_start3A_184 = arith.constant 0 : i32
      %dma_start3A_185 = tpu.memref_slice %arg7[%add3A_164, %dma_start3A_184] : memref<40x128xi32, #tpu.memory_space<vmem>> -> memref<1x128xi32, #tpu.memory_space<vmem>>
      %dma_start3A_186 = tpu.memref_squeeze %dma_start3A_185 : memref<1x128xi32, #tpu.memory_space<vmem>> -> memref<128xi32, #tpu.memory_space<vmem>>
      %dma_start3A_187 = arith.constant 0 : i32
      %dma_start3A_188 = arith.constant 0 : i32
      %dma_start3A_189 = tpu.memref_slice %arg12[%dma_start3A_187, %dma_start3A_188] : memref<10240x64xf32, #tpu.memory_space<vmem_shared>> -> memref<10240x64xf32, #tpu.memory_space<vmem_shared>>
      tpu.enqueue_indirect_dma source(%arg10 : memref<128x64xf32, #tpu.memory_space<vmem>>) target(%dma_start3A_189 : memref<10240x64xf32, #tpu.memory_space<vmem_shared>>) offsets(%dma_start3A_186 : memref<128xi32, #tpu.memory_space<vmem>>) semaphore(%arg20 : memref<!tpu.dma_semaphore, #tpu.memory_space<semaphore_mem>>) {add = true}
      %dma_wait3A_190 = arith.constant 0 : i32
      %dma_wait3A_191 = tpu.memref_slice %arg6[%add3A_166, %dma_wait3A_190] : memref<40x128xi32, #tpu.memory_space<vmem>> -> memref<1x128xi32, #tpu.memory_space<vmem>>
      %dma_wait3A_192 = tpu.memref_squeeze %dma_wait3A_191 : memref<1x128xi32, #tpu.memory_space<vmem>> -> memref<128xi32, #tpu.memory_space<vmem>>
      %dma_wait3A_193 = arith.constant 0 : i32
      %dma_wait3A_194 = arith.constant 0 : i32
      %dma_wait3A_195 = tpu.memref_slice %arg13[%dma_wait3A_193, %dma_wait3A_194] : memref<10240x64xf32, #tpu.memory_space<vmem_shared>> -> memref<10240x64xf32, #tpu.memory_space<vmem_shared>>
      tpu.wait_indirect_dma semaphore(%arg19 : memref<!tpu.dma_semaphore, #tpu.memory_space<semaphore_mem>>) src(%dma_wait3A_195 : memref<10240x64xf32, #tpu.memory_space<vmem_shared>>) dst(%arg11 : memref<128x64xf32, #tpu.memory_space<vmem>>)
      %dma_wait3A_196 = arith.constant 0 : i32
      %dma_wait3A_197 = tpu.memref_slice %arg7[%add3A_164, %dma_wait3A_196] : memref<40x128xi32, #tpu.memory_space<vmem>> -> memref<1x128xi32, #tpu.memory_space<vmem>>
      %dma_wait3A_198 = tpu.memref_squeeze %dma_wait3A_197 : memref<1x128xi32, #tpu.memory_space<vmem>> -> memref<128xi32, #tpu.memory_space<vmem>>
      %dma_wait3A_199 = arith.constant 0 : i32
      %dma_wait3A_200 = arith.constant 0 : i32
      %dma_wait3A_201 = tpu.memref_slice %arg12[%dma_wait3A_199, %dma_wait3A_200] : memref<10240x64xf32, #tpu.memory_space<vmem_shared>> -> memref<10240x64xf32, #tpu.memory_space<vmem_shared>>
      tpu.wait_indirect_dma semaphore(%arg20 : memref<!tpu.dma_semaphore, #tpu.memory_space<semaphore_mem>>) src(%arg10 : memref<128x64xf32, #tpu.memory_space<vmem>>) dst(%dma_wait3A_201 : memref<10240x64xf32, #tpu.memory_space<vmem_shared>>)
      %lt3A_202 = arith.constant 9 : i32
      %lt3A_203 = arith.cmpi slt, %scan3A_111, %lt3A_202 : i32
      %convert_element_type3A_204 = arith.extui %lt3A_203 : i1 to i32
      %cond3A_205 = arith.constant 0 : i32
      %cond3A_206 = arith.cmpi ne, %convert_element_type3A_204, %cond3A_205 : i32
      scf.if %cond3A_206 {
        %add3A_214 = arith.constant 4 : i32
        %add3A_215 = arith.addi %add3A_164, %add3A_214 : i32
        %dma_start3A_216 = arith.constant 0 : i32
        %dma_start3A_217 = tpu.memref_slice %arg6[%add3A_215, %dma_start3A_216] : memref<40x128xi32, #tpu.memory_space<vmem>> -> memref<1x128xi32, #tpu.memory_space<vmem>>
        %dma_start3A_218 = tpu.memref_squeeze %dma_start3A_217 : memref<1x128xi32, #tpu.memory_space<vmem>> -> memref<128xi32, #tpu.memory_space<vmem>>
        %dma_start3A_219 = arith.constant 0 : i32
        %dma_start3A_220 = arith.constant 0 : i32
        %dma_start3A_221 = tpu.memref_slice %arg13[%dma_start3A_219, %dma_start3A_220] : memref<10240x64xf32, #tpu.memory_space<vmem_shared>> -> memref<10240x64xf32, #tpu.memory_space<vmem_shared>>
        tpu.enqueue_indirect_dma source(%dma_start3A_221 : memref<10240x64xf32, #tpu.memory_space<vmem_shared>>) target(%arg10 : memref<128x64xf32, #tpu.memory_space<vmem>>) offsets(%dma_start3A_218 : memref<128xi32, #tpu.memory_space<vmem>>) semaphore(%arg18 : memref<!tpu.dma_semaphore, #tpu.memory_space<semaphore_mem>>)
      } else {
      }
      %dma_start3A_207 = arith.constant 0 : i32
      %dma_start3A_208 = tpu.memref_slice %arg7[%add3A_166, %dma_start3A_207] : memref<40x128xi32, #tpu.memory_space<vmem>> -> memref<1x128xi32, #tpu.memory_space<vmem>>
      %dma_start3A_209 = tpu.memref_squeeze %dma_start3A_208 : memref<1x128xi32, #tpu.memory_space<vmem>> -> memref<128xi32, #tpu.memory_space<vmem>>
      %dma_start3A_210 = arith.constant 0 : i32
      %dma_start3A_211 = arith.constant 0 : i32
      %dma_start3A_212 = tpu.memref_slice %arg12[%dma_start3A_210, %dma_start3A_211] : memref<10240x64xf32, #tpu.memory_space<vmem_shared>> -> memref<10240x64xf32, #tpu.memory_space<vmem_shared>>
      tpu.enqueue_indirect_dma source(%arg11 : memref<128x64xf32, #tpu.memory_space<vmem>>) target(%dma_start3A_212 : memref<10240x64xf32, #tpu.memory_space<vmem_shared>>) offsets(%dma_start3A_209 : memref<128xi32, #tpu.memory_space<vmem>>) semaphore(%arg21 : memref<!tpu.dma_semaphore, #tpu.memory_space<semaphore_mem>>) {add = true}
      %scan3A_213 = arith.constant 0 : i32
      scf.yield %scan3A_213 : i32
    }
    %scan3A_91 = arith.constant 10 : i32
    %dma_wait3A_92 = arith.constant 38 : i32
    %dma_wait3A_93 = arith.constant 0 : i32
    %dma_wait3A_94 = tpu.memref_slice %arg7[%dma_wait3A_92, %dma_wait3A_93] : memref<40x128xi32, #tpu.memory_space<vmem>> -> memref<1x128xi32, #tpu.memory_space<vmem>>
    %dma_wait3A_95 = tpu.memref_squeeze %dma_wait3A_94 : memref<1x128xi32, #tpu.memory_space<vmem>> -> memref<128xi32, #tpu.memory_space<vmem>>
    %dma_wait3A_96 = arith.constant 0 : i32
    %dma_wait3A_97 = arith.constant 0 : i32
    %dma_wait3A_98 = tpu.memref_slice %arg12[%dma_wait3A_96, %dma_wait3A_97] : memref<10240x64xf32, #tpu.memory_space<vmem_shared>> -> memref<10240x64xf32, #tpu.memory_space<vmem_shared>>
    tpu.wait_indirect_dma semaphore(%arg17 : memref<!tpu.dma_semaphore, #tpu.memory_space<semaphore_mem>>) src(%arg9 : memref<128x64xf32, #tpu.memory_space<vmem>>) dst(%dma_wait3A_98 : memref<10240x64xf32, #tpu.memory_space<vmem_shared>>)
    %dma_wait3A_99 = arith.constant 39 : i32
    %dma_wait3A_100 = arith.constant 0 : i32
    %dma_wait3A_101 = tpu.memref_slice %arg7[%dma_wait3A_99, %dma_wait3A_100] : memref<40x128xi32, #tpu.memory_space<vmem>> -> memref<1x128xi32, #tpu.memory_space<vmem>>
    %dma_wait3A_102 = tpu.memref_squeeze %dma_wait3A_101 : memref<1x128xi32, #tpu.memory_space<vmem>> -> memref<128xi32, #tpu.memory_space<vmem>>
    %dma_wait3A_103 = arith.constant 0 : i32
    %dma_wait3A_104 = arith.constant 0 : i32
    %dma_wait3A_105 = tpu.memref_slice %arg12[%dma_wait3A_103, %dma_wait3A_104] : memref<10240x64xf32, #tpu.memory_space<vmem_shared>> -> memref<10240x64xf32, #tpu.memory_space<vmem_shared>>
    tpu.wait_indirect_dma semaphore(%arg21 : memref<!tpu.dma_semaphore, #tpu.memory_space<semaphore_mem>>) src(%arg11 : memref<128x64xf32, #tpu.memory_space<vmem>>) dst(%dma_wait3A_105 : memref<10240x64xf32, #tpu.memory_space<vmem_shared>>)
    %barrier3A_106 = arith.constant 0 : index
    tpu.barrier barrier_id(%barrier3A_106)
    %mul3A_107 = arith.constant 640 : i32
    %mul3A_108 = arith.muli %arg1, %mul3A_107 : i32
    %mul3A_109 = arith.constant 640 : i32
    %mul3A_110 = arith.muli %arg1, %mul3A_109 : i32
    "tpu.region"() ({
      %run_scoped3A = tpu.sem_alloc : memref<!tpu.dma_semaphore, #tpu.memory_space<semaphore_mem>>
      %dma_start3A_111 = arith.constant 0 : i32
      %dma_start3A_112 = tpu.memref_slice %arg5[%arg0, %mul3A_110, %dma_start3A_111] : memref<2x10240x64xf32, #tpu.memory_space<hbm>> -> memref<1x640x64xf32, #tpu.memory_space<hbm>>
      %dma_start3A_113 = tpu.memref_squeeze %dma_start3A_112 : memref<1x640x64xf32, #tpu.memory_space<hbm>> -> memref<640x64xf32, #tpu.memory_space<hbm>>
      %dma_start3A_114 = arith.constant 0 : i32
      %dma_start3A_115 = tpu.memref_slice %arg12[%mul3A_108, %dma_start3A_114] : memref<10240x64xf32, #tpu.memory_space<vmem_shared>> -> memref<640x64xf32, #tpu.memory_space<vmem_shared>>
      tpu.enqueue_dma source(%dma_start3A_115 : memref<640x64xf32, #tpu.memory_space<vmem_shared>>) target(%dma_start3A_113 : memref<640x64xf32, #tpu.memory_space<hbm>>) target_semaphore(%run_scoped3A : memref<!tpu.dma_semaphore, #tpu.memory_space<semaphore_mem>>)
      %dma_wait3A_116 = arith.constant 0 : i32
      %dma_wait3A_117 = tpu.memref_slice %arg5[%arg0, %mul3A_110, %dma_wait3A_116] : memref<2x10240x64xf32, #tpu.memory_space<hbm>> -> memref<1x640x64xf32, #tpu.memory_space<hbm>>
      %dma_wait3A_118 = tpu.memref_squeeze %dma_wait3A_117 : memref<1x640x64xf32, #tpu.memory_space<hbm>> -> memref<640x64xf32, #tpu.memory_space<hbm>>
      %dma_wait3A_119 = arith.constant 0 : i32
      %dma_wait3A_120 = tpu.memref_slice %arg12[%mul3A_108, %dma_wait3A_119] : memref<10240x64xf32, #tpu.memory_space<vmem_shared>> -> memref<640x64xf32, #tpu.memory_space<vmem_shared>>
      tpu.wait_dma2 semaphore(%run_scoped3A : memref<!tpu.dma_semaphore, #tpu.memory_space<semaphore_mem>>) src(%dma_wait3A_120 : memref<640x64xf32, #tpu.memory_space<vmem_shared>>) dst(%dma_wait3A_118 : memref<640x64xf32, #tpu.memory_space<hbm>>)
      tpu.yield
    }) : () -> ()
    return
  }
}

#map = affine_map<(d0, d1) -> (0, 0, 0)>
#map1 = affine_map<(d0, d1) -> (0, 0)>
module attributes {stable_mosaic.version = 14 : i64} {
  func.func @_scatter(%arg0: i32, %arg1: i32, %arg2: memref<32x80x128xi32, #tpu.memory_space<hbm>>, %arg3: memref<32x80x128xi32, #tpu.memory_space<hbm>>, %arg4: memref<10240x32xf32, #tpu.memory_space<hbm>>, %arg5: memref<2x10240x32xf32, #tpu.memory_space<hbm>>, %arg6: memref<40x128xi32, #tpu.memory_space<vmem>>, %arg7: memref<40x128xi32, #tpu.memory_space<vmem>>, %arg8: memref<128x32xf32, #tpu.memory_space<vmem>>, %arg9: memref<128x32xf32, #tpu.memory_space<vmem>>, %arg10: memref<128x32xf32, #tpu.memory_space<vmem>>, %arg11: memref<128x32xf32, #tpu.memory_space<vmem>>, %arg12: memref<10240x32xf32, #tpu.memory_space<vmem_shared>>, %arg13: memref<10240x32xf32, #tpu.memory_space<vmem_shared>>, %arg14: memref<!tpu.dma_semaphore, #tpu.memory_space<semaphore_mem>>, %arg15: memref<!tpu.dma_semaphore, #tpu.memory_space<semaphore_mem>>, %arg16: memref<!tpu.dma_semaphore, #tpu.memory_space<semaphore_mem>>, %arg17: memref<!tpu.dma_semaphore, #tpu.memory_space<semaphore_mem>>, %arg18: memref<!tpu.dma_semaphore, #tpu.memory_space<semaphore_mem>>, %arg19: memref<!tpu.dma_semaphore, #tpu.memory_space<semaphore_mem>>, %arg20: memref<!tpu.dma_semaphore, #tpu.memory_space<semaphore_mem>>, %arg21: memref<!tpu.dma_semaphore, #tpu.memory_space<semaphore_mem>>) attributes {dimension_semantics = [#tpu.dimension_semantics<core_parallel>, #tpu.dimension_semantics<subcore_parallel>], iteration_bounds = array<i64: 2, 16>, scalar_prefetch = 0 : i64, scratch_operands = 16 : i64, tpu.core_type = #tpu.core_type<sc_vector_subcore>, window_params = [{transform_indices = #map}, {transform_indices = #map}, {transform_indices = #map1}, {transform_indices = #map}]} {
    %mul3A = arith.constant 16 : i32
    %mul3A_0 = arith.muli %arg0, %mul3A : i32
    %add3A = arith.addi %mul3A_0, %arg1 : i32
    %mul3A_1 = arith.constant 640 : i32
    %mul3A_2 = arith.muli %arg1, %mul3A_1 : i32
    %dma_start3A = arith.constant 0 : i32
    %dma_start3A_3 = tpu.memref_slice %arg13[%mul3A_2, %dma_start3A] : memref<10240x32xf32, #tpu.memory_space<vmem_shared>> -> memref<640x32xf32, #tpu.memory_space<vmem_shared>>
    %dma_start3A_4 = arith.constant 0 : i32
    %dma_start3A_5 = tpu.memref_slice %arg4[%mul3A_2, %dma_start3A_4] : memref<10240x32xf32, #tpu.memory_space<hbm>> -> memref<640x32xf32, #tpu.memory_space<hbm>>
    tpu.enqueue_dma source(%dma_start3A_5 : memref<640x32xf32, #tpu.memory_space<hbm>>) target(%dma_start3A_3 : memref<640x32xf32, #tpu.memory_space<vmem_shared>>) target_semaphore(%arg15 : memref<!tpu.dma_semaphore, #tpu.memory_space<semaphore_mem>>)
    %broadcast_in_dim3A = arith.constant 0.000000e+00 : f32
    %broadcast_in_dim3A_6 = vector.broadcast %broadcast_in_dim3A : f32 to vector<16xf32>
    %scan3A = arith.constant 0 : i32
    %scan3A_7 = arith.constant 0 : i32
    %scan3A_8 = arith.constant 128 : i32
    %scan3A_9 = arith.addi %scan3A_7, %scan3A_8 : i32
    %scan3A_10 = arith.constant 1 : i32
    %scan3A_11 = scf.for %scan3A_111 = %scan3A_7 to %scan3A_9 step %scan3A_10 iter_args(%scan3A_112 = %scan3A) -> (i32)  : i32 {
      %swap3A = arith.index_cast %scan3A_111 : i32 to index
      %swap3A_113 = arith.constant 0 : index
      %swap3A_114 = tpu.vector_load %arg8[%swap3A, %swap3A_113] {strides = array<i32>} : memref<128x32xf32, #tpu.memory_space<vmem>>, vector<16xf32>,
      tpu.vector_store %arg8[%swap3A, %swap3A_113], %broadcast_in_dim3A_6 {strides = array<i32>} : memref<128x32xf32, #tpu.memory_space<vmem>>, vector<16xf32>,
      %swap3A_115 = arith.index_cast %scan3A_111 : i32 to index
      %swap3A_116 = arith.constant 16 : index
      %swap3A_117 = tpu.vector_load %arg8[%swap3A_115, %swap3A_116] {strides = array<i32>} : memref<128x32xf32, #tpu.memory_space<vmem>>, vector<16xf32>,
      tpu.vector_store %arg8[%swap3A_115, %swap3A_116], %broadcast_in_dim3A_6 {strides = array<i32>} : memref<128x32xf32, #tpu.memory_space<vmem>>, vector<16xf32>,
      %scan3A_118 = arith.constant 0 : i32
      scf.yield %scan3A_118 : i32
    }
    %scan3A_12 = arith.constant 128 : i32
    %mul3A_13 = arith.constant 640 : i32
    %mul3A_14 = arith.muli %arg1, %mul3A_13 : i32
    %add3A_15 = arith.constant 0 : i32
    %add3A_16 = arith.addi %mul3A_14, %add3A_15 : i32
    "tpu.region"() ({
      %run_scoped3A = tpu.sem_alloc : memref<!tpu.dma_semaphore, #tpu.memory_space<semaphore_mem>>
      %dma_start3A_111 = arith.constant 0 : i32
      %dma_start3A_112 = tpu.memref_slice %arg12[%add3A_16, %dma_start3A_111] : memref<10240x32xf32, #tpu.memory_space<vmem_shared>> -> memref<128x32xf32, #tpu.memory_space<vmem_shared>>
      %dma_start3A_113 = arith.constant 0 : i32
      %dma_start3A_114 = tpu.memref_slice %arg12[%add3A_16, %dma_start3A_113] : memref<10240x32xf32, #tpu.memory_space<vmem_shared>> -> memref<128x32xf32, #tpu.memory_space<vmem_shared>>
      tpu.enqueue_dma source(%arg8 : memref<128x32xf32, #tpu.memory_space<vmem>>) target(%dma_start3A_114 : memref<128x32xf32, #tpu.memory_space<vmem_shared>>) target_semaphore(%run_scoped3A : memref<!tpu.dma_semaphore, #tpu.memory_space<semaphore_mem>>)
      %dma_wait3A_115 = arith.constant 0 : i32
      %dma_wait3A_116 = tpu.memref_slice %arg12[%add3A_16, %dma_wait3A_115] : memref<10240x32xf32, #tpu.memory_space<vmem_shared>> -> memref<128x32xf32, #tpu.memory_space<vmem_shared>>
      %dma_wait3A_117 = arith.constant 0 : i32
      %dma_wait3A_118 = tpu.memref_slice %arg12[%add3A_16, %dma_wait3A_117] : memref<10240x32xf32, #tpu.memory_space<vmem_shared>> -> memref<128x32xf32, #tpu.memory_space<vmem_shared>>
      tpu.wait_dma2 semaphore(%run_scoped3A : memref<!tpu.dma_semaphore, #tpu.memory_space<semaphore_mem>>) src(%arg8 : memref<128x32xf32, #tpu.memory_space<vmem>>) dst(%dma_wait3A_118 : memref<128x32xf32, #tpu.memory_space<vmem_shared>>)
      tpu.yield
    }) : () -> ()
    %mul3A_17 = arith.constant 640 : i32
    %mul3A_18 = arith.muli %arg1, %mul3A_17 : i32
    %add3A_19 = arith.constant 128 : i32
    %add3A_20 = arith.addi %mul3A_18, %add3A_19 : i32
    "tpu.region"() ({
      %run_scoped3A = tpu.sem_alloc : memref<!tpu.dma_semaphore, #tpu.memory_space<semaphore_mem>>
      %dma_start3A_111 = arith.constant 0 : i32
      %dma_start3A_112 = tpu.memref_slice %arg12[%add3A_20, %dma_start3A_111] : memref<10240x32xf32, #tpu.memory_space<vmem_shared>> -> memref<128x32xf32, #tpu.memory_space<vmem_shared>>
      %dma_start3A_113 = arith.constant 0 : i32
      %dma_start3A_114 = tpu.memref_slice %arg12[%add3A_20, %dma_start3A_113] : memref<10240x32xf32, #tpu.memory_space<vmem_shared>> -> memref<128x32xf32, #tpu.memory_space<vmem_shared>>
      tpu.enqueue_dma source(%arg8 : memref<128x32xf32, #tpu.memory_space<vmem>>) target(%dma_start3A_114 : memref<128x32xf32, #tpu.memory_space<vmem_shared>>) target_semaphore(%run_scoped3A : memref<!tpu.dma_semaphore, #tpu.memory_space<semaphore_mem>>)
      %dma_wait3A_115 = arith.constant 0 : i32
      %dma_wait3A_116 = tpu.memref_slice %arg12[%add3A_20, %dma_wait3A_115] : memref<10240x32xf32, #tpu.memory_space<vmem_shared>> -> memref<128x32xf32, #tpu.memory_space<vmem_shared>>
      %dma_wait3A_117 = arith.constant 0 : i32
      %dma_wait3A_118 = tpu.memref_slice %arg12[%add3A_20, %dma_wait3A_117] : memref<10240x32xf32, #tpu.memory_space<vmem_shared>> -> memref<128x32xf32, #tpu.memory_space<vmem_shared>>
      tpu.wait_dma2 semaphore(%run_scoped3A : memref<!tpu.dma_semaphore, #tpu.memory_space<semaphore_mem>>) src(%arg8 : memref<128x32xf32, #tpu.memory_space<vmem>>) dst(%dma_wait3A_118 : memref<128x32xf32, #tpu.memory_space<vmem_shared>>)
      tpu.yield
    }) : () -> ()
    %mul3A_21 = arith.constant 640 : i32
    %mul3A_22 = arith.muli %arg1, %mul3A_21 : i32
    %add3A_23 = arith.constant 256 : i32
    %add3A_24 = arith.addi %mul3A_22, %add3A_23 : i32
    "tpu.region"() ({
      %run_scoped3A = tpu.sem_alloc : memref<!tpu.dma_semaphore, #tpu.memory_space<semaphore_mem>>
      %dma_start3A_111 = arith.constant 0 : i32
      %dma_start3A_112 = tpu.memref_slice %arg12[%add3A_24, %dma_start3A_111] : memref<10240x32xf32, #tpu.memory_space<vmem_shared>> -> memref<128x32xf32, #tpu.memory_space<vmem_shared>>
      %dma_start3A_113 = arith.constant 0 : i32
      %dma_start3A_114 = tpu.memref_slice %arg12[%add3A_24, %dma_start3A_113] : memref<10240x32xf32, #tpu.memory_space<vmem_shared>> -> memref<128x32xf32, #tpu.memory_space<vmem_shared>>
      tpu.enqueue_dma source(%arg8 : memref<128x32xf32, #tpu.memory_space<vmem>>) target(%dma_start3A_114 : memref<128x32xf32, #tpu.memory_space<vmem_shared>>) target_semaphore(%run_scoped3A : memref<!tpu.dma_semaphore, #tpu.memory_space<semaphore_mem>>)
      %dma_wait3A_115 = arith.constant 0 : i32
      %dma_wait3A_116 = tpu.memref_slice %arg12[%add3A_24, %dma_wait3A_115] : memref<10240x32xf32, #tpu.memory_space<vmem_shared>> -> memref<128x32xf32, #tpu.memory_space<vmem_shared>>
      %dma_wait3A_117 = arith.constant 0 : i32
      %dma_wait3A_118 = tpu.memref_slice %arg12[%add3A_24, %dma_wait3A_117] : memref<10240x32xf32, #tpu.memory_space<vmem_shared>> -> memref<128x32xf32, #tpu.memory_space<vmem_shared>>
      tpu.wait_dma2 semaphore(%run_scoped3A : memref<!tpu.dma_semaphore, #tpu.memory_space<semaphore_mem>>) src(%arg8 : memref<128x32xf32, #tpu.memory_space<vmem>>) dst(%dma_wait3A_118 : memref<128x32xf32, #tpu.memory_space<vmem_shared>>)
      tpu.yield
    }) : () -> ()
    %mul3A_25 = arith.constant 640 : i32
    %mul3A_26 = arith.muli %arg1, %mul3A_25 : i32
    %add3A_27 = arith.constant 384 : i32
    %add3A_28 = arith.addi %mul3A_26, %add3A_27 : i32
    "tpu.region"() ({
      %run_scoped3A = tpu.sem_alloc : memref<!tpu.dma_semaphore, #tpu.memory_space<semaphore_mem>>
      %dma_start3A_111 = arith.constant 0 : i32
      %dma_start3A_112 = tpu.memref_slice %arg12[%add3A_28, %dma_start3A_111] : memref<10240x32xf32, #tpu.memory_space<vmem_shared>> -> memref<128x32xf32, #tpu.memory_space<vmem_shared>>
      %dma_start3A_113 = arith.constant 0 : i32
      %dma_start3A_114 = tpu.memref_slice %arg12[%add3A_28, %dma_start3A_113] : memref<10240x32xf32, #tpu.memory_space<vmem_shared>> -> memref<128x32xf32, #tpu.memory_space<vmem_shared>>
      tpu.enqueue_dma source(%arg8 : memref<128x32xf32, #tpu.memory_space<vmem>>) target(%dma_start3A_114 : memref<128x32xf32, #tpu.memory_space<vmem_shared>>) target_semaphore(%run_scoped3A : memref<!tpu.dma_semaphore, #tpu.memory_space<semaphore_mem>>)
      %dma_wait3A_115 = arith.constant 0 : i32
      %dma_wait3A_116 = tpu.memref_slice %arg12[%add3A_28, %dma_wait3A_115] : memref<10240x32xf32, #tpu.memory_space<vmem_shared>> -> memref<128x32xf32, #tpu.memory_space<vmem_shared>>
      %dma_wait3A_117 = arith.constant 0 : i32
      %dma_wait3A_118 = tpu.memref_slice %arg12[%add3A_28, %dma_wait3A_117] : memref<10240x32xf32, #tpu.memory_space<vmem_shared>> -> memref<128x32xf32, #tpu.memory_space<vmem_shared>>
      tpu.wait_dma2 semaphore(%run_scoped3A : memref<!tpu.dma_semaphore, #tpu.memory_space<semaphore_mem>>) src(%arg8 : memref<128x32xf32, #tpu.memory_space<vmem>>) dst(%dma_wait3A_118 : memref<128x32xf32, #tpu.memory_space<vmem_shared>>)
      tpu.yield
    }) : () -> ()
    %mul3A_29 = arith.constant 640 : i32
    %mul3A_30 = arith.muli %arg1, %mul3A_29 : i32
    %add3A_31 = arith.constant 512 : i32
    %add3A_32 = arith.addi %mul3A_30, %add3A_31 : i32
    "tpu.region"() ({
      %run_scoped3A = tpu.sem_alloc : memref<!tpu.dma_semaphore, #tpu.memory_space<semaphore_mem>>
      %dma_start3A_111 = arith.constant 0 : i32
      %dma_start3A_112 = tpu.memref_slice %arg12[%add3A_32, %dma_start3A_111] : memref<10240x32xf32, #tpu.memory_space<vmem_shared>> -> memref<128x32xf32, #tpu.memory_space<vmem_shared>>
      %dma_start3A_113 = arith.constant 0 : i32
      %dma_start3A_114 = tpu.memref_slice %arg12[%add3A_32, %dma_start3A_113] : memref<10240x32xf32, #tpu.memory_space<vmem_shared>> -> memref<128x32xf32, #tpu.memory_space<vmem_shared>>
      tpu.enqueue_dma source(%arg8 : memref<128x32xf32, #tpu.memory_space<vmem>>) target(%dma_start3A_114 : memref<128x32xf32, #tpu.memory_space<vmem_shared>>) target_semaphore(%run_scoped3A : memref<!tpu.dma_semaphore, #tpu.memory_space<semaphore_mem>>)
      %dma_wait3A_115 = arith.constant 0 : i32
      %dma_wait3A_116 = tpu.memref_slice %arg12[%add3A_32, %dma_wait3A_115] : memref<10240x32xf32, #tpu.memory_space<vmem_shared>> -> memref<128x32xf32, #tpu.memory_space<vmem_shared>>
      %dma_wait3A_117 = arith.constant 0 : i32
      %dma_wait3A_118 = tpu.memref_slice %arg12[%add3A_32, %dma_wait3A_117] : memref<10240x32xf32, #tpu.memory_space<vmem_shared>> -> memref<128x32xf32, #tpu.memory_space<vmem_shared>>
      tpu.wait_dma2 semaphore(%run_scoped3A : memref<!tpu.dma_semaphore, #tpu.memory_space<semaphore_mem>>) src(%arg8 : memref<128x32xf32, #tpu.memory_space<vmem>>) dst(%dma_wait3A_118 : memref<128x32xf32, #tpu.memory_space<vmem_shared>>)
      tpu.yield
    }) : () -> ()
    %dma_wait3A = arith.constant 0 : i32
    %dma_wait3A_33 = tpu.memref_slice %arg13[%mul3A_2, %dma_wait3A] : memref<10240x32xf32, #tpu.memory_space<vmem_shared>> -> memref<640x32xf32, #tpu.memory_space<vmem_shared>>
    %dma_wait3A_34 = arith.constant 0 : i32
    %dma_wait3A_35 = tpu.memref_slice %arg4[%mul3A_2, %dma_wait3A_34] : memref<10240x32xf32, #tpu.memory_space<hbm>> -> memref<640x32xf32, #tpu.memory_space<hbm>>
    tpu.wait_dma2 semaphore(%arg15 : memref<!tpu.dma_semaphore, #tpu.memory_space<semaphore_mem>>) src(%dma_wait3A_35 : memref<640x32xf32, #tpu.memory_space<hbm>>) dst(%dma_wait3A_33 : memref<640x32xf32, #tpu.memory_space<vmem_shared>>)
    %barrier3A = arith.constant 0 : index
    tpu.barrier barrier_id(%barrier3A)
    "tpu.region"() ({
      %run_scoped3A = tpu.sem_alloc : memref<!tpu.dma_semaphore, #tpu.memory_space<semaphore_mem>>
      %dma_start3A_111 = arith.constant 0 : i32
      %dma_start3A_112 = arith.constant 0 : i32
      %dma_start3A_113 = tpu.memref_slice %arg2[%add3A, %dma_start3A_111, %dma_start3A_112] : memref<32x80x128xi32, #tpu.memory_space<hbm>> -> memref<1x40x128xi32, #tpu.memory_space<hbm>>
      %dma_start3A_114 = tpu.memref_squeeze %dma_start3A_113 : memref<1x40x128xi32, #tpu.memory_space<hbm>> -> memref<40x128xi32, #tpu.memory_space<hbm>>
      %dma_start3A_115 = arith.constant 0 : i32
      %dma_start3A_116 = arith.constant 0 : i32
      %dma_start3A_117 = tpu.memref_slice %arg2[%add3A, %dma_start3A_115, %dma_start3A_116] : memref<32x80x128xi32, #tpu.memory_space<hbm>> -> memref<1x40x128xi32, #tpu.memory_space<hbm>>
      %dma_start3A_118 = tpu.memref_squeeze %dma_start3A_117 : memref<1x40x128xi32, #tpu.memory_space<hbm>> -> memref<40x128xi32, #tpu.memory_space<hbm>>
      tpu.enqueue_dma source(%dma_start3A_118 : memref<40x128xi32, #tpu.memory_space<hbm>>) target(%arg6 : memref<40x128xi32, #tpu.memory_space<vmem>>) target_semaphore(%run_scoped3A : memref<!tpu.dma_semaphore, #tpu.memory_space<semaphore_mem>>)
      %dma_wait3A_119 = arith.constant 0 : i32
      %dma_wait3A_120 = arith.constant 0 : i32
      %dma_wait3A_121 = tpu.memref_slice %arg2[%add3A, %dma_wait3A_119, %dma_wait3A_120] : memref<32x80x128xi32, #tpu.memory_space<hbm>> -> memref<1x40x128xi32, #tpu.memory_space<hbm>>
      %dma_wait3A_122 = tpu.memref_squeeze %dma_wait3A_121 : memref<1x40x128xi32, #tpu.memory_space<hbm>> -> memref<40x128xi32, #tpu.memory_space<hbm>>
      %dma_wait3A_123 = arith.constant 0 : i32
      %dma_wait3A_124 = arith.constant 0 : i32
      %dma_wait3A_125 = tpu.memref_slice %arg2[%add3A, %dma_wait3A_123, %dma_wait3A_124] : memref<32x80x128xi32, #tpu.memory_space<hbm>> -> memref<1x40x128xi32, #tpu.memory_space<hbm>>
      %dma_wait3A_126 = tpu.memref_squeeze %dma_wait3A_125 : memref<1x40x128xi32, #tpu.memory_space<hbm>> -> memref<40x128xi32, #tpu.memory_space<hbm>>
      tpu.wait_dma2 semaphore(%run_scoped3A : memref<!tpu.dma_semaphore, #tpu.memory_space<semaphore_mem>>) src(%dma_wait3A_126 : memref<40x128xi32, #tpu.memory_space<hbm>>) dst(%arg6 : memref<40x128xi32, #tpu.memory_space<vmem>>)
      tpu.yield
    }) : () -> ()
    "tpu.region"() ({
      %run_scoped3A = tpu.sem_alloc : memref<!tpu.dma_semaphore, #tpu.memory_space<semaphore_mem>>
      %dma_start3A_111 = arith.constant 0 : i32
      %dma_start3A_112 = arith.constant 0 : i32
      %dma_start3A_113 = tpu.memref_slice %arg3[%add3A, %dma_start3A_111, %dma_start3A_112] : memref<32x80x128xi32, #tpu.memory_space<hbm>> -> memref<1x40x128xi32, #tpu.memory_space<hbm>>
      %dma_start3A_114 = tpu.memref_squeeze %dma_start3A_113 : memref<1x40x128xi32, #tpu.memory_space<hbm>> -> memref<40x128xi32, #tpu.memory_space<hbm>>
      %dma_start3A_115 = arith.constant 0 : i32
      %dma_start3A_116 = arith.constant 0 : i32
      %dma_start3A_117 = tpu.memref_slice %arg3[%add3A, %dma_start3A_115, %dma_start3A_116] : memref<32x80x128xi32, #tpu.memory_space<hbm>> -> memref<1x40x128xi32, #tpu.memory_space<hbm>>
      %dma_start3A_118 = tpu.memref_squeeze %dma_start3A_117 : memref<1x40x128xi32, #tpu.memory_space<hbm>> -> memref<40x128xi32, #tpu.memory_space<hbm>>
      tpu.enqueue_dma source(%dma_start3A_118 : memref<40x128xi32, #tpu.memory_space<hbm>>) target(%arg7 : memref<40x128xi32, #tpu.memory_space<vmem>>) target_semaphore(%run_scoped3A : memref<!tpu.dma_semaphore, #tpu.memory_space<semaphore_mem>>)
      %dma_wait3A_119 = arith.constant 0 : i32
      %dma_wait3A_120 = arith.constant 0 : i32
      %dma_wait3A_121 = tpu.memref_slice %arg3[%add3A, %dma_wait3A_119, %dma_wait3A_120] : memref<32x80x128xi32, #tpu.memory_space<hbm>> -> memref<1x40x128xi32, #tpu.memory_space<hbm>>
      %dma_wait3A_122 = tpu.memref_squeeze %dma_wait3A_121 : memref<1x40x128xi32, #tpu.memory_space<hbm>> -> memref<40x128xi32, #tpu.memory_space<hbm>>
      %dma_wait3A_123 = arith.constant 0 : i32
      %dma_wait3A_124 = arith.constant 0 : i32
      %dma_wait3A_125 = tpu.memref_slice %arg3[%add3A, %dma_wait3A_123, %dma_wait3A_124] : memref<32x80x128xi32, #tpu.memory_space<hbm>> -> memref<1x40x128xi32, #tpu.memory_space<hbm>>
      %dma_wait3A_126 = tpu.memref_squeeze %dma_wait3A_125 : memref<1x40x128xi32, #tpu.memory_space<hbm>> -> memref<40x128xi32, #tpu.memory_space<hbm>>
      tpu.wait_dma2 semaphore(%run_scoped3A : memref<!tpu.dma_semaphore, #tpu.memory_space<semaphore_mem>>) src(%dma_wait3A_126 : memref<40x128xi32, #tpu.memory_space<hbm>>) dst(%arg7 : memref<40x128xi32, #tpu.memory_space<vmem>>)
      tpu.yield
    }) : () -> ()
    %dma_start3A_36 = arith.constant 0 : i32
    %dma_start3A_37 = arith.constant 0 : i32
    %dma_start3A_38 = tpu.memref_slice %arg6[%dma_start3A_36, %dma_start3A_37] : memref<40x128xi32, #tpu.memory_space<vmem>> -> memref<1x128xi32, #tpu.memory_space<vmem>>
    %dma_start3A_39 = tpu.memref_squeeze %dma_start3A_38 : memref<1x128xi32, #tpu.memory_space<vmem>> -> memref<128xi32, #tpu.memory_space<vmem>>
    %dma_start3A_40 = arith.constant 0 : i32
    %dma_start3A_41 = arith.constant 0 : i32
    %dma_start3A_42 = tpu.memref_slice %arg13[%dma_start3A_40, %dma_start3A_41] : memref<10240x32xf32, #tpu.memory_space<vmem_shared>> -> memref<10240x32xf32, #tpu.memory_space<vmem_shared>>
    tpu.enqueue_indirect_dma source(%dma_start3A_42 : memref<10240x32xf32, #tpu.memory_space<vmem_shared>>) target(%arg8 : memref<128x32xf32, #tpu.memory_space<vmem>>) offsets(%dma_start3A_39 : memref<128xi32, #tpu.memory_space<vmem>>) semaphore(%arg14 : memref<!tpu.dma_semaphore, #tpu.memory_space<semaphore_mem>>)
    %dma_start3A_43 = arith.constant 1 : i32
    %dma_start3A_44 = arith.constant 0 : i32
    %dma_start3A_45 = tpu.memref_slice %arg6[%dma_start3A_43, %dma_start3A_44] : memref<40x128xi32, #tpu.memory_space<vmem>> -> memref<1x128xi32, #tpu.memory_space<vmem>>
    %dma_start3A_46 = tpu.memref_squeeze %dma_start3A_45 : memref<1x128xi32, #tpu.memory_space<vmem>> -> memref<128xi32, #tpu.memory_space<vmem>>
    %dma_start3A_47 = arith.constant 0 : i32
    %dma_start3A_48 = arith.constant 0 : i32
    %dma_start3A_49 = tpu.memref_slice %arg13[%dma_start3A_47, %dma_start3A_48] : memref<10240x32xf32, #tpu.memory_space<vmem_shared>> -> memref<10240x32xf32, #tpu.memory_space<vmem_shared>>
    tpu.enqueue_indirect_dma source(%dma_start3A_49 : memref<10240x32xf32, #tpu.memory_space<vmem_shared>>) target(%arg10 : memref<128x32xf32, #tpu.memory_space<vmem>>) offsets(%dma_start3A_46 : memref<128xi32, #tpu.memory_space<vmem>>) semaphore(%arg18 : memref<!tpu.dma_semaphore, #tpu.memory_space<semaphore_mem>>)
    %scan3A_50 = arith.constant 0 : i32
    %scan3A_51 = arith.constant 0 : i32
    %scan3A_52 = arith.constant 10 : i32
    %scan3A_53 = arith.addi %scan3A_51, %scan3A_52 : i32
    %scan3A_54 = arith.constant 1 : i32
    %scan3A_55 = scf.for %scan3A_111 = %scan3A_51 to %scan3A_53 step %scan3A_54 iter_args(%scan3A_112 = %scan3A_50) -> (i32)  : i32 {
      %mul3A_113 = arith.constant 4 : i32
      %mul3A_114 = arith.muli %mul3A_113, %scan3A_111 : i32
      %add3A_115 = arith.constant 0 : i32
      %add3A_116 = arith.addi %mul3A_114, %add3A_115 : i32
      %add3A_117 = arith.constant 2 : i32
      %add3A_118 = arith.addi %add3A_116, %add3A_117 : i32
      %dma_wait3A_119 = arith.constant 0 : i32
      %dma_wait3A_120 = tpu.memref_slice %arg6[%add3A_116, %dma_wait3A_119] : memref<40x128xi32, #tpu.memory_space<vmem>> -> memref<1x128xi32, #tpu.memory_space<vmem>>
      %dma_wait3A_121 = tpu.memref_squeeze %dma_wait3A_120 : memref<1x128xi32, #tpu.memory_space<vmem>> -> memref<128xi32, #tpu.memory_space<vmem>>
      %dma_wait3A_122 = arith.constant 0 : i32
      %dma_wait3A_123 = arith.constant 0 : i32
      %dma_wait3A_124 = tpu.memref_slice %arg13[%dma_wait3A_122, %dma_wait3A_123] : memref<10240x32xf32, #tpu.memory_space<vmem_shared>> -> memref<10240x32xf32, #tpu.memory_space<vmem_shared>>
      tpu.wait_indirect_dma semaphore(%arg14 : memref<!tpu.dma_semaphore, #tpu.memory_space<semaphore_mem>>) src(%dma_wait3A_124 : memref<10240x32xf32, #tpu.memory_space<vmem_shared>>) dst(%arg8 : memref<128x32xf32, #tpu.memory_space<vmem>>)
      %gt3A = arith.constant 0 : i32
      %gt3A_125 = arith.cmpi sgt, %scan3A_111, %gt3A : i32
      %convert_element_type3A = arith.extui %gt3A_125 : i1 to i32
      %cond3A = arith.constant 0 : i32
      %cond3A_126 = arith.cmpi ne, %convert_element_type3A, %cond3A : i32
      scf.if %cond3A_126 {
        %dma_wait3A_214 = arith.constant 0 : i32
        %dma_wait3A_215 = tpu.memref_slice %arg7[%add3A_118, %dma_wait3A_214] : memref<40x128xi32, #tpu.memory_space<vmem>> -> memref<1x128xi32, #tpu.memory_space<vmem>>
        %dma_wait3A_216 = tpu.memref_squeeze %dma_wait3A_215 : memref<1x128xi32, #tpu.memory_space<vmem>> -> memref<128xi32, #tpu.memory_space<vmem>>
        %dma_wait3A_217 = arith.constant 0 : i32
        %dma_wait3A_218 = arith.constant 0 : i32
        %dma_wait3A_219 = tpu.memref_slice %arg12[%dma_wait3A_217, %dma_wait3A_218] : memref<10240x32xf32, #tpu.memory_space<vmem_shared>> -> memref<10240x32xf32, #tpu.memory_space<vmem_shared>>
        tpu.wait_indirect_dma semaphore(%arg17 : memref<!tpu.dma_semaphore, #tpu.memory_space<semaphore_mem>>) src(%arg9 : memref<128x32xf32, #tpu.memory_space<vmem>>) dst(%dma_wait3A_219 : memref<10240x32xf32, #tpu.memory_space<vmem_shared>>)
      } else {
      }
      %dma_start3A_127 = arith.constant 0 : i32
      %dma_start3A_128 = tpu.memref_slice %arg6[%add3A_118, %dma_start3A_127] : memref<40x128xi32, #tpu.memory_space<vmem>> -> memref<1x128xi32, #tpu.memory_space<vmem>>
      %dma_start3A_129 = tpu.memref_squeeze %dma_start3A_128 : memref<1x128xi32, #tpu.memory_space<vmem>> -> memref<128xi32, #tpu.memory_space<vmem>>
      %dma_start3A_130 = arith.constant 0 : i32
      %dma_start3A_131 = arith.constant 0 : i32
      %dma_start3A_132 = tpu.memref_slice %arg13[%dma_start3A_130, %dma_start3A_131] : memref<10240x32xf32, #tpu.memory_space<vmem_shared>> -> memref<10240x32xf32, #tpu.memory_space<vmem_shared>>
      tpu.enqueue_indirect_dma source(%dma_start3A_132 : memref<10240x32xf32, #tpu.memory_space<vmem_shared>>) target(%arg9 : memref<128x32xf32, #tpu.memory_space<vmem>>) offsets(%dma_start3A_129 : memref<128xi32, #tpu.memory_space<vmem>>) semaphore(%arg15 : memref<!tpu.dma_semaphore, #tpu.memory_space<semaphore_mem>>)
      %dma_start3A_133 = arith.constant 0 : i32
      %dma_start3A_134 = tpu.memref_slice %arg7[%add3A_116, %dma_start3A_133] : memref<40x128xi32, #tpu.memory_space<vmem>> -> memref<1x128xi32, #tpu.memory_space<vmem>>
      %dma_start3A_135 = tpu.memref_squeeze %dma_start3A_134 : memref<1x128xi32, #tpu.memory_space<vmem>> -> memref<128xi32, #tpu.memory_space<vmem>>
      %dma_start3A_136 = arith.constant 0 : i32
      %dma_start3A_137 = arith.constant 0 : i32
      %dma_start3A_138 = tpu.memref_slice %arg12[%dma_start3A_136, %dma_start3A_137] : memref<10240x32xf32, #tpu.memory_space<vmem_shared>> -> memref<10240x32xf32, #tpu.memory_space<vmem_shared>>
      tpu.enqueue_indirect_dma source(%arg8 : memref<128x32xf32, #tpu.memory_space<vmem>>) target(%dma_start3A_138 : memref<10240x32xf32, #tpu.memory_space<vmem_shared>>) offsets(%dma_start3A_135 : memref<128xi32, #tpu.memory_space<vmem>>) semaphore(%arg16 : memref<!tpu.dma_semaphore, #tpu.memory_space<semaphore_mem>>) {add = true}
      %dma_wait3A_139 = arith.constant 0 : i32
      %dma_wait3A_140 = tpu.memref_slice %arg6[%add3A_118, %dma_wait3A_139] : memref<40x128xi32, #tpu.memory_space<vmem>> -> memref<1x128xi32, #tpu.memory_space<vmem>>
      %dma_wait3A_141 = tpu.memref_squeeze %dma_wait3A_140 : memref<1x128xi32, #tpu.memory_space<vmem>> -> memref<128xi32, #tpu.memory_space<vmem>>
      %dma_wait3A_142 = arith.constant 0 : i32
      %dma_wait3A_143 = arith.constant 0 : i32
      %dma_wait3A_144 = tpu.memref_slice %arg13[%dma_wait3A_142, %dma_wait3A_143] : memref<10240x32xf32, #tpu.memory_space<vmem_shared>> -> memref<10240x32xf32, #tpu.memory_space<vmem_shared>>
      tpu.wait_indirect_dma semaphore(%arg15 : memref<!tpu.dma_semaphore, #tpu.memory_space<semaphore_mem>>) src(%dma_wait3A_144 : memref<10240x32xf32, #tpu.memory_space<vmem_shared>>) dst(%arg9 : memref<128x32xf32, #tpu.memory_space<vmem>>)
      %dma_wait3A_145 = arith.constant 0 : i32
      %dma_wait3A_146 = tpu.memref_slice %arg7[%add3A_116, %dma_wait3A_145] : memref<40x128xi32, #tpu.memory_space<vmem>> -> memref<1x128xi32, #tpu.memory_space<vmem>>
      %dma_wait3A_147 = tpu.memref_squeeze %dma_wait3A_146 : memref<1x128xi32, #tpu.memory_space<vmem>> -> memref<128xi32, #tpu.memory_space<vmem>>
      %dma_wait3A_148 = arith.constant 0 : i32
      %dma_wait3A_149 = arith.constant 0 : i32
      %dma_wait3A_150 = tpu.memref_slice %arg12[%dma_wait3A_148, %dma_wait3A_149] : memref<10240x32xf32, #tpu.memory_space<vmem_shared>> -> memref<10240x32xf32, #tpu.memory_space<vmem_shared>>
      tpu.wait_indirect_dma semaphore(%arg16 : memref<!tpu.dma_semaphore, #tpu.memory_space<semaphore_mem>>) src(%arg8 : memref<128x32xf32, #tpu.memory_space<vmem>>) dst(%dma_wait3A_150 : memref<10240x32xf32, #tpu.memory_space<vmem_shared>>)
      %lt3A = arith.constant 9 : i32
      %lt3A_151 = arith.cmpi slt, %scan3A_111, %lt3A : i32
      %convert_element_type3A_152 = arith.extui %lt3A_151 : i1 to i32
      %cond3A_153 = arith.constant 0 : i32
      %cond3A_154 = arith.cmpi ne, %convert_element_type3A_152, %cond3A_153 : i32
      scf.if %cond3A_154 {
        %add3A_214 = arith.constant 4 : i32
        %add3A_215 = arith.addi %add3A_116, %add3A_214 : i32
        %dma_start3A_216 = arith.constant 0 : i32
        %dma_start3A_217 = tpu.memref_slice %arg6[%add3A_215, %dma_start3A_216] : memref<40x128xi32, #tpu.memory_space<vmem>> -> memref<1x128xi32, #tpu.memory_space<vmem>>
        %dma_start3A_218 = tpu.memref_squeeze %dma_start3A_217 : memref<1x128xi32, #tpu.memory_space<vmem>> -> memref<128xi32, #tpu.memory_space<vmem>>
        %dma_start3A_219 = arith.constant 0 : i32
        %dma_start3A_220 = arith.constant 0 : i32
        %dma_start3A_221 = tpu.memref_slice %arg13[%dma_start3A_219, %dma_start3A_220] : memref<10240x32xf32, #tpu.memory_space<vmem_shared>> -> memref<10240x32xf32, #tpu.memory_space<vmem_shared>>
        tpu.enqueue_indirect_dma source(%dma_start3A_221 : memref<10240x32xf32, #tpu.memory_space<vmem_shared>>) target(%arg8 : memref<128x32xf32, #tpu.memory_space<vmem>>) offsets(%dma_start3A_218 : memref<128xi32, #tpu.memory_space<vmem>>) semaphore(%arg14 : memref<!tpu.dma_semaphore, #tpu.memory_space<semaphore_mem>>)
      } else {
      }
      %dma_start3A_155 = arith.constant 0 : i32
      %dma_start3A_156 = tpu.memref_slice %arg7[%add3A_118, %dma_start3A_155] : memref<40x128xi32, #tpu.memory_space<vmem>> -> memref<1x128xi32, #tpu.memory_space<vmem>>
      %dma_start3A_157 = tpu.memref_squeeze %dma_start3A_156 : memref<1x128xi32, #tpu.memory_space<vmem>> -> memref<128xi32, #tpu.memory_space<vmem>>
      %dma_start3A_158 = arith.constant 0 : i32
      %dma_start3A_159 = arith.constant 0 : i32
      %dma_start3A_160 = tpu.memref_slice %arg12[%dma_start3A_158, %dma_start3A_159] : memref<10240x32xf32, #tpu.memory_space<vmem_shared>> -> memref<10240x32xf32, #tpu.memory_space<vmem_shared>>
      tpu.enqueue_indirect_dma source(%arg9 : memref<128x32xf32, #tpu.memory_space<vmem>>) target(%dma_start3A_160 : memref<10240x32xf32, #tpu.memory_space<vmem_shared>>) offsets(%dma_start3A_157 : memref<128xi32, #tpu.memory_space<vmem>>) semaphore(%arg17 : memref<!tpu.dma_semaphore, #tpu.memory_space<semaphore_mem>>) {add = true}
      %mul3A_161 = arith.constant 4 : i32
      %mul3A_162 = arith.muli %mul3A_161, %scan3A_111 : i32
      %add3A_163 = arith.constant 1 : i32
      %add3A_164 = arith.addi %mul3A_162, %add3A_163 : i32
      %add3A_165 = arith.constant 2 : i32
      %add3A_166 = arith.addi %add3A_164, %add3A_165 : i32
      %dma_wait3A_167 = arith.constant 0 : i32
      %dma_wait3A_168 = tpu.memref_slice %arg6[%add3A_164, %dma_wait3A_167] : memref<40x128xi32, #tpu.memory_space<vmem>> -> memref<1x128xi32, #tpu.memory_space<vmem>>
      %dma_wait3A_169 = tpu.memref_squeeze %dma_wait3A_168 : memref<1x128xi32, #tpu.memory_space<vmem>> -> memref<128xi32, #tpu.memory_space<vmem>>
      %dma_wait3A_170 = arith.constant 0 : i32
      %dma_wait3A_171 = arith.constant 0 : i32
      %dma_wait3A_172 = tpu.memref_slice %arg13[%dma_wait3A_170, %dma_wait3A_171] : memref<10240x32xf32, #tpu.memory_space<vmem_shared>> -> memref<10240x32xf32, #tpu.memory_space<vmem_shared>>
      tpu.wait_indirect_dma semaphore(%arg18 : memref<!tpu.dma_semaphore, #tpu.memory_space<semaphore_mem>>) src(%dma_wait3A_172 : memref<10240x32xf32, #tpu.memory_space<vmem_shared>>) dst(%arg10 : memref<128x32xf32, #tpu.memory_space<vmem>>)
      %gt3A_173 = arith.constant 0 : i32
      %gt3A_174 = arith.cmpi sgt, %scan3A_111, %gt3A_173 : i32
      %convert_element_type3A_175 = arith.extui %gt3A_174 : i1 to i32
      %cond3A_176 = arith.constant 0 : i32
      %cond3A_177 = arith.cmpi ne, %convert_element_type3A_175, %cond3A_176 : i32
      scf.if %cond3A_177 {
        %dma_wait3A_214 = arith.constant 0 : i32
        %dma_wait3A_215 = tpu.memref_slice %arg7[%add3A_166, %dma_wait3A_214] : memref<40x128xi32, #tpu.memory_space<vmem>> -> memref<1x128xi32, #tpu.memory_space<vmem>>
        %dma_wait3A_216 = tpu.memref_squeeze %dma_wait3A_215 : memref<1x128xi32, #tpu.memory_space<vmem>> -> memref<128xi32, #tpu.memory_space<vmem>>
        %dma_wait3A_217 = arith.constant 0 : i32
        %dma_wait3A_218 = arith.constant 0 : i32
        %dma_wait3A_219 = tpu.memref_slice %arg12[%dma_wait3A_217, %dma_wait3A_218] : memref<10240x32xf32, #tpu.memory_space<vmem_shared>> -> memref<10240x32xf32, #tpu.memory_space<vmem_shared>>
        tpu.wait_indirect_dma semaphore(%arg21 : memref<!tpu.dma_semaphore, #tpu.memory_space<semaphore_mem>>) src(%arg11 : memref<128x32xf32, #tpu.memory_space<vmem>>) dst(%dma_wait3A_219 : memref<10240x32xf32, #tpu.memory_space<vmem_shared>>)
      } else {
      }
      %dma_start3A_178 = arith.constant 0 : i32
      %dma_start3A_179 = tpu.memref_slice %arg6[%add3A_166, %dma_start3A_178] : memref<40x128xi32, #tpu.memory_space<vmem>> -> memref<1x128xi32, #tpu.memory_space<vmem>>
      %dma_start3A_180 = tpu.memref_squeeze %dma_start3A_179 : memref<1x128xi32, #tpu.memory_space<vmem>> -> memref<128xi32, #tpu.memory_space<vmem>>
      %dma_start3A_181 = arith.constant 0 : i32
      %dma_start3A_182 = arith.constant 0 : i32
      %dma_start3A_183 = tpu.memref_slice %arg13[%dma_start3A_181, %dma_start3A_182] : memref<10240x32xf32, #tpu.memory_space<vmem_shared>> -> memref<10240x32xf32, #tpu.memory_space<vmem_shared>>
      tpu.enqueue_indirect_dma source(%dma_start3A_183 : memref<10240x32xf32, #tpu.memory_space<vmem_shared>>) target(%arg11 : memref<128x32xf32, #tpu.memory_space<vmem>>) offsets(%dma_start3A_180 : memref<128xi32, #tpu.memory_space<vmem>>) semaphore(%arg19 : memref<!tpu.dma_semaphore, #tpu.memory_space<semaphore_mem>>)
      %dma_start3A_184 = arith.constant 0 : i32
      %dma_start3A_185 = tpu.memref_slice %arg7[%add3A_164, %dma_start3A_184] : memref<40x128xi32, #tpu.memory_space<vmem>> -> memref<1x128xi32, #tpu.memory_space<vmem>>
      %dma_start3A_186 = tpu.memref_squeeze %dma_start3A_185 : memref<1x128xi32, #tpu.memory_space<vmem>> -> memref<128xi32, #tpu.memory_space<vmem>>
      %dma_start3A_187 = arith.constant 0 : i32
      %dma_start3A_188 = arith.constant 0 : i32
      %dma_start3A_189 = tpu.memref_slice %arg12[%dma_start3A_187, %dma_start3A_188] : memref<10240x32xf32, #tpu.memory_space<vmem_shared>> -> memref<10240x32xf32, #tpu.memory_space<vmem_shared>>
      tpu.enqueue_indirect_dma source(%arg10 : memref<128x32xf32, #tpu.memory_space<vmem>>) target(%dma_start3A_189 : memref<10240x32xf32, #tpu.memory_space<vmem_shared>>) offsets(%dma_start3A_186 : memref<128xi32, #tpu.memory_space<vmem>>) semaphore(%arg20 : memref<!tpu.dma_semaphore, #tpu.memory_space<semaphore_mem>>) {add = true}
      %dma_wait3A_190 = arith.constant 0 : i32
      %dma_wait3A_191 = tpu.memref_slice %arg6[%add3A_166, %dma_wait3A_190] : memref<40x128xi32, #tpu.memory_space<vmem>> -> memref<1x128xi32, #tpu.memory_space<vmem>>
      %dma_wait3A_192 = tpu.memref_squeeze %dma_wait3A_191 : memref<1x128xi32, #tpu.memory_space<vmem>> -> memref<128xi32, #tpu.memory_space<vmem>>
      %dma_wait3A_193 = arith.constant 0 : i32
      %dma_wait3A_194 = arith.constant 0 : i32
      %dma_wait3A_195 = tpu.memref_slice %arg13[%dma_wait3A_193, %dma_wait3A_194] : memref<10240x32xf32, #tpu.memory_space<vmem_shared>> -> memref<10240x32xf32, #tpu.memory_space<vmem_shared>>
      tpu.wait_indirect_dma semaphore(%arg19 : memref<!tpu.dma_semaphore, #tpu.memory_space<semaphore_mem>>) src(%dma_wait3A_195 : memref<10240x32xf32, #tpu.memory_space<vmem_shared>>) dst(%arg11 : memref<128x32xf32, #tpu.memory_space<vmem>>)
      %dma_wait3A_196 = arith.constant 0 : i32
      %dma_wait3A_197 = tpu.memref_slice %arg7[%add3A_164, %dma_wait3A_196] : memref<40x128xi32, #tpu.memory_space<vmem>> -> memref<1x128xi32, #tpu.memory_space<vmem>>
      %dma_wait3A_198 = tpu.memref_squeeze %dma_wait3A_197 : memref<1x128xi32, #tpu.memory_space<vmem>> -> memref<128xi32, #tpu.memory_space<vmem>>
      %dma_wait3A_199 = arith.constant 0 : i32
      %dma_wait3A_200 = arith.constant 0 : i32
      %dma_wait3A_201 = tpu.memref_slice %arg12[%dma_wait3A_199, %dma_wait3A_200] : memref<10240x32xf32, #tpu.memory_space<vmem_shared>> -> memref<10240x32xf32, #tpu.memory_space<vmem_shared>>
      tpu.wait_indirect_dma semaphore(%arg20 : memref<!tpu.dma_semaphore, #tpu.memory_space<semaphore_mem>>) src(%arg10 : memref<128x32xf32, #tpu.memory_space<vmem>>) dst(%dma_wait3A_201 : memref<10240x32xf32, #tpu.memory_space<vmem_shared>>)
      %lt3A_202 = arith.constant 9 : i32
      %lt3A_203 = arith.cmpi slt, %scan3A_111, %lt3A_202 : i32
      %convert_element_type3A_204 = arith.extui %lt3A_203 : i1 to i32
      %cond3A_205 = arith.constant 0 : i32
      %cond3A_206 = arith.cmpi ne, %convert_element_type3A_204, %cond3A_205 : i32
      scf.if %cond3A_206 {
        %add3A_214 = arith.constant 4 : i32
        %add3A_215 = arith.addi %add3A_164, %add3A_214 : i32
        %dma_start3A_216 = arith.constant 0 : i32
        %dma_start3A_217 = tpu.memref_slice %arg6[%add3A_215, %dma_start3A_216] : memref<40x128xi32, #tpu.memory_space<vmem>> -> memref<1x128xi32, #tpu.memory_space<vmem>>
        %dma_start3A_218 = tpu.memref_squeeze %dma_start3A_217 : memref<1x128xi32, #tpu.memory_space<vmem>> -> memref<128xi32, #tpu.memory_space<vmem>>
        %dma_start3A_219 = arith.constant 0 : i32
        %dma_start3A_220 = arith.constant 0 : i32
        %dma_start3A_221 = tpu.memref_slice %arg13[%dma_start3A_219, %dma_start3A_220] : memref<10240x32xf32, #tpu.memory_space<vmem_shared>> -> memref<10240x32xf32, #tpu.memory_space<vmem_shared>>
        tpu.enqueue_indirect_dma source(%dma_start3A_221 : memref<10240x32xf32, #tpu.memory_space<vmem_shared>>) target(%arg10 : memref<128x32xf32, #tpu.memory_space<vmem>>) offsets(%dma_start3A_218 : memref<128xi32, #tpu.memory_space<vmem>>) semaphore(%arg18 : memref<!tpu.dma_semaphore, #tpu.memory_space<semaphore_mem>>)
      } else {
      }
      %dma_start3A_207 = arith.constant 0 : i32
      %dma_start3A_208 = tpu.memref_slice %arg7[%add3A_166, %dma_start3A_207] : memref<40x128xi32, #tpu.memory_space<vmem>> -> memref<1x128xi32, #tpu.memory_space<vmem>>
      %dma_start3A_209 = tpu.memref_squeeze %dma_start3A_208 : memref<1x128xi32, #tpu.memory_space<vmem>> -> memref<128xi32, #tpu.memory_space<vmem>>
      %dma_start3A_210 = arith.constant 0 : i32
      %dma_start3A_211 = arith.constant 0 : i32
      %dma_start3A_212 = tpu.memref_slice %arg12[%dma_start3A_210, %dma_start3A_211] : memref<10240x32xf32, #tpu.memory_space<vmem_shared>> -> memref<10240x32xf32, #tpu.memory_space<vmem_shared>>
      tpu.enqueue_indirect_dma source(%arg11 : memref<128x32xf32, #tpu.memory_space<vmem>>) target(%dma_start3A_212 : memref<10240x32xf32, #tpu.memory_space<vmem_shared>>) offsets(%dma_start3A_209 : memref<128xi32, #tpu.memory_space<vmem>>) semaphore(%arg21 : memref<!tpu.dma_semaphore, #tpu.memory_space<semaphore_mem>>) {add = true}
      %scan3A_213 = arith.constant 0 : i32
      scf.yield %scan3A_213 : i32
    }
    %scan3A_56 = arith.constant 10 : i32
    %dma_wait3A_57 = arith.constant 38 : i32
    %dma_wait3A_58 = arith.constant 0 : i32
    %dma_wait3A_59 = tpu.memref_slice %arg7[%dma_wait3A_57, %dma_wait3A_58] : memref<40x128xi32, #tpu.memory_space<vmem>> -> memref<1x128xi32, #tpu.memory_space<vmem>>
    %dma_wait3A_60 = tpu.memref_squeeze %dma_wait3A_59 : memref<1x128xi32, #tpu.memory_space<vmem>> -> memref<128xi32, #tpu.memory_space<vmem>>
    %dma_wait3A_61 = arith.constant 0 : i32
    %dma_wait3A_62 = arith.constant 0 : i32
    %dma_wait3A_63 = tpu.memref_slice %arg12[%dma_wait3A_61, %dma_wait3A_62] : memref<10240x32xf32, #tpu.memory_space<vmem_shared>> -> memref<10240x32xf32, #tpu.memory_space<vmem_shared>>
    tpu.wait_indirect_dma semaphore(%arg17 : memref<!tpu.dma_semaphore, #tpu.memory_space<semaphore_mem>>) src(%arg9 : memref<128x32xf32, #tpu.memory_space<vmem>>) dst(%dma_wait3A_63 : memref<10240x32xf32, #tpu.memory_space<vmem_shared>>)
    %dma_wait3A_64 = arith.constant 39 : i32
    %dma_wait3A_65 = arith.constant 0 : i32
    %dma_wait3A_66 = tpu.memref_slice %arg7[%dma_wait3A_64, %dma_wait3A_65] : memref<40x128xi32, #tpu.memory_space<vmem>> -> memref<1x128xi32, #tpu.memory_space<vmem>>
    %dma_wait3A_67 = tpu.memref_squeeze %dma_wait3A_66 : memref<1x128xi32, #tpu.memory_space<vmem>> -> memref<128xi32, #tpu.memory_space<vmem>>
    %dma_wait3A_68 = arith.constant 0 : i32
    %dma_wait3A_69 = arith.constant 0 : i32
    %dma_wait3A_70 = tpu.memref_slice %arg12[%dma_wait3A_68, %dma_wait3A_69] : memref<10240x32xf32, #tpu.memory_space<vmem_shared>> -> memref<10240x32xf32, #tpu.memory_space<vmem_shared>>
    tpu.wait_indirect_dma semaphore(%arg21 : memref<!tpu.dma_semaphore, #tpu.memory_space<semaphore_mem>>) src(%arg11 : memref<128x32xf32, #tpu.memory_space<vmem>>) dst(%dma_wait3A_70 : memref<10240x32xf32, #tpu.memory_space<vmem_shared>>)
    "tpu.region"() ({
      %run_scoped3A = tpu.sem_alloc : memref<!tpu.dma_semaphore, #tpu.memory_space<semaphore_mem>>
      %dma_start3A_111 = arith.constant 40 : i32
      %dma_start3A_112 = arith.constant 0 : i32
      %dma_start3A_113 = tpu.memref_slice %arg2[%add3A, %dma_start3A_111, %dma_start3A_112] : memref<32x80x128xi32, #tpu.memory_space<hbm>> -> memref<1x40x128xi32, #tpu.memory_space<hbm>>
      %dma_start3A_114 = tpu.memref_squeeze %dma_start3A_113 : memref<1x40x128xi32, #tpu.memory_space<hbm>> -> memref<40x128xi32, #tpu.memory_space<hbm>>
      %dma_start3A_115 = arith.constant 40 : i32
      %dma_start3A_116 = arith.constant 0 : i32
      %dma_start3A_117 = tpu.memref_slice %arg2[%add3A, %dma_start3A_115, %dma_start3A_116] : memref<32x80x128xi32, #tpu.memory_space<hbm>> -> memref<1x40x128xi32, #tpu.memory_space<hbm>>
      %dma_start3A_118 = tpu.memref_squeeze %dma_start3A_117 : memref<1x40x128xi32, #tpu.memory_space<hbm>> -> memref<40x128xi32, #tpu.memory_space<hbm>>
      tpu.enqueue_dma source(%dma_start3A_118 : memref<40x128xi32, #tpu.memory_space<hbm>>) target(%arg6 : memref<40x128xi32, #tpu.memory_space<vmem>>) target_semaphore(%run_scoped3A : memref<!tpu.dma_semaphore, #tpu.memory_space<semaphore_mem>>)
      %dma_wait3A_119 = arith.constant 40 : i32
      %dma_wait3A_120 = arith.constant 0 : i32
      %dma_wait3A_121 = tpu.memref_slice %arg2[%add3A, %dma_wait3A_119, %dma_wait3A_120] : memref<32x80x128xi32, #tpu.memory_space<hbm>> -> memref<1x40x128xi32, #tpu.memory_space<hbm>>
      %dma_wait3A_122 = tpu.memref_squeeze %dma_wait3A_121 : memref<1x40x128xi32, #tpu.memory_space<hbm>> -> memref<40x128xi32, #tpu.memory_space<hbm>>
      %dma_wait3A_123 = arith.constant 40 : i32
      %dma_wait3A_124 = arith.constant 0 : i32
      %dma_wait3A_125 = tpu.memref_slice %arg2[%add3A, %dma_wait3A_123, %dma_wait3A_124] : memref<32x80x128xi32, #tpu.memory_space<hbm>> -> memref<1x40x128xi32, #tpu.memory_space<hbm>>
      %dma_wait3A_126 = tpu.memref_squeeze %dma_wait3A_125 : memref<1x40x128xi32, #tpu.memory_space<hbm>> -> memref<40x128xi32, #tpu.memory_space<hbm>>
      tpu.wait_dma2 semaphore(%run_scoped3A : memref<!tpu.dma_semaphore, #tpu.memory_space<semaphore_mem>>) src(%dma_wait3A_126 : memref<40x128xi32, #tpu.memory_space<hbm>>) dst(%arg6 : memref<40x128xi32, #tpu.memory_space<vmem>>)
      tpu.yield
    }) : () -> ()
    "tpu.region"() ({
      %run_scoped3A = tpu.sem_alloc : memref<!tpu.dma_semaphore, #tpu.memory_space<semaphore_mem>>
      %dma_start3A_111 = arith.constant 40 : i32
      %dma_start3A_112 = arith.constant 0 : i32
      %dma_start3A_113 = tpu.memref_slice %arg3[%add3A, %dma_start3A_111, %dma_start3A_112] : memref<32x80x128xi32, #tpu.memory_space<hbm>> -> memref<1x40x128xi32, #tpu.memory_space<hbm>>
      %dma_start3A_114 = tpu.memref_squeeze %dma_start3A_113 : memref<1x40x128xi32, #tpu.memory_space<hbm>> -> memref<40x128xi32, #tpu.memory_space<hbm>>
      %dma_start3A_115 = arith.constant 40 : i32
      %dma_start3A_116 = arith.constant 0 : i32
      %dma_start3A_117 = tpu.memref_slice %arg3[%add3A, %dma_start3A_115, %dma_start3A_116] : memref<32x80x128xi32, #tpu.memory_space<hbm>> -> memref<1x40x128xi32, #tpu.memory_space<hbm>>
      %dma_start3A_118 = tpu.memref_squeeze %dma_start3A_117 : memref<1x40x128xi32, #tpu.memory_space<hbm>> -> memref<40x128xi32, #tpu.memory_space<hbm>>
      tpu.enqueue_dma source(%dma_start3A_118 : memref<40x128xi32, #tpu.memory_space<hbm>>) target(%arg7 : memref<40x128xi32, #tpu.memory_space<vmem>>) target_semaphore(%run_scoped3A : memref<!tpu.dma_semaphore, #tpu.memory_space<semaphore_mem>>)
      %dma_wait3A_119 = arith.constant 40 : i32
      %dma_wait3A_120 = arith.constant 0 : i32
      %dma_wait3A_121 = tpu.memref_slice %arg3[%add3A, %dma_wait3A_119, %dma_wait3A_120] : memref<32x80x128xi32, #tpu.memory_space<hbm>> -> memref<1x40x128xi32, #tpu.memory_space<hbm>>
      %dma_wait3A_122 = tpu.memref_squeeze %dma_wait3A_121 : memref<1x40x128xi32, #tpu.memory_space<hbm>> -> memref<40x128xi32, #tpu.memory_space<hbm>>
      %dma_wait3A_123 = arith.constant 40 : i32
      %dma_wait3A_124 = arith.constant 0 : i32
      %dma_wait3A_125 = tpu.memref_slice %arg3[%add3A, %dma_wait3A_123, %dma_wait3A_124] : memref<32x80x128xi32, #tpu.memory_space<hbm>> -> memref<1x40x128xi32, #tpu.memory_space<hbm>>
      %dma_wait3A_126 = tpu.memref_squeeze %dma_wait3A_125 : memref<1x40x128xi32, #tpu.memory_space<hbm>> -> memref<40x128xi32, #tpu.memory_space<hbm>>
      tpu.wait_dma2 semaphore(%run_scoped3A : memref<!tpu.dma_semaphore, #tpu.memory_space<semaphore_mem>>) src(%dma_wait3A_126 : memref<40x128xi32, #tpu.memory_space<hbm>>) dst(%arg7 : memref<40x128xi32, #tpu.memory_space<vmem>>)
      tpu.yield
    }) : () -> ()
    %dma_start3A_71 = arith.constant 0 : i32
    %dma_start3A_72 = arith.constant 0 : i32
    %dma_start3A_73 = tpu.memref_slice %arg6[%dma_start3A_71, %dma_start3A_72] : memref<40x128xi32, #tpu.memory_space<vmem>> -> memref<1x128xi32, #tpu.memory_space<vmem>>
    %dma_start3A_74 = tpu.memref_squeeze %dma_start3A_73 : memref<1x128xi32, #tpu.memory_space<vmem>> -> memref<128xi32, #tpu.memory_space<vmem>>
    %dma_start3A_75 = arith.constant 0 : i32
    %dma_start3A_76 = arith.constant 0 : i32
    %dma_start3A_77 = tpu.memref_slice %arg13[%dma_start3A_75, %dma_start3A_76] : memref<10240x32xf32, #tpu.memory_space<vmem_shared>> -> memref<10240x32xf32, #tpu.memory_space<vmem_shared>>
    tpu.enqueue_indirect_dma source(%dma_start3A_77 : memref<10240x32xf32, #tpu.memory_space<vmem_shared>>) target(%arg8 : memref<128x32xf32, #tpu.memory_space<vmem>>) offsets(%dma_start3A_74 : memref<128xi32, #tpu.memory_space<vmem>>) semaphore(%arg14 : memref<!tpu.dma_semaphore, #tpu.memory_space<semaphore_mem>>)
    %dma_start3A_78 = arith.constant 1 : i32
    %dma_start3A_79 = arith.constant 0 : i32
    %dma_start3A_80 = tpu.memref_slice %arg6[%dma_start3A_78, %dma_start3A_79] : memref<40x128xi32, #tpu.memory_space<vmem>> -> memref<1x128xi32, #tpu.memory_space<vmem>>
    %dma_start3A_81 = tpu.memref_squeeze %dma_start3A_80 : memref<1x128xi32, #tpu.memory_space<vmem>> -> memref<128xi32, #tpu.memory_space<vmem>>
    %dma_start3A_82 = arith.constant 0 : i32
    %dma_start3A_83 = arith.constant 0 : i32
    %dma_start3A_84 = tpu.memref_slice %arg13[%dma_start3A_82, %dma_start3A_83] : memref<10240x32xf32, #tpu.memory_space<vmem_shared>> -> memref<10240x32xf32, #tpu.memory_space<vmem_shared>>
    tpu.enqueue_indirect_dma source(%dma_start3A_84 : memref<10240x32xf32, #tpu.memory_space<vmem_shared>>) target(%arg10 : memref<128x32xf32, #tpu.memory_space<vmem>>) offsets(%dma_start3A_81 : memref<128xi32, #tpu.memory_space<vmem>>) semaphore(%arg18 : memref<!tpu.dma_semaphore, #tpu.memory_space<semaphore_mem>>)
    %scan3A_85 = arith.constant 0 : i32
    %scan3A_86 = arith.constant 0 : i32
    %scan3A_87 = arith.constant 10 : i32
    %scan3A_88 = arith.addi %scan3A_86, %scan3A_87 : i32
    %scan3A_89 = arith.constant 1 : i32
    %scan3A_90 = scf.for %scan3A_111 = %scan3A_86 to %scan3A_88 step %scan3A_89 iter_args(%scan3A_112 = %scan3A_85) -> (i32)  : i32 {
      %mul3A_113 = arith.constant 4 : i32
      %mul3A_114 = arith.muli %mul3A_113, %scan3A_111 : i32
      %add3A_115 = arith.constant 0 : i32
      %add3A_116 = arith.addi %mul3A_114, %add3A_115 : i32
      %add3A_117 = arith.constant 2 : i32
      %add3A_118 = arith.addi %add3A_116, %add3A_117 : i32
      %dma_wait3A_119 = arith.constant 0 : i32
      %dma_wait3A_120 = tpu.memref_slice %arg6[%add3A_116, %dma_wait3A_119] : memref<40x128xi32, #tpu.memory_space<vmem>> -> memref<1x128xi32, #tpu.memory_space<vmem>>
      %dma_wait3A_121 = tpu.memref_squeeze %dma_wait3A_120 : memref<1x128xi32, #tpu.memory_space<vmem>> -> memref<128xi32, #tpu.memory_space<vmem>>
      %dma_wait3A_122 = arith.constant 0 : i32
      %dma_wait3A_123 = arith.constant 0 : i32
      %dma_wait3A_124 = tpu.memref_slice %arg13[%dma_wait3A_122, %dma_wait3A_123] : memref<10240x32xf32, #tpu.memory_space<vmem_shared>> -> memref<10240x32xf32, #tpu.memory_space<vmem_shared>>
      tpu.wait_indirect_dma semaphore(%arg14 : memref<!tpu.dma_semaphore, #tpu.memory_space<semaphore_mem>>) src(%dma_wait3A_124 : memref<10240x32xf32, #tpu.memory_space<vmem_shared>>) dst(%arg8 : memref<128x32xf32, #tpu.memory_space<vmem>>)
      %gt3A = arith.constant 0 : i32
      %gt3A_125 = arith.cmpi sgt, %scan3A_111, %gt3A : i32
      %convert_element_type3A = arith.extui %gt3A_125 : i1 to i32
      %cond3A = arith.constant 0 : i32
      %cond3A_126 = arith.cmpi ne, %convert_element_type3A, %cond3A : i32
      scf.if %cond3A_126 {
        %dma_wait3A_214 = arith.constant 0 : i32
        %dma_wait3A_215 = tpu.memref_slice %arg7[%add3A_118, %dma_wait3A_214] : memref<40x128xi32, #tpu.memory_space<vmem>> -> memref<1x128xi32, #tpu.memory_space<vmem>>
        %dma_wait3A_216 = tpu.memref_squeeze %dma_wait3A_215 : memref<1x128xi32, #tpu.memory_space<vmem>> -> memref<128xi32, #tpu.memory_space<vmem>>
        %dma_wait3A_217 = arith.constant 0 : i32
        %dma_wait3A_218 = arith.constant 0 : i32
        %dma_wait3A_219 = tpu.memref_slice %arg12[%dma_wait3A_217, %dma_wait3A_218] : memref<10240x32xf32, #tpu.memory_space<vmem_shared>> -> memref<10240x32xf32, #tpu.memory_space<vmem_shared>>
        tpu.wait_indirect_dma semaphore(%arg17 : memref<!tpu.dma_semaphore, #tpu.memory_space<semaphore_mem>>) src(%arg9 : memref<128x32xf32, #tpu.memory_space<vmem>>) dst(%dma_wait3A_219 : memref<10240x32xf32, #tpu.memory_space<vmem_shared>>)
      } else {
      }
      %dma_start3A_127 = arith.constant 0 : i32
      %dma_start3A_128 = tpu.memref_slice %arg6[%add3A_118, %dma_start3A_127] : memref<40x128xi32, #tpu.memory_space<vmem>> -> memref<1x128xi32, #tpu.memory_space<vmem>>
      %dma_start3A_129 = tpu.memref_squeeze %dma_start3A_128 : memref<1x128xi32, #tpu.memory_space<vmem>> -> memref<128xi32, #tpu.memory_space<vmem>>
      %dma_start3A_130 = arith.constant 0 : i32
      %dma_start3A_131 = arith.constant 0 : i32
      %dma_start3A_132 = tpu.memref_slice %arg13[%dma_start3A_130, %dma_start3A_131] : memref<10240x32xf32, #tpu.memory_space<vmem_shared>> -> memref<10240x32xf32, #tpu.memory_space<vmem_shared>>
      tpu.enqueue_indirect_dma source(%dma_start3A_132 : memref<10240x32xf32, #tpu.memory_space<vmem_shared>>) target(%arg9 : memref<128x32xf32, #tpu.memory_space<vmem>>) offsets(%dma_start3A_129 : memref<128xi32, #tpu.memory_space<vmem>>) semaphore(%arg15 : memref<!tpu.dma_semaphore, #tpu.memory_space<semaphore_mem>>)
      %dma_start3A_133 = arith.constant 0 : i32
      %dma_start3A_134 = tpu.memref_slice %arg7[%add3A_116, %dma_start3A_133] : memref<40x128xi32, #tpu.memory_space<vmem>> -> memref<1x128xi32, #tpu.memory_space<vmem>>
      %dma_start3A_135 = tpu.memref_squeeze %dma_start3A_134 : memref<1x128xi32, #tpu.memory_space<vmem>> -> memref<128xi32, #tpu.memory_space<vmem>>
      %dma_start3A_136 = arith.constant 0 : i32
      %dma_start3A_137 = arith.constant 0 : i32
      %dma_start3A_138 = tpu.memref_slice %arg12[%dma_start3A_136, %dma_start3A_137] : memref<10240x32xf32, #tpu.memory_space<vmem_shared>> -> memref<10240x32xf32, #tpu.memory_space<vmem_shared>>
      tpu.enqueue_indirect_dma source(%arg8 : memref<128x32xf32, #tpu.memory_space<vmem>>) target(%dma_start3A_138 : memref<10240x32xf32, #tpu.memory_space<vmem_shared>>) offsets(%dma_start3A_135 : memref<128xi32, #tpu.memory_space<vmem>>) semaphore(%arg16 : memref<!tpu.dma_semaphore, #tpu.memory_space<semaphore_mem>>) {add = true}
      %dma_wait3A_139 = arith.constant 0 : i32
      %dma_wait3A_140 = tpu.memref_slice %arg6[%add3A_118, %dma_wait3A_139] : memref<40x128xi32, #tpu.memory_space<vmem>> -> memref<1x128xi32, #tpu.memory_space<vmem>>
      %dma_wait3A_141 = tpu.memref_squeeze %dma_wait3A_140 : memref<1x128xi32, #tpu.memory_space<vmem>> -> memref<128xi32, #tpu.memory_space<vmem>>
      %dma_wait3A_142 = arith.constant 0 : i32
      %dma_wait3A_143 = arith.constant 0 : i32
      %dma_wait3A_144 = tpu.memref_slice %arg13[%dma_wait3A_142, %dma_wait3A_143] : memref<10240x32xf32, #tpu.memory_space<vmem_shared>> -> memref<10240x32xf32, #tpu.memory_space<vmem_shared>>
      tpu.wait_indirect_dma semaphore(%arg15 : memref<!tpu.dma_semaphore, #tpu.memory_space<semaphore_mem>>) src(%dma_wait3A_144 : memref<10240x32xf32, #tpu.memory_space<vmem_shared>>) dst(%arg9 : memref<128x32xf32, #tpu.memory_space<vmem>>)
      %dma_wait3A_145 = arith.constant 0 : i32
      %dma_wait3A_146 = tpu.memref_slice %arg7[%add3A_116, %dma_wait3A_145] : memref<40x128xi32, #tpu.memory_space<vmem>> -> memref<1x128xi32, #tpu.memory_space<vmem>>
      %dma_wait3A_147 = tpu.memref_squeeze %dma_wait3A_146 : memref<1x128xi32, #tpu.memory_space<vmem>> -> memref<128xi32, #tpu.memory_space<vmem>>
      %dma_wait3A_148 = arith.constant 0 : i32
      %dma_wait3A_149 = arith.constant 0 : i32
      %dma_wait3A_150 = tpu.memref_slice %arg12[%dma_wait3A_148, %dma_wait3A_149] : memref<10240x32xf32, #tpu.memory_space<vmem_shared>> -> memref<10240x32xf32, #tpu.memory_space<vmem_shared>>
      tpu.wait_indirect_dma semaphore(%arg16 : memref<!tpu.dma_semaphore, #tpu.memory_space<semaphore_mem>>) src(%arg8 : memref<128x32xf32, #tpu.memory_space<vmem>>) dst(%dma_wait3A_150 : memref<10240x32xf32, #tpu.memory_space<vmem_shared>>)
      %lt3A = arith.constant 9 : i32
      %lt3A_151 = arith.cmpi slt, %scan3A_111, %lt3A : i32
      %convert_element_type3A_152 = arith.extui %lt3A_151 : i1 to i32
      %cond3A_153 = arith.constant 0 : i32
      %cond3A_154 = arith.cmpi ne, %convert_element_type3A_152, %cond3A_153 : i32
      scf.if %cond3A_154 {
        %add3A_214 = arith.constant 4 : i32
        %add3A_215 = arith.addi %add3A_116, %add3A_214 : i32
        %dma_start3A_216 = arith.constant 0 : i32
        %dma_start3A_217 = tpu.memref_slice %arg6[%add3A_215, %dma_start3A_216] : memref<40x128xi32, #tpu.memory_space<vmem>> -> memref<1x128xi32, #tpu.memory_space<vmem>>
        %dma_start3A_218 = tpu.memref_squeeze %dma_start3A_217 : memref<1x128xi32, #tpu.memory_space<vmem>> -> memref<128xi32, #tpu.memory_space<vmem>>
        %dma_start3A_219 = arith.constant 0 : i32
        %dma_start3A_220 = arith.constant 0 : i32
        %dma_start3A_221 = tpu.memref_slice %arg13[%dma_start3A_219, %dma_start3A_220] : memref<10240x32xf32, #tpu.memory_space<vmem_shared>> -> memref<10240x32xf32, #tpu.memory_space<vmem_shared>>
        tpu.enqueue_indirect_dma source(%dma_start3A_221 : memref<10240x32xf32, #tpu.memory_space<vmem_shared>>) target(%arg8 : memref<128x32xf32, #tpu.memory_space<vmem>>) offsets(%dma_start3A_218 : memref<128xi32, #tpu.memory_space<vmem>>) semaphore(%arg14 : memref<!tpu.dma_semaphore, #tpu.memory_space<semaphore_mem>>)
      } else {
      }
      %dma_start3A_155 = arith.constant 0 : i32
      %dma_start3A_156 = tpu.memref_slice %arg7[%add3A_118, %dma_start3A_155] : memref<40x128xi32, #tpu.memory_space<vmem>> -> memref<1x128xi32, #tpu.memory_space<vmem>>
      %dma_start3A_157 = tpu.memref_squeeze %dma_start3A_156 : memref<1x128xi32, #tpu.memory_space<vmem>> -> memref<128xi32, #tpu.memory_space<vmem>>
      %dma_start3A_158 = arith.constant 0 : i32
      %dma_start3A_159 = arith.constant 0 : i32
      %dma_start3A_160 = tpu.memref_slice %arg12[%dma_start3A_158, %dma_start3A_159] : memref<10240x32xf32, #tpu.memory_space<vmem_shared>> -> memref<10240x32xf32, #tpu.memory_space<vmem_shared>>
      tpu.enqueue_indirect_dma source(%arg9 : memref<128x32xf32, #tpu.memory_space<vmem>>) target(%dma_start3A_160 : memref<10240x32xf32, #tpu.memory_space<vmem_shared>>) offsets(%dma_start3A_157 : memref<128xi32, #tpu.memory_space<vmem>>) semaphore(%arg17 : memref<!tpu.dma_semaphore, #tpu.memory_space<semaphore_mem>>) {add = true}
      %mul3A_161 = arith.constant 4 : i32
      %mul3A_162 = arith.muli %mul3A_161, %scan3A_111 : i32
      %add3A_163 = arith.constant 1 : i32
      %add3A_164 = arith.addi %mul3A_162, %add3A_163 : i32
      %add3A_165 = arith.constant 2 : i32
      %add3A_166 = arith.addi %add3A_164, %add3A_165 : i32
      %dma_wait3A_167 = arith.constant 0 : i32
      %dma_wait3A_168 = tpu.memref_slice %arg6[%add3A_164, %dma_wait3A_167] : memref<40x128xi32, #tpu.memory_space<vmem>> -> memref<1x128xi32, #tpu.memory_space<vmem>>
      %dma_wait3A_169 = tpu.memref_squeeze %dma_wait3A_168 : memref<1x128xi32, #tpu.memory_space<vmem>> -> memref<128xi32, #tpu.memory_space<vmem>>
      %dma_wait3A_170 = arith.constant 0 : i32
      %dma_wait3A_171 = arith.constant 0 : i32
      %dma_wait3A_172 = tpu.memref_slice %arg13[%dma_wait3A_170, %dma_wait3A_171] : memref<10240x32xf32, #tpu.memory_space<vmem_shared>> -> memref<10240x32xf32, #tpu.memory_space<vmem_shared>>
      tpu.wait_indirect_dma semaphore(%arg18 : memref<!tpu.dma_semaphore, #tpu.memory_space<semaphore_mem>>) src(%dma_wait3A_172 : memref<10240x32xf32, #tpu.memory_space<vmem_shared>>) dst(%arg10 : memref<128x32xf32, #tpu.memory_space<vmem>>)
      %gt3A_173 = arith.constant 0 : i32
      %gt3A_174 = arith.cmpi sgt, %scan3A_111, %gt3A_173 : i32
      %convert_element_type3A_175 = arith.extui %gt3A_174 : i1 to i32
      %cond3A_176 = arith.constant 0 : i32
      %cond3A_177 = arith.cmpi ne, %convert_element_type3A_175, %cond3A_176 : i32
      scf.if %cond3A_177 {
        %dma_wait3A_214 = arith.constant 0 : i32
        %dma_wait3A_215 = tpu.memref_slice %arg7[%add3A_166, %dma_wait3A_214] : memref<40x128xi32, #tpu.memory_space<vmem>> -> memref<1x128xi32, #tpu.memory_space<vmem>>
        %dma_wait3A_216 = tpu.memref_squeeze %dma_wait3A_215 : memref<1x128xi32, #tpu.memory_space<vmem>> -> memref<128xi32, #tpu.memory_space<vmem>>
        %dma_wait3A_217 = arith.constant 0 : i32
        %dma_wait3A_218 = arith.constant 0 : i32
        %dma_wait3A_219 = tpu.memref_slice %arg12[%dma_wait3A_217, %dma_wait3A_218] : memref<10240x32xf32, #tpu.memory_space<vmem_shared>> -> memref<10240x32xf32, #tpu.memory_space<vmem_shared>>
        tpu.wait_indirect_dma semaphore(%arg21 : memref<!tpu.dma_semaphore, #tpu.memory_space<semaphore_mem>>) src(%arg11 : memref<128x32xf32, #tpu.memory_space<vmem>>) dst(%dma_wait3A_219 : memref<10240x32xf32, #tpu.memory_space<vmem_shared>>)
      } else {
      }
      %dma_start3A_178 = arith.constant 0 : i32
      %dma_start3A_179 = tpu.memref_slice %arg6[%add3A_166, %dma_start3A_178] : memref<40x128xi32, #tpu.memory_space<vmem>> -> memref<1x128xi32, #tpu.memory_space<vmem>>
      %dma_start3A_180 = tpu.memref_squeeze %dma_start3A_179 : memref<1x128xi32, #tpu.memory_space<vmem>> -> memref<128xi32, #tpu.memory_space<vmem>>
      %dma_start3A_181 = arith.constant 0 : i32
      %dma_start3A_182 = arith.constant 0 : i32
      %dma_start3A_183 = tpu.memref_slice %arg13[%dma_start3A_181, %dma_start3A_182] : memref<10240x32xf32, #tpu.memory_space<vmem_shared>> -> memref<10240x32xf32, #tpu.memory_space<vmem_shared>>
      tpu.enqueue_indirect_dma source(%dma_start3A_183 : memref<10240x32xf32, #tpu.memory_space<vmem_shared>>) target(%arg11 : memref<128x32xf32, #tpu.memory_space<vmem>>) offsets(%dma_start3A_180 : memref<128xi32, #tpu.memory_space<vmem>>) semaphore(%arg19 : memref<!tpu.dma_semaphore, #tpu.memory_space<semaphore_mem>>)
      %dma_start3A_184 = arith.constant 0 : i32
      %dma_start3A_185 = tpu.memref_slice %arg7[%add3A_164, %dma_start3A_184] : memref<40x128xi32, #tpu.memory_space<vmem>> -> memref<1x128xi32, #tpu.memory_space<vmem>>
      %dma_start3A_186 = tpu.memref_squeeze %dma_start3A_185 : memref<1x128xi32, #tpu.memory_space<vmem>> -> memref<128xi32, #tpu.memory_space<vmem>>
      %dma_start3A_187 = arith.constant 0 : i32
      %dma_start3A_188 = arith.constant 0 : i32
      %dma_start3A_189 = tpu.memref_slice %arg12[%dma_start3A_187, %dma_start3A_188] : memref<10240x32xf32, #tpu.memory_space<vmem_shared>> -> memref<10240x32xf32, #tpu.memory_space<vmem_shared>>
      tpu.enqueue_indirect_dma source(%arg10 : memref<128x32xf32, #tpu.memory_space<vmem>>) target(%dma_start3A_189 : memref<10240x32xf32, #tpu.memory_space<vmem_shared>>) offsets(%dma_start3A_186 : memref<128xi32, #tpu.memory_space<vmem>>) semaphore(%arg20 : memref<!tpu.dma_semaphore, #tpu.memory_space<semaphore_mem>>) {add = true}
      %dma_wait3A_190 = arith.constant 0 : i32
      %dma_wait3A_191 = tpu.memref_slice %arg6[%add3A_166, %dma_wait3A_190] : memref<40x128xi32, #tpu.memory_space<vmem>> -> memref<1x128xi32, #tpu.memory_space<vmem>>
      %dma_wait3A_192 = tpu.memref_squeeze %dma_wait3A_191 : memref<1x128xi32, #tpu.memory_space<vmem>> -> memref<128xi32, #tpu.memory_space<vmem>>
      %dma_wait3A_193 = arith.constant 0 : i32
      %dma_wait3A_194 = arith.constant 0 : i32
      %dma_wait3A_195 = tpu.memref_slice %arg13[%dma_wait3A_193, %dma_wait3A_194] : memref<10240x32xf32, #tpu.memory_space<vmem_shared>> -> memref<10240x32xf32, #tpu.memory_space<vmem_shared>>
      tpu.wait_indirect_dma semaphore(%arg19 : memref<!tpu.dma_semaphore, #tpu.memory_space<semaphore_mem>>) src(%dma_wait3A_195 : memref<10240x32xf32, #tpu.memory_space<vmem_shared>>) dst(%arg11 : memref<128x32xf32, #tpu.memory_space<vmem>>)
      %dma_wait3A_196 = arith.constant 0 : i32
      %dma_wait3A_197 = tpu.memref_slice %arg7[%add3A_164, %dma_wait3A_196] : memref<40x128xi32, #tpu.memory_space<vmem>> -> memref<1x128xi32, #tpu.memory_space<vmem>>
      %dma_wait3A_198 = tpu.memref_squeeze %dma_wait3A_197 : memref<1x128xi32, #tpu.memory_space<vmem>> -> memref<128xi32, #tpu.memory_space<vmem>>
      %dma_wait3A_199 = arith.constant 0 : i32
      %dma_wait3A_200 = arith.constant 0 : i32
      %dma_wait3A_201 = tpu.memref_slice %arg12[%dma_wait3A_199, %dma_wait3A_200] : memref<10240x32xf32, #tpu.memory_space<vmem_shared>> -> memref<10240x32xf32, #tpu.memory_space<vmem_shared>>
      tpu.wait_indirect_dma semaphore(%arg20 : memref<!tpu.dma_semaphore, #tpu.memory_space<semaphore_mem>>) src(%arg10 : memref<128x32xf32, #tpu.memory_space<vmem>>) dst(%dma_wait3A_201 : memref<10240x32xf32, #tpu.memory_space<vmem_shared>>)
      %lt3A_202 = arith.constant 9 : i32
      %lt3A_203 = arith.cmpi slt, %scan3A_111, %lt3A_202 : i32
      %convert_element_type3A_204 = arith.extui %lt3A_203 : i1 to i32
      %cond3A_205 = arith.constant 0 : i32
      %cond3A_206 = arith.cmpi ne, %convert_element_type3A_204, %cond3A_205 : i32
      scf.if %cond3A_206 {
        %add3A_214 = arith.constant 4 : i32
        %add3A_215 = arith.addi %add3A_164, %add3A_214 : i32
        %dma_start3A_216 = arith.constant 0 : i32
        %dma_start3A_217 = tpu.memref_slice %arg6[%add3A_215, %dma_start3A_216] : memref<40x128xi32, #tpu.memory_space<vmem>> -> memref<1x128xi32, #tpu.memory_space<vmem>>
        %dma_start3A_218 = tpu.memref_squeeze %dma_start3A_217 : memref<1x128xi32, #tpu.memory_space<vmem>> -> memref<128xi32, #tpu.memory_space<vmem>>
        %dma_start3A_219 = arith.constant 0 : i32
        %dma_start3A_220 = arith.constant 0 : i32
        %dma_start3A_221 = tpu.memref_slice %arg13[%dma_start3A_219, %dma_start3A_220] : memref<10240x32xf32, #tpu.memory_space<vmem_shared>> -> memref<10240x32xf32, #tpu.memory_space<vmem_shared>>
        tpu.enqueue_indirect_dma source(%dma_start3A_221 : memref<10240x32xf32, #tpu.memory_space<vmem_shared>>) target(%arg10 : memref<128x32xf32, #tpu.memory_space<vmem>>) offsets(%dma_start3A_218 : memref<128xi32, #tpu.memory_space<vmem>>) semaphore(%arg18 : memref<!tpu.dma_semaphore, #tpu.memory_space<semaphore_mem>>)
      } else {
      }
      %dma_start3A_207 = arith.constant 0 : i32
      %dma_start3A_208 = tpu.memref_slice %arg7[%add3A_166, %dma_start3A_207] : memref<40x128xi32, #tpu.memory_space<vmem>> -> memref<1x128xi32, #tpu.memory_space<vmem>>
      %dma_start3A_209 = tpu.memref_squeeze %dma_start3A_208 : memref<1x128xi32, #tpu.memory_space<vmem>> -> memref<128xi32, #tpu.memory_space<vmem>>
      %dma_start3A_210 = arith.constant 0 : i32
      %dma_start3A_211 = arith.constant 0 : i32
      %dma_start3A_212 = tpu.memref_slice %arg12[%dma_start3A_210, %dma_start3A_211] : memref<10240x32xf32, #tpu.memory_space<vmem_shared>> -> memref<10240x32xf32, #tpu.memory_space<vmem_shared>>
      tpu.enqueue_indirect_dma source(%arg11 : memref<128x32xf32, #tpu.memory_space<vmem>>) target(%dma_start3A_212 : memref<10240x32xf32, #tpu.memory_space<vmem_shared>>) offsets(%dma_start3A_209 : memref<128xi32, #tpu.memory_space<vmem>>) semaphore(%arg21 : memref<!tpu.dma_semaphore, #tpu.memory_space<semaphore_mem>>) {add = true}
      %scan3A_213 = arith.constant 0 : i32
      scf.yield %scan3A_213 : i32
    }
    %scan3A_91 = arith.constant 10 : i32
    %dma_wait3A_92 = arith.constant 38 : i32
    %dma_wait3A_93 = arith.constant 0 : i32
    %dma_wait3A_94 = tpu.memref_slice %arg7[%dma_wait3A_92, %dma_wait3A_93] : memref<40x128xi32, #tpu.memory_space<vmem>> -> memref<1x128xi32, #tpu.memory_space<vmem>>
    %dma_wait3A_95 = tpu.memref_squeeze %dma_wait3A_94 : memref<1x128xi32, #tpu.memory_space<vmem>> -> memref<128xi32, #tpu.memory_space<vmem>>
    %dma_wait3A_96 = arith.constant 0 : i32
    %dma_wait3A_97 = arith.constant 0 : i32
    %dma_wait3A_98 = tpu.memref_slice %arg12[%dma_wait3A_96, %dma_wait3A_97] : memref<10240x32xf32, #tpu.memory_space<vmem_shared>> -> memref<10240x32xf32, #tpu.memory_space<vmem_shared>>
    tpu.wait_indirect_dma semaphore(%arg17 : memref<!tpu.dma_semaphore, #tpu.memory_space<semaphore_mem>>) src(%arg9 : memref<128x32xf32, #tpu.memory_space<vmem>>) dst(%dma_wait3A_98 : memref<10240x32xf32, #tpu.memory_space<vmem_shared>>)
    %dma_wait3A_99 = arith.constant 39 : i32
    %dma_wait3A_100 = arith.constant 0 : i32
    %dma_wait3A_101 = tpu.memref_slice %arg7[%dma_wait3A_99, %dma_wait3A_100] : memref<40x128xi32, #tpu.memory_space<vmem>> -> memref<1x128xi32, #tpu.memory_space<vmem>>
    %dma_wait3A_102 = tpu.memref_squeeze %dma_wait3A_101 : memref<1x128xi32, #tpu.memory_space<vmem>> -> memref<128xi32, #tpu.memory_space<vmem>>
    %dma_wait3A_103 = arith.constant 0 : i32
    %dma_wait3A_104 = arith.constant 0 : i32
    %dma_wait3A_105 = tpu.memref_slice %arg12[%dma_wait3A_103, %dma_wait3A_104] : memref<10240x32xf32, #tpu.memory_space<vmem_shared>> -> memref<10240x32xf32, #tpu.memory_space<vmem_shared>>
    tpu.wait_indirect_dma semaphore(%arg21 : memref<!tpu.dma_semaphore, #tpu.memory_space<semaphore_mem>>) src(%arg11 : memref<128x32xf32, #tpu.memory_space<vmem>>) dst(%dma_wait3A_105 : memref<10240x32xf32, #tpu.memory_space<vmem_shared>>)
    %barrier3A_106 = arith.constant 0 : index
    tpu.barrier barrier_id(%barrier3A_106)
    %mul3A_107 = arith.constant 640 : i32
    %mul3A_108 = arith.muli %arg1, %mul3A_107 : i32
    %mul3A_109 = arith.constant 640 : i32
    %mul3A_110 = arith.muli %arg1, %mul3A_109 : i32
    "tpu.region"() ({
      %run_scoped3A = tpu.sem_alloc : memref<!tpu.dma_semaphore, #tpu.memory_space<semaphore_mem>>
      %dma_start3A_111 = arith.constant 0 : i32
      %dma_start3A_112 = tpu.memref_slice %arg5[%arg0, %mul3A_110, %dma_start3A_111] : memref<2x10240x32xf32, #tpu.memory_space<hbm>> -> memref<1x640x32xf32, #tpu.memory_space<hbm>>
      %dma_start3A_113 = tpu.memref_squeeze %dma_start3A_112 : memref<1x640x32xf32, #tpu.memory_space<hbm>> -> memref<640x32xf32, #tpu.memory_space<hbm>>
      %dma_start3A_114 = arith.constant 0 : i32
      %dma_start3A_115 = tpu.memref_slice %arg12[%mul3A_108, %dma_start3A_114] : memref<10240x32xf32, #tpu.memory_space<vmem_shared>> -> memref<640x32xf32, #tpu.memory_space<vmem_shared>>
      tpu.enqueue_dma source(%dma_start3A_115 : memref<640x32xf32, #tpu.memory_space<vmem_shared>>) target(%dma_start3A_113 : memref<640x32xf32, #tpu.memory_space<hbm>>) target_semaphore(%run_scoped3A : memref<!tpu.dma_semaphore, #tpu.memory_space<semaphore_mem>>)
      %dma_wait3A_116 = arith.constant 0 : i32
      %dma_wait3A_117 = tpu.memref_slice %arg5[%arg0, %mul3A_110, %dma_wait3A_116] : memref<2x10240x32xf32, #tpu.memory_space<hbm>> -> memref<1x640x32xf32, #tpu.memory_space<hbm>>
      %dma_wait3A_118 = tpu.memref_squeeze %dma_wait3A_117 : memref<1x640x32xf32, #tpu.memory_space<hbm>> -> memref<640x32xf32, #tpu.memory_space<hbm>>
      %dma_wait3A_119 = arith.constant 0 : i32
      %dma_wait3A_120 = tpu.memref_slice %arg12[%mul3A_108, %dma_wait3A_119] : memref<10240x32xf32, #tpu.memory_space<vmem_shared>> -> memref<640x32xf32, #tpu.memory_space<vmem_shared>>
      tpu.wait_dma2 semaphore(%run_scoped3A : memref<!tpu.dma_semaphore, #tpu.memory_space<semaphore_mem>>) src(%dma_wait3A_120 : memref<640x32xf32, #tpu.memory_space<vmem_shared>>) dst(%dma_wait3A_118 : memref<640x32xf32, #tpu.memory_space<hbm>>)
      tpu.yield
    }) : () -> ()
    return
  }
}

#map = affine_map<(d0, d1) -> (0, 0, 0)>
#map1 = affine_map<(d0, d1) -> (0, 0)>
module attributes {stable_mosaic.version = 14 : i64} {
  func.func @_deg_body(%arg0: i32, %arg1: i32, %arg2: memref<32x80x128xi32, #tpu.memory_space<hbm>>, %arg3: memref<2x10240xf32, #tpu.memory_space<hbm>>, %arg4: memref<80x128xi32, #tpu.memory_space<vmem>>, %arg5: memref<10240xf32, #tpu.memory_space<vmem>>, %arg6: memref<640xf32, #tpu.memory_space<vmem>>, %arg7: memref<640xf32, #tpu.memory_space<vmem>>, %arg8: memref<16x10240xf32, #tpu.memory_space<vmem_shared>>) attributes {dimension_semantics = [#tpu.dimension_semantics<core_parallel>, #tpu.dimension_semantics<subcore_parallel>], iteration_bounds = array<i64: 2, 16>, scalar_prefetch = 0 : i64, scratch_operands = 5 : i64, tpu.core_type = #tpu.core_type<sc_vector_subcore>, window_params = [{transform_indices = #map}, {transform_indices = #map1}]} {
    %mul3A = arith.constant 16 : i32
    %mul3A_0 = arith.muli %arg0, %mul3A : i32
    %add3A = arith.addi %mul3A_0, %arg1 : i32
    "tpu.region"() ({
      %run_scoped3A = tpu.sem_alloc : memref<!tpu.dma_semaphore, #tpu.memory_space<semaphore_mem>>
      %dma_start3A = arith.constant 0 : i32
      %dma_start3A_33 = arith.constant 0 : i32
      %dma_start3A_34 = tpu.memref_slice %arg2[%add3A, %dma_start3A, %dma_start3A_33] : memref<32x80x128xi32, #tpu.memory_space<hbm>> -> memref<1x80x128xi32, #tpu.memory_space<hbm>>
      %dma_start3A_35 = tpu.memref_squeeze %dma_start3A_34 : memref<1x80x128xi32, #tpu.memory_space<hbm>> -> memref<80x128xi32, #tpu.memory_space<hbm>>
      %dma_start3A_36 = arith.constant 0 : i32
      %dma_start3A_37 = arith.constant 0 : i32
      %dma_start3A_38 = tpu.memref_slice %arg2[%add3A, %dma_start3A_36, %dma_start3A_37] : memref<32x80x128xi32, #tpu.memory_space<hbm>> -> memref<1x80x128xi32, #tpu.memory_space<hbm>>
      %dma_start3A_39 = tpu.memref_squeeze %dma_start3A_38 : memref<1x80x128xi32, #tpu.memory_space<hbm>> -> memref<80x128xi32, #tpu.memory_space<hbm>>
      tpu.enqueue_dma source(%dma_start3A_39 : memref<80x128xi32, #tpu.memory_space<hbm>>) target(%arg4 : memref<80x128xi32, #tpu.memory_space<vmem>>) target_semaphore(%run_scoped3A : memref<!tpu.dma_semaphore, #tpu.memory_space<semaphore_mem>>)
      %dma_wait3A = arith.constant 0 : i32
      %dma_wait3A_40 = arith.constant 0 : i32
      %dma_wait3A_41 = tpu.memref_slice %arg2[%add3A, %dma_wait3A, %dma_wait3A_40] : memref<32x80x128xi32, #tpu.memory_space<hbm>> -> memref<1x80x128xi32, #tpu.memory_space<hbm>>
      %dma_wait3A_42 = tpu.memref_squeeze %dma_wait3A_41 : memref<1x80x128xi32, #tpu.memory_space<hbm>> -> memref<80x128xi32, #tpu.memory_space<hbm>>
      %dma_wait3A_43 = arith.constant 0 : i32
      %dma_wait3A_44 = arith.constant 0 : i32
      %dma_wait3A_45 = tpu.memref_slice %arg2[%add3A, %dma_wait3A_43, %dma_wait3A_44] : memref<32x80x128xi32, #tpu.memory_space<hbm>> -> memref<1x80x128xi32, #tpu.memory_space<hbm>>
      %dma_wait3A_46 = tpu.memref_squeeze %dma_wait3A_45 : memref<1x80x128xi32, #tpu.memory_space<hbm>> -> memref<80x128xi32, #tpu.memory_space<hbm>>
      tpu.wait_dma2 semaphore(%run_scoped3A : memref<!tpu.dma_semaphore, #tpu.memory_space<semaphore_mem>>) src(%dma_wait3A_46 : memref<80x128xi32, #tpu.memory_space<hbm>>) dst(%arg4 : memref<80x128xi32, #tpu.memory_space<vmem>>)
      tpu.yield
    }) : () -> ()
    %broadcast_in_dim3A = arith.constant 0.000000e+00 : f32
    %broadcast_in_dim3A_1 = vector.broadcast %broadcast_in_dim3A : f32 to vector<16xf32>
    %broadcast_in_dim3A_2 = arith.constant 1.000000e+00 : f32
    %broadcast_in_dim3A_3 = vector.broadcast %broadcast_in_dim3A_2 : f32 to vector<16xf32>
    %scan3A = arith.constant 0 : i32
    %scan3A_4 = arith.constant 0 : i32
    %scan3A_5 = arith.constant 640 : i32
    %scan3A_6 = arith.addi %scan3A_4, %scan3A_5 : i32
    %scan3A_7 = arith.constant 1 : i32
    %scan3A_8 = scf.for %scan3A_33 = %scan3A_4 to %scan3A_6 step %scan3A_7 iter_args(%scan3A_34 = %scan3A) -> (i32)  : i32 {
      %mul3A_35 = arith.constant 16 : i32
      %mul3A_36 = arith.muli %scan3A_33, %mul3A_35 : i32
      %swap3A = arith.index_cast %mul3A_36 : i32 to index
      %swap3A_37 = tpu.vector_load %arg5[%swap3A] {strides = array<i32>} : memref<10240xf32, #tpu.memory_space<vmem>>, vector<16xf32>,
      tpu.vector_store %arg5[%swap3A], %broadcast_in_dim3A_1 {strides = array<i32>} : memref<10240xf32, #tpu.memory_space<vmem>>, vector<16xf32>,
      %scan3A_38 = arith.constant 0 : i32
      scf.yield %scan3A_38 : i32
    }
    %scan3A_9 = arith.constant 640 : i32
    %scan3A_10 = arith.constant 0 : i32
    %scan3A_11 = arith.constant 0 : i32
    %scan3A_12 = arith.constant 80 : i32
    %scan3A_13 = arith.addi %scan3A_11, %scan3A_12 : i32
    %scan3A_14 = arith.constant 1 : i32
    %scan3A_15 = scf.for %scan3A_33 = %scan3A_11 to %scan3A_13 step %scan3A_14 iter_args(%scan3A_34 = %scan3A_10) -> (i32)  : i32 {
      %get3A = arith.index_cast %scan3A_33 : i32 to index
      %get3A_35 = arith.constant 0 : index
      %get3A_36 = tpu.vector_load %arg4[%get3A, %get3A_35] {strides = array<i32>} : memref<80x128xi32, #tpu.memory_space<vmem>>, vector<16xi32>,
      tpu.vector_store_idx %arg5[%get3A_36], %broadcast_in_dim3A_3 {add = true} : memref<10240xf32, #tpu.memory_space<vmem>>[vector<16xi32>], vector<16xf32>,
      %get3A_37 = arith.index_cast %scan3A_33 : i32 to index
      %get3A_38 = arith.constant 16 : index
      %get3A_39 = tpu.vector_load %arg4[%get3A_37, %get3A_38] {strides = array<i32>} : memref<80x128xi32, #tpu.memory_space<vmem>>, vector<16xi32>,
      tpu.vector_store_idx %arg5[%get3A_39], %broadcast_in_dim3A_3 {add = true} : memref<10240xf32, #tpu.memory_space<vmem>>[vector<16xi32>], vector<16xf32>,
      %get3A_40 = arith.index_cast %scan3A_33 : i32 to index
      %get3A_41 = arith.constant 32 : index
      %get3A_42 = tpu.vector_load %arg4[%get3A_40, %get3A_41] {strides = array<i32>} : memref<80x128xi32, #tpu.memory_space<vmem>>, vector<16xi32>,
      tpu.vector_store_idx %arg5[%get3A_42], %broadcast_in_dim3A_3 {add = true} : memref<10240xf32, #tpu.memory_space<vmem>>[vector<16xi32>], vector<16xf32>,
      %get3A_43 = arith.index_cast %scan3A_33 : i32 to index
      %get3A_44 = arith.constant 48 : index
      %get3A_45 = tpu.vector_load %arg4[%get3A_43, %get3A_44] {strides = array<i32>} : memref<80x128xi32, #tpu.memory_space<vmem>>, vector<16xi32>,
      tpu.vector_store_idx %arg5[%get3A_45], %broadcast_in_dim3A_3 {add = true} : memref<10240xf32, #tpu.memory_space<vmem>>[vector<16xi32>], vector<16xf32>,
      %get3A_46 = arith.index_cast %scan3A_33 : i32 to index
      %get3A_47 = arith.constant 64 : index
      %get3A_48 = tpu.vector_load %arg4[%get3A_46, %get3A_47] {strides = array<i32>} : memref<80x128xi32, #tpu.memory_space<vmem>>, vector<16xi32>,
      tpu.vector_store_idx %arg5[%get3A_48], %broadcast_in_dim3A_3 {add = true} : memref<10240xf32, #tpu.memory_space<vmem>>[vector<16xi32>], vector<16xf32>,
      %get3A_49 = arith.index_cast %scan3A_33 : i32 to index
      %get3A_50 = arith.constant 80 : index
      %get3A_51 = tpu.vector_load %arg4[%get3A_49, %get3A_50] {strides = array<i32>} : memref<80x128xi32, #tpu.memory_space<vmem>>, vector<16xi32>,
      tpu.vector_store_idx %arg5[%get3A_51], %broadcast_in_dim3A_3 {add = true} : memref<10240xf32, #tpu.memory_space<vmem>>[vector<16xi32>], vector<16xf32>,
      %get3A_52 = arith.index_cast %scan3A_33 : i32 to index
      %get3A_53 = arith.constant 96 : index
      %get3A_54 = tpu.vector_load %arg4[%get3A_52, %get3A_53] {strides = array<i32>} : memref<80x128xi32, #tpu.memory_space<vmem>>, vector<16xi32>,
      tpu.vector_store_idx %arg5[%get3A_54], %broadcast_in_dim3A_3 {add = true} : memref<10240xf32, #tpu.memory_space<vmem>>[vector<16xi32>], vector<16xf32>,
      %get3A_55 = arith.index_cast %scan3A_33 : i32 to index
      %get3A_56 = arith.constant 112 : index
      %get3A_57 = tpu.vector_load %arg4[%get3A_55, %get3A_56] {strides = array<i32>} : memref<80x128xi32, #tpu.memory_space<vmem>>, vector<16xi32>,
      tpu.vector_store_idx %arg5[%get3A_57], %broadcast_in_dim3A_3 {add = true} : memref<10240xf32, #tpu.memory_space<vmem>>[vector<16xi32>], vector<16xf32>,
      %scan3A_58 = arith.constant 0 : i32
      scf.yield %scan3A_58 : i32
    }
    %scan3A_16 = arith.constant 80 : i32
    "tpu.region"() ({
      %run_scoped3A = tpu.sem_alloc : memref<!tpu.dma_semaphore, #tpu.memory_space<semaphore_mem>>
      %dma_start3A = arith.constant 0 : i32
      %dma_start3A_33 = tpu.memref_slice %arg8[%arg1, %dma_start3A] : memref<16x10240xf32, #tpu.memory_space<vmem_shared>> -> memref<1x10240xf32, #tpu.memory_space<vmem_shared>>
      %dma_start3A_34 = tpu.memref_squeeze %dma_start3A_33 : memref<1x10240xf32, #tpu.memory_space<vmem_shared>> -> memref<10240xf32, #tpu.memory_space<vmem_shared>>
      %dma_start3A_35 = arith.constant 0 : i32
      %dma_start3A_36 = tpu.memref_slice %arg8[%arg1, %dma_start3A_35] : memref<16x10240xf32, #tpu.memory_space<vmem_shared>> -> memref<1x10240xf32, #tpu.memory_space<vmem_shared>>
      %dma_start3A_37 = tpu.memref_squeeze %dma_start3A_36 : memref<1x10240xf32, #tpu.memory_space<vmem_shared>> -> memref<10240xf32, #tpu.memory_space<vmem_shared>>
      tpu.enqueue_dma source(%arg5 : memref<10240xf32, #tpu.memory_space<vmem>>) target(%dma_start3A_37 : memref<10240xf32, #tpu.memory_space<vmem_shared>>) target_semaphore(%run_scoped3A : memref<!tpu.dma_semaphore, #tpu.memory_space<semaphore_mem>>)
      %dma_wait3A = arith.constant 0 : i32
      %dma_wait3A_38 = tpu.memref_slice %arg8[%arg1, %dma_wait3A] : memref<16x10240xf32, #tpu.memory_space<vmem_shared>> -> memref<1x10240xf32, #tpu.memory_space<vmem_shared>>
      %dma_wait3A_39 = tpu.memref_squeeze %dma_wait3A_38 : memref<1x10240xf32, #tpu.memory_space<vmem_shared>> -> memref<10240xf32, #tpu.memory_space<vmem_shared>>
      %dma_wait3A_40 = arith.constant 0 : i32
      %dma_wait3A_41 = tpu.memref_slice %arg8[%arg1, %dma_wait3A_40] : memref<16x10240xf32, #tpu.memory_space<vmem_shared>> -> memref<1x10240xf32, #tpu.memory_space<vmem_shared>>
      %dma_wait3A_42 = tpu.memref_squeeze %dma_wait3A_41 : memref<1x10240xf32, #tpu.memory_space<vmem_shared>> -> memref<10240xf32, #tpu.memory_space<vmem_shared>>
      tpu.wait_dma2 semaphore(%run_scoped3A : memref<!tpu.dma_semaphore, #tpu.memory_space<semaphore_mem>>) src(%arg5 : memref<10240xf32, #tpu.memory_space<vmem>>) dst(%dma_wait3A_42 : memref<10240xf32, #tpu.memory_space<vmem_shared>>)
      tpu.yield
    }) : () -> ()
    %barrier3A = arith.constant 0 : index
    tpu.barrier barrier_id(%barrier3A)
    %scan3A_17 = arith.constant 0 : i32
    %scan3A_18 = arith.constant 0 : i32
    %scan3A_19 = arith.constant 40 : i32
    %scan3A_20 = arith.addi %scan3A_18, %scan3A_19 : i32
    %scan3A_21 = arith.constant 1 : i32
    %scan3A_22 = scf.for %scan3A_33 = %scan3A_18 to %scan3A_20 step %scan3A_21 iter_args(%scan3A_34 = %scan3A_17) -> (i32)  : i32 {
      %mul3A_35 = arith.constant 16 : i32
      %mul3A_36 = arith.muli %scan3A_33, %mul3A_35 : i32
      %swap3A = arith.index_cast %mul3A_36 : i32 to index
      %swap3A_37 = tpu.vector_load %arg6[%swap3A] {strides = array<i32>} : memref<640xf32, #tpu.memory_space<vmem>>, vector<16xf32>,
      tpu.vector_store %arg6[%swap3A], %broadcast_in_dim3A_1 {strides = array<i32>} : memref<640xf32, #tpu.memory_space<vmem>>, vector<16xf32>,
      %scan3A_38 = arith.constant 0 : i32
      scf.yield %scan3A_38 : i32
    }
    %scan3A_23 = arith.constant 40 : i32
    %scan3A_24 = arith.constant 0 : i32
    %scan3A_25 = arith.constant 0 : i32
    %scan3A_26 = arith.constant 16 : i32
    %scan3A_27 = arith.addi %scan3A_25, %scan3A_26 : i32
    %scan3A_28 = arith.constant 1 : i32
    %scan3A_29 = scf.for %scan3A_33 = %scan3A_25 to %scan3A_27 step %scan3A_28 iter_args(%scan3A_34 = %scan3A_24) -> (i32)  : i32 {
      %mul3A_35 = arith.constant 640 : i32
      %mul3A_36 = arith.muli %arg1, %mul3A_35 : i32
      "tpu.region"() ({
        %run_scoped3A = tpu.sem_alloc : memref<!tpu.dma_semaphore, #tpu.memory_space<semaphore_mem>>
        %dma_start3A = tpu.memref_slice %arg8[%scan3A_33, %mul3A_36] : memref<16x10240xf32, #tpu.memory_space<vmem_shared>> -> memref<1x640xf32, #tpu.memory_space<vmem_shared>>
        %dma_start3A_45 = tpu.memref_squeeze %dma_start3A : memref<1x640xf32, #tpu.memory_space<vmem_shared>> -> memref<640xf32, #tpu.memory_space<vmem_shared>>
        %dma_start3A_46 = tpu.memref_slice %arg8[%scan3A_33, %mul3A_36] : memref<16x10240xf32, #tpu.memory_space<vmem_shared>> -> memref<1x640xf32, #tpu.memory_space<vmem_shared>>
        %dma_start3A_47 = tpu.memref_squeeze %dma_start3A_46 : memref<1x640xf32, #tpu.memory_space<vmem_shared>> -> memref<640xf32, #tpu.memory_space<vmem_shared>>
        tpu.enqueue_dma source(%dma_start3A_47 : memref<640xf32, #tpu.memory_space<vmem_shared>>) target(%arg7 : memref<640xf32, #tpu.memory_space<vmem>>) target_semaphore(%run_scoped3A : memref<!tpu.dma_semaphore, #tpu.memory_space<semaphore_mem>>)
        %dma_wait3A = tpu.memref_slice %arg8[%scan3A_33, %mul3A_36] : memref<16x10240xf32, #tpu.memory_space<vmem_shared>> -> memref<1x640xf32, #tpu.memory_space<vmem_shared>>
        %dma_wait3A_48 = tpu.memref_squeeze %dma_wait3A : memref<1x640xf32, #tpu.memory_space<vmem_shared>> -> memref<640xf32, #tpu.memory_space<vmem_shared>>
        %dma_wait3A_49 = tpu.memref_slice %arg8[%scan3A_33, %mul3A_36] : memref<16x10240xf32, #tpu.memory_space<vmem_shared>> -> memref<1x640xf32, #tpu.memory_space<vmem_shared>>
        %dma_wait3A_50 = tpu.memref_squeeze %dma_wait3A_49 : memref<1x640xf32, #tpu.memory_space<vmem_shared>> -> memref<640xf32, #tpu.memory_space<vmem_shared>>
        tpu.wait_dma2 semaphore(%run_scoped3A : memref<!tpu.dma_semaphore, #tpu.memory_space<semaphore_mem>>) src(%dma_wait3A_50 : memref<640xf32, #tpu.memory_space<vmem_shared>>) dst(%arg7 : memref<640xf32, #tpu.memory_space<vmem>>)
        tpu.yield
      }) : () -> ()
      %scan3A_37 = arith.constant 0 : i32
      %scan3A_38 = arith.constant 0 : i32
      %scan3A_39 = arith.constant 40 : i32
      %scan3A_40 = arith.addi %scan3A_38, %scan3A_39 : i32
      %scan3A_41 = arith.constant 1 : i32
      %scan3A_42 = scf.for %scan3A_45 = %scan3A_38 to %scan3A_40 step %scan3A_41 iter_args(%scan3A_46 = %scan3A_37) -> (i32)  : i32 {
        %mul3A_47 = arith.constant 16 : i32
        %mul3A_48 = arith.muli %scan3A_45, %mul3A_47 : i32
        %get3A = arith.index_cast %mul3A_48 : i32 to index
        %get3A_49 = tpu.vector_load %arg6[%get3A] {strides = array<i32>} : memref<640xf32, #tpu.memory_space<vmem>>, vector<16xf32>,
        %get3A_50 = arith.index_cast %mul3A_48 : i32 to index
        %get3A_51 = tpu.vector_load %arg7[%get3A_50] {strides = array<i32>} : memref<640xf32, #tpu.memory_space<vmem>>, vector<16xf32>,
        %add3A_52 = arith.addf %get3A_49, %get3A_51 : vector<16xf32>
        %swap3A = arith.index_cast %mul3A_48 : i32 to index
        %swap3A_53 = tpu.vector_load %arg6[%swap3A] {strides = array<i32>} : memref<640xf32, #tpu.memory_space<vmem>>, vector<16xf32>,
        tpu.vector_store %arg6[%swap3A], %add3A_52 {strides = array<i32>} : memref<640xf32, #tpu.memory_space<vmem>>, vector<16xf32>,
        %scan3A_54 = arith.constant 0 : i32
        scf.yield %scan3A_54 : i32
      }
      %scan3A_43 = arith.constant 40 : i32
      %scan3A_44 = arith.constant 0 : i32
      scf.yield %scan3A_44 : i32
    }
    %scan3A_30 = arith.constant 16 : i32
    %mul3A_31 = arith.constant 640 : i32
    %mul3A_32 = arith.muli %arg1, %mul3A_31 : i32
    "tpu.region"() ({
      %run_scoped3A = tpu.sem_alloc : memref<!tpu.dma_semaphore, #tpu.memory_space<semaphore_mem>>
      %dma_start3A = tpu.memref_slice %arg3[%arg0, %mul3A_32] : memref<2x10240xf32, #tpu.memory_space<hbm>> -> memref<1x640xf32, #tpu.memory_space<hbm>>
      %dma_start3A_33 = tpu.memref_squeeze %dma_start3A : memref<1x640xf32, #tpu.memory_space<hbm>> -> memref<640xf32, #tpu.memory_space<hbm>>
      %dma_start3A_34 = tpu.memref_slice %arg3[%arg0, %mul3A_32] : memref<2x10240xf32, #tpu.memory_space<hbm>> -> memref<1x640xf32, #tpu.memory_space<hbm>>
      %dma_start3A_35 = tpu.memref_squeeze %dma_start3A_34 : memref<1x640xf32, #tpu.memory_space<hbm>> -> memref<640xf32, #tpu.memory_space<hbm>>
      tpu.enqueue_dma source(%arg6 : memref<640xf32, #tpu.memory_space<vmem>>) target(%dma_start3A_35 : memref<640xf32, #tpu.memory_space<hbm>>) target_semaphore(%run_scoped3A : memref<!tpu.dma_semaphore, #tpu.memory_space<semaphore_mem>>)
      %dma_wait3A = tpu.memref_slice %arg3[%arg0, %mul3A_32] : memref<2x10240xf32, #tpu.memory_space<hbm>> -> memref<1x640xf32, #tpu.memory_space<hbm>>
      %dma_wait3A_36 = tpu.memref_squeeze %dma_wait3A : memref<1x640xf32, #tpu.memory_space<hbm>> -> memref<640xf32, #tpu.memory_space<hbm>>
      %dma_wait3A_37 = tpu.memref_slice %arg3[%arg0, %mul3A_32] : memref<2x10240xf32, #tpu.memory_space<hbm>> -> memref<1x640xf32, #tpu.memory_space<hbm>>
      %dma_wait3A_38 = tpu.memref_squeeze %dma_wait3A_37 : memref<1x640xf32, #tpu.memory_space<hbm>> -> memref<640xf32, #tpu.memory_space<hbm>>
      tpu.wait_dma2 semaphore(%run_scoped3A : memref<!tpu.dma_semaphore, #tpu.memory_space<semaphore_mem>>) src(%arg6 : memref<640xf32, #tpu.memory_space<vmem>>) dst(%dma_wait3A_38 : memref<640xf32, #tpu.memory_space<hbm>>)
      tpu.yield
    }) : () -> ()
    return
  }
}

module attributes {stable_mosaic.version = 14 : i64} {
  func.func @_enc1_body(%arg0: i32, %arg1: memref<1024x128xf32, #tpu.memory_space<vmem>>, %arg2: memref<128x64xf32, #tpu.memory_space<vmem>>, %arg3: memref<2x1024xf32, #tpu.memory_space<vmem>>, %arg4: memref<1024x64xf32, #tpu.memory_space<vmem>>) attributes {dimension_semantics = [#tpu.dimension_semantics<arbitrary>], iteration_bounds = array<i64: 10>, scalar_prefetch = 0 : i64, scratch_operands = 0 : i64, tpu.core_type = #tpu.core_type<tc>, window_params = [{transform_indices = @transform_0, window_bounds = array<i64: 1024, 128>}, {pipeline_mode = #tpu.pipeline_mode<synchronous>, transform_indices = @transform_1, window_bounds = array<i64: 128, 64>}, {transform_indices = @transform_2, window_bounds = array<i64: 2, 1024>}, {transform_indices = @transform_3, window_bounds = array<i64: 1024, 64>}]} {
    %get3A = arith.constant 0 : index
    %get3A_0 = arith.constant 0 : index
    %get3A_1 = vector.load %arg3[%get3A, %get3A_0] : memref<2x1024xf32, #tpu.memory_space<vmem>>, vector<1x1024xf32>
    %get3A_2 = vector.shape_cast %get3A_1 : vector<1x1024xf32> to vector<1024xf32>
    %get3A_3 = arith.constant 1 : index
    %get3A_4 = arith.constant 0 : index
    %get3A_5 = vector.load %arg3[%get3A_3, %get3A_4] : memref<2x1024xf32, #tpu.memory_space<vmem>>, vector<1x1024xf32>
    %get3A_6 = vector.shape_cast %get3A_5 : vector<1x1024xf32> to vector<1024xf32>
    %add3A = arith.addf %get3A_2, %get3A_6 : vector<1024xf32>
    %add3A_7 = arith.constant 1.000000e+00 : f32
    %add3A_8 = vector.broadcast %add3A_7 : f32 to vector<1024xf32>
    %add3A_9 = arith.addf %add3A, %add3A_8 : vector<1024xf32>
    %max3A = arith.constant 1.000000e+00 : f32
    %max3A_10 = vector.broadcast %max3A : f32 to vector<1024xf32>
    %max3A_11 = arith.maximumf %add3A_9, %max3A_10 : vector<1024xf32>
    %rsqrt3A = math.rsqrt %max3A_11 : vector<1024xf32>
    %get3A_12 = arith.constant 0 : index
    %get3A_13 = arith.constant 0 : index
    %get3A_14 = vector.load %arg1[%get3A_12, %get3A_13] : memref<1024x128xf32, #tpu.memory_space<vmem>>, vector<1024x128xf32>
    %get3A_15 = arith.constant 0 : index
    %get3A_16 = arith.constant 0 : index
    %get3A_17 = vector.load %arg2[%get3A_15, %get3A_16] : memref<128x64xf32, #tpu.memory_space<vmem>>, vector<128x64xf32>
    %dot_general3A = arith.constant dense<0.000000e+00> : vector<1024x64xf32>
    %dot_general3A_18 = tpu.matmul %get3A_14, %get3A_17, %dot_general3A {dimension_numbers = #tpu.dot_dimension_numbers<[1], [0], [0], [1], [0, 0, 1, 1], [], []>, precision = #tpu.contract_precision<fp32>, transpose_lhs_hint = false} : vector<1024x128xf32>, vector<128x64xf32>, vector<1024x64xf32> -> vector<1024x64xf32>
    %broadcast_in_dim3A = vector.shape_cast %rsqrt3A : vector<1024xf32> to vector<1024x1xf32>
    %mul3A = vector.broadcast %broadcast_in_dim3A : vector<1024x1xf32> to vector<1024x64xf32>
    %mul3A_19 = arith.mulf %dot_general3A_18, %mul3A : vector<1024x64xf32>
    %swap3A = arith.constant 0 : index
    %swap3A_20 = arith.constant 0 : index
    %swap3A_21 = vector.load %arg4[%swap3A, %swap3A_20] : memref<1024x64xf32, #tpu.memory_space<vmem>>, vector<1024x64xf32>
    tpu.vector_store %arg4[%swap3A, %swap3A_20], %mul3A_19 {strides = array<i32>} : memref<1024x64xf32, #tpu.memory_space<vmem>>, vector<1024x64xf32>,
    return
  }
  func.func @transform_0(%arg0: i32) -> (i32, i32) {
    %c0_i32 = arith.constant 0 : i32
    %c0_i32_0 = arith.constant 0 : i32
    return %arg0, %c0_i32 : i32, i32
  }
  func.func @transform_1(%arg0: i32) -> (i32, i32) {
    %c0_i32 = arith.constant 0 : i32
    %c0_i32_0 = arith.constant 0 : i32
    %c0_i32_1 = arith.constant 0 : i32
    return %c0_i32, %c0_i32_0 : i32, i32
  }
  func.func @transform_2(%arg0: i32) -> (i32, i32) {
    %c0_i32 = arith.constant 0 : i32
    %c0_i32_0 = arith.constant 0 : i32
    return %c0_i32, %arg0 : i32, i32
  }
  func.func @transform_3(%arg0: i32) -> (i32, i32) {
    %c0_i32 = arith.constant 0 : i32
    %c0_i32_0 = arith.constant 0 : i32
    return %arg0, %c0_i32 : i32, i32
  }
}

module attributes {stable_mosaic.version = 14 : i64} {
  func.func @_enc2_body(%arg0: i32, %arg1: memref<2x1024x64xf32, #tpu.memory_space<vmem>>, %arg2: memref<1024x64xf32, #tpu.memory_space<vmem>>, %arg3: memref<2x1024xf32, #tpu.memory_space<vmem>>, %arg4: memref<1x64xf32, #tpu.memory_space<vmem>>, %arg5: memref<64x32xf32, #tpu.memory_space<vmem>>, %arg6: memref<1024x32xf32, #tpu.memory_space<vmem>>) attributes {dimension_semantics = [#tpu.dimension_semantics<arbitrary>], iteration_bounds = array<i64: 10>, scalar_prefetch = 0 : i64, scratch_operands = 0 : i64, tpu.core_type = #tpu.core_type<tc>, window_params = [{transform_indices = @transform_0, window_bounds = array<i64: 2, 1024, 64>}, {transform_indices = @transform_1, window_bounds = array<i64: 1024, 64>}, {transform_indices = @transform_2, window_bounds = array<i64: 2, 1024>}, {pipeline_mode = #tpu.pipeline_mode<synchronous>, transform_indices = @transform_3, window_bounds = array<i64: 1, 64>}, {pipeline_mode = #tpu.pipeline_mode<synchronous>, transform_indices = @transform_4, window_bounds = array<i64: 64, 32>}, {transform_indices = @transform_5, window_bounds = array<i64: 1024, 32>}]} {
    %get3A = arith.constant 0 : index
    %get3A_0 = arith.constant 0 : index
    %get3A_1 = vector.load %arg3[%get3A, %get3A_0] : memref<2x1024xf32, #tpu.memory_space<vmem>>, vector<1x1024xf32>
    %get3A_2 = vector.shape_cast %get3A_1 : vector<1x1024xf32> to vector<1024xf32>
    %get3A_3 = arith.constant 1 : index
    %get3A_4 = arith.constant 0 : index
    %get3A_5 = vector.load %arg3[%get3A_3, %get3A_4] : memref<2x1024xf32, #tpu.memory_space<vmem>>, vector<1x1024xf32>
    %get3A_6 = vector.shape_cast %get3A_5 : vector<1x1024xf32> to vector<1024xf32>
    %add3A = arith.addf %get3A_2, %get3A_6 : vector<1024xf32>
    %add3A_7 = arith.constant 1.000000e+00 : f32
    %add3A_8 = vector.broadcast %add3A_7 : f32 to vector<1024xf32>
    %add3A_9 = arith.addf %add3A, %add3A_8 : vector<1024xf32>
    %max3A = arith.constant 1.000000e+00 : f32
    %max3A_10 = vector.broadcast %max3A : f32 to vector<1024xf32>
    %max3A_11 = arith.maximumf %add3A_9, %max3A_10 : vector<1024xf32>
    %rsqrt3A = math.rsqrt %max3A_11 : vector<1024xf32>
    %broadcast_in_dim3A = vector.shape_cast %rsqrt3A : vector<1024xf32> to vector<1024x1xf32>
    %get3A_12 = arith.constant 0 : index
    %get3A_13 = arith.constant 0 : index
    %get3A_14 = arith.constant 0 : index
    %get3A_15 = vector.load %arg1[%get3A_12, %get3A_13, %get3A_14] : memref<2x1024x64xf32, #tpu.memory_space<vmem>>, vector<1x1024x64xf32>
    %get3A_16 = vector.shape_cast %get3A_15 : vector<1x1024x64xf32> to vector<1024x64xf32>
    %get3A_17 = arith.constant 1 : index
    %get3A_18 = arith.constant 0 : index
    %get3A_19 = arith.constant 0 : index
    %get3A_20 = vector.load %arg1[%get3A_17, %get3A_18, %get3A_19] : memref<2x1024x64xf32, #tpu.memory_space<vmem>>, vector<1x1024x64xf32>
    %get3A_21 = vector.shape_cast %get3A_20 : vector<1x1024x64xf32> to vector<1024x64xf32>
    %add3A_22 = arith.addf %get3A_16, %get3A_21 : vector<1024x64xf32>
    %get3A_23 = arith.constant 0 : index
    %get3A_24 = arith.constant 0 : index
    %get3A_25 = vector.load %arg2[%get3A_23, %get3A_24] : memref<1024x64xf32, #tpu.memory_space<vmem>>, vector<1024x64xf32>
    %add3A_26 = arith.addf %add3A_22, %get3A_25 : vector<1024x64xf32>
    %mul3A = vector.broadcast %broadcast_in_dim3A : vector<1024x1xf32> to vector<1024x64xf32>
    %mul3A_27 = arith.mulf %mul3A, %add3A_26 : vector<1024x64xf32>
    %get3A_28 = arith.constant 0 : index
    %get3A_29 = arith.constant 0 : index
    %get3A_30 = vector.load %arg4[%get3A_28, %get3A_29] : memref<1x64xf32, #tpu.memory_space<vmem>>, vector<1x64xf32>
    %add3A_31 = vector.broadcast %get3A_30 : vector<1x64xf32> to vector<1024x64xf32>
    %add3A_32 = arith.addf %mul3A_27, %add3A_31 : vector<1024x64xf32>
    %max3A_33 = arith.constant 0.000000e+00 : f32
    %max3A_34 = vector.broadcast %max3A_33 : f32 to vector<1024x64xf32>
    %max3A_35 = arith.maximumf %add3A_32, %max3A_34 : vector<1024x64xf32>
    %get3A_36 = arith.constant 0 : index
    %get3A_37 = arith.constant 0 : index
    %get3A_38 = vector.load %arg5[%get3A_36, %get3A_37] : memref<64x32xf32, #tpu.memory_space<vmem>>, vector<64x32xf32>
    %dot_general3A = arith.constant dense<0.000000e+00> : vector<1024x32xf32>
    %dot_general3A_39 = tpu.matmul %max3A_35, %get3A_38, %dot_general3A {dimension_numbers = #tpu.dot_dimension_numbers<[1], [0], [0], [1], [0, 0, 1, 1], [], []>, precision = #tpu.contract_precision<fp32>, transpose_lhs_hint = false} : vector<1024x64xf32>, vector<64x32xf32>, vector<1024x32xf32> -> vector<1024x32xf32>
    %broadcast_in_dim3A_40 = vector.shape_cast %rsqrt3A : vector<1024xf32> to vector<1024x1xf32>
    %mul3A_41 = vector.broadcast %broadcast_in_dim3A_40 : vector<1024x1xf32> to vector<1024x32xf32>
    %mul3A_42 = arith.mulf %dot_general3A_39, %mul3A_41 : vector<1024x32xf32>
    %swap3A = arith.constant 0 : index
    %swap3A_43 = arith.constant 0 : index
    %swap3A_44 = vector.load %arg6[%swap3A, %swap3A_43] : memref<1024x32xf32, #tpu.memory_space<vmem>>, vector<1024x32xf32>
    tpu.vector_store %arg6[%swap3A, %swap3A_43], %mul3A_42 {strides = array<i32>} : memref<1024x32xf32, #tpu.memory_space<vmem>>, vector<1024x32xf32>,
    return
  }
  func.func @transform_0(%arg0: i32) -> (i32, i32, i32) {
    %c0_i32 = arith.constant 0 : i32
    %c0_i32_0 = arith.constant 0 : i32
    %c0_i32_1 = arith.constant 0 : i32
    return %c0_i32, %arg0, %c0_i32_0 : i32, i32, i32
  }
  func.func @transform_1(%arg0: i32) -> (i32, i32) {
    %c0_i32 = arith.constant 0 : i32
    %c0_i32_0 = arith.constant 0 : i32
    return %arg0, %c0_i32 : i32, i32
  }
  func.func @transform_2(%arg0: i32) -> (i32, i32) {
    %c0_i32 = arith.constant 0 : i32
    %c0_i32_0 = arith.constant 0 : i32
    return %c0_i32, %arg0 : i32, i32
  }
  func.func @transform_3(%arg0: i32) -> (i32, i32) {
    %c0_i32 = arith.constant 0 : i32
    %c0_i32_0 = arith.constant 0 : i32
    %c0_i32_1 = arith.constant 0 : i32
    return %c0_i32, %c0_i32_0 : i32, i32
  }
  func.func @transform_4(%arg0: i32) -> (i32, i32) {
    %c0_i32 = arith.constant 0 : i32
    %c0_i32_0 = arith.constant 0 : i32
    %c0_i32_1 = arith.constant 0 : i32
    return %c0_i32, %c0_i32_0 : i32, i32
  }
  func.func @transform_5(%arg0: i32) -> (i32, i32) {
    %c0_i32 = arith.constant 0 : i32
    %c0_i32_0 = arith.constant 0 : i32
    return %arg0, %c0_i32 : i32, i32
  }
}

module attributes {stable_mosaic.version = 14 : i64} {
  func.func @_dec_body(%arg0: i32, %arg1: memref<2x1024x32xf32, #tpu.memory_space<vmem>>, %arg2: memref<1024x32xf32, #tpu.memory_space<vmem>>, %arg3: memref<2x1024xf32, #tpu.memory_space<vmem>>, %arg4: memref<1x32xf32, #tpu.memory_space<vmem>>, %arg5: memref<16x64xf32, #tpu.memory_space<vmem>>, %arg6: memref<1x64xf32, #tpu.memory_space<vmem>>, %arg7: memref<64x128xf32, #tpu.memory_space<vmem>>, %arg8: memref<1x128xf32, #tpu.memory_space<vmem>>, %arg9: memref<1024x16xf32, #tpu.memory_space<vmem>>, %arg10: memref<1024x128xf32, #tpu.memory_space<vmem>>, %arg11: memref<1024x16xf32, #tpu.memory_space<vmem>>, %arg12: memref<1024x16xf32, #tpu.memory_space<vmem>>) attributes {dimension_semantics = [#tpu.dimension_semantics<arbitrary>], iteration_bounds = array<i64: 10>, scalar_prefetch = 0 : i64, scratch_operands = 0 : i64, tpu.core_type = #tpu.core_type<tc>, window_params = [{transform_indices = @transform_0, window_bounds = array<i64: 2, 1024, 32>}, {transform_indices = @transform_1, window_bounds = array<i64: 1024, 32>}, {transform_indices = @transform_2, window_bounds = array<i64: 2, 1024>}, {pipeline_mode = #tpu.pipeline_mode<synchronous>, transform_indices = @transform_3, window_bounds = array<i64: 1, 32>}, {pipeline_mode = #tpu.pipeline_mode<synchronous>, transform_indices = @transform_4, window_bounds = array<i64: 16, 64>}, {pipeline_mode = #tpu.pipeline_mode<synchronous>, transform_indices = @transform_5, window_bounds = array<i64: 1, 64>}, {pipeline_mode = #tpu.pipeline_mode<synchronous>, transform_indices = @transform_6, window_bounds = array<i64: 64, 128>}, {pipeline_mode = #tpu.pipeline_mode<synchronous>, transform_indices = @transform_7, window_bounds = array<i64: 1, 128>}, {transform_indices = @transform_8, window_bounds = array<i64: 1024, 16>}, {transform_indices = @transform_9, window_bounds = array<i64: 1024, 128>}, {transform_indices = @transform_10, window_bounds = array<i64: 1024, 16>}, {transform_indices = @transform_11, window_bounds = array<i64: 1024, 16>}]} {
    %get3A = arith.constant 0 : index
    %get3A_0 = arith.constant 0 : index
    %get3A_1 = vector.load %arg3[%get3A, %get3A_0] : memref<2x1024xf32, #tpu.memory_space<vmem>>, vector<1x1024xf32>
    %get3A_2 = vector.shape_cast %get3A_1 : vector<1x1024xf32> to vector<1024xf32>
    %get3A_3 = arith.constant 1 : index
    %get3A_4 = arith.constant 0 : index
    %get3A_5 = vector.load %arg3[%get3A_3, %get3A_4] : memref<2x1024xf32, #tpu.memory_space<vmem>>, vector<1x1024xf32>
    %get3A_6 = vector.shape_cast %get3A_5 : vector<1x1024xf32> to vector<1024xf32>
    %add3A = arith.addf %get3A_2, %get3A_6 : vector<1024xf32>
    %add3A_7 = arith.constant 1.000000e+00 : f32
    %add3A_8 = vector.broadcast %add3A_7 : f32 to vector<1024xf32>
    %add3A_9 = arith.addf %add3A, %add3A_8 : vector<1024xf32>
    %max3A = arith.constant 1.000000e+00 : f32
    %max3A_10 = vector.broadcast %max3A : f32 to vector<1024xf32>
    %max3A_11 = arith.maximumf %add3A_9, %max3A_10 : vector<1024xf32>
    %rsqrt3A = math.rsqrt %max3A_11 : vector<1024xf32>
    %broadcast_in_dim3A = vector.shape_cast %rsqrt3A : vector<1024xf32> to vector<1024x1xf32>
    %get3A_12 = arith.constant 0 : index
    %get3A_13 = arith.constant 0 : index
    %get3A_14 = arith.constant 0 : index
    %get3A_15 = vector.load %arg1[%get3A_12, %get3A_13, %get3A_14] : memref<2x1024x32xf32, #tpu.memory_space<vmem>>, vector<1x1024x32xf32>
    %get3A_16 = vector.shape_cast %get3A_15 : vector<1x1024x32xf32> to vector<1024x32xf32>
    %get3A_17 = arith.constant 1 : index
    %get3A_18 = arith.constant 0 : index
    %get3A_19 = arith.constant 0 : index
    %get3A_20 = vector.load %arg1[%get3A_17, %get3A_18, %get3A_19] : memref<2x1024x32xf32, #tpu.memory_space<vmem>>, vector<1x1024x32xf32>
    %get3A_21 = vector.shape_cast %get3A_20 : vector<1x1024x32xf32> to vector<1024x32xf32>
    %add3A_22 = arith.addf %get3A_16, %get3A_21 : vector<1024x32xf32>
    %get3A_23 = arith.constant 0 : index
    %get3A_24 = arith.constant 0 : index
    %get3A_25 = vector.load %arg2[%get3A_23, %get3A_24] : memref<1024x32xf32, #tpu.memory_space<vmem>>, vector<1024x32xf32>
    %add3A_26 = arith.addf %add3A_22, %get3A_25 : vector<1024x32xf32>
    %mul3A = vector.broadcast %broadcast_in_dim3A : vector<1024x1xf32> to vector<1024x32xf32>
    %mul3A_27 = arith.mulf %mul3A, %add3A_26 : vector<1024x32xf32>
    %get3A_28 = arith.constant 0 : index
    %get3A_29 = arith.constant 0 : index
    %get3A_30 = vector.load %arg4[%get3A_28, %get3A_29] : memref<1x32xf32, #tpu.memory_space<vmem>>, vector<1x32xf32>
    %add3A_31 = vector.broadcast %get3A_30 : vector<1x32xf32> to vector<1024x32xf32>
    %add3A_32 = arith.addf %mul3A_27, %add3A_31 : vector<1024x32xf32>
    %slice3A = vector.extract_strided_slice %add3A_32 {offsets = [0, 0], sizes = [1024, 16], strides = [1, 1]} : vector<1024x32xf32> to vector<1024x16xf32>
    %slice3A_33 = vector.extract_strided_slice %add3A_32 {offsets = [0, 16], sizes = [1024, 16], strides = [1, 1]} : vector<1024x32xf32> to vector<1024x16xf32>
    %swap3A = arith.constant 0 : index
    %swap3A_34 = arith.constant 0 : index
    %swap3A_35 = vector.load %arg11[%swap3A, %swap3A_34] : memref<1024x16xf32, #tpu.memory_space<vmem>>, vector<1024x16xf32>
    tpu.vector_store %arg11[%swap3A, %swap3A_34], %slice3A {strides = array<i32>} : memref<1024x16xf32, #tpu.memory_space<vmem>>, vector<1024x16xf32>,
    %swap3A_36 = arith.constant 0 : index
    %swap3A_37 = arith.constant 0 : index
    %swap3A_38 = vector.load %arg12[%swap3A_36, %swap3A_37] : memref<1024x16xf32, #tpu.memory_space<vmem>>, vector<1024x16xf32>
    tpu.vector_store %arg12[%swap3A_36, %swap3A_37], %slice3A_33 {strides = array<i32>} : memref<1024x16xf32, #tpu.memory_space<vmem>>, vector<1024x16xf32>,
    %mul3A_39 = arith.constant 5.000000e-01 : f32
    %mul3A_40 = vector.broadcast %mul3A_39 : f32 to vector<1024x16xf32>
    %mul3A_41 = arith.mulf %mul3A_40, %slice3A_33 : vector<1024x16xf32>
    %exp3A = math.exp %mul3A_41 : vector<1024x16xf32>
    %get3A_42 = arith.constant 0 : index
    %get3A_43 = arith.constant 0 : index
    %get3A_44 = vector.load %arg9[%get3A_42, %get3A_43] : memref<1024x16xf32, #tpu.memory_space<vmem>>, vector<1024x16xf32>
    %mul3A_45 = arith.mulf %get3A_44, %exp3A : vector<1024x16xf32>
    %add3A_46 = arith.addf %slice3A, %mul3A_45 : vector<1024x16xf32>
    %get3A_47 = arith.constant 0 : index
    %get3A_48 = arith.constant 0 : index
    %get3A_49 = vector.load %arg5[%get3A_47, %get3A_48] : memref<16x64xf32, #tpu.memory_space<vmem>>, vector<16x64xf32>
    %dot_general3A = arith.constant dense<0.000000e+00> : vector<1024x64xf32>
    %dot_general3A_50 = tpu.matmul %add3A_46, %get3A_49, %dot_general3A {dimension_numbers = #tpu.dot_dimension_numbers<[1], [0], [0], [1], [0, 0, 1, 1], [], []>, precision = #tpu.contract_precision<fp32>, transpose_lhs_hint = false} : vector<1024x16xf32>, vector<16x64xf32>, vector<1024x64xf32> -> vector<1024x64xf32>
    %get3A_51 = arith.constant 0 : index
    %get3A_52 = arith.constant 0 : index
    %get3A_53 = vector.load %arg6[%get3A_51, %get3A_52] : memref<1x64xf32, #tpu.memory_space<vmem>>, vector<1x64xf32>
    %add3A_54 = vector.broadcast %get3A_53 : vector<1x64xf32> to vector<1024x64xf32>
    %add3A_55 = arith.addf %dot_general3A_50, %add3A_54 : vector<1024x64xf32>
    %max3A_56 = arith.constant 0.000000e+00 : f32
    %max3A_57 = vector.broadcast %max3A_56 : f32 to vector<1024x64xf32>
    %max3A_58 = arith.maximumf %add3A_55, %max3A_57 : vector<1024x64xf32>
    %get3A_59 = arith.constant 0 : index
    %get3A_60 = arith.constant 0 : index
    %get3A_61 = vector.load %arg7[%get3A_59, %get3A_60] : memref<64x128xf32, #tpu.memory_space<vmem>>, vector<64x128xf32>
    %dot_general3A_62 = arith.constant dense<0.000000e+00> : vector<1024x128xf32>
    %dot_general3A_63 = tpu.matmul %max3A_58, %get3A_61, %dot_general3A_62 {dimension_numbers = #tpu.dot_dimension_numbers<[1], [0], [0], [1], [0, 0, 1, 1], [], []>, precision = #tpu.contract_precision<fp32>, transpose_lhs_hint = false} : vector<1024x64xf32>, vector<64x128xf32>, vector<1024x128xf32> -> vector<1024x128xf32>
    %get3A_64 = arith.constant 0 : index
    %get3A_65 = arith.constant 0 : index
    %get3A_66 = vector.load %arg8[%get3A_64, %get3A_65] : memref<1x128xf32, #tpu.memory_space<vmem>>, vector<1x128xf32>
    %add3A_67 = vector.broadcast %get3A_66 : vector<1x128xf32> to vector<1024x128xf32>
    %add3A_68 = arith.addf %dot_general3A_63, %add3A_67 : vector<1024x128xf32>
    %logistic3A = arith.negf %add3A_68 : vector<1024x128xf32>
    %logistic3A_69 = math.exp %logistic3A : vector<1024x128xf32>
    %logistic3A_70 = arith.constant 1.000000e+00 : f32
    %logistic3A_71 = vector.broadcast %logistic3A_70 : f32 to vector<1024x128xf32>
    %logistic3A_72 = arith.addf %logistic3A_71, %logistic3A_69 : vector<1024x128xf32>
    %logistic3A_73 = arith.divf %logistic3A_71, %logistic3A_72 : vector<1024x128xf32>
    %swap3A_74 = arith.constant 0 : index
    %swap3A_75 = arith.constant 0 : index
    %swap3A_76 = vector.load %arg10[%swap3A_74, %swap3A_75] : memref<1024x128xf32, #tpu.memory_space<vmem>>, vector<1024x128xf32>
    tpu.vector_store %arg10[%swap3A_74, %swap3A_75], %logistic3A_73 {strides = array<i32>} : memref<1024x128xf32, #tpu.memory_space<vmem>>, vector<1024x128xf32>,
    return
  }
  func.func @transform_0(%arg0: i32) -> (i32, i32, i32) {
    %c0_i32 = arith.constant 0 : i32
    %c0_i32_0 = arith.constant 0 : i32
    %c0_i32_1 = arith.constant 0 : i32
    return %c0_i32, %arg0, %c0_i32_0 : i32, i32, i32
  }
  func.func @transform_1(%arg0: i32) -> (i32, i32) {
    %c0_i32 = arith.constant 0 : i32
    %c0_i32_0 = arith.constant 0 : i32
    return %arg0, %c0_i32 : i32, i32
  }
  func.func @transform_2(%arg0: i32) -> (i32, i32) {
    %c0_i32 = arith.constant 0 : i32
    %c0_i32_0 = arith.constant 0 : i32
    return %c0_i32, %arg0 : i32, i32
  }
  func.func @transform_3(%arg0: i32) -> (i32, i32) {
    %c0_i32 = arith.constant 0 : i32
    %c0_i32_0 = arith.constant 0 : i32
    %c0_i32_1 = arith.constant 0 : i32
    return %c0_i32, %c0_i32_0 : i32, i32
  }
  func.func @transform_4(%arg0: i32) -> (i32, i32) {
    %c0_i32 = arith.constant 0 : i32
    %c0_i32_0 = arith.constant 0 : i32
    %c0_i32_1 = arith.constant 0 : i32
    return %c0_i32, %c0_i32_0 : i32, i32
  }
  func.func @transform_5(%arg0: i32) -> (i32, i32) {
    %c0_i32 = arith.constant 0 : i32
    %c0_i32_0 = arith.constant 0 : i32
    %c0_i32_1 = arith.constant 0 : i32
    return %c0_i32, %c0_i32_0 : i32, i32
  }
  func.func @transform_6(%arg0: i32) -> (i32, i32) {
    %c0_i32 = arith.constant 0 : i32
    %c0_i32_0 = arith.constant 0 : i32
    %c0_i32_1 = arith.constant 0 : i32
    return %c0_i32, %c0_i32_0 : i32, i32
  }
  func.func @transform_7(%arg0: i32) -> (i32, i32) {
    %c0_i32 = arith.constant 0 : i32
    %c0_i32_0 = arith.constant 0 : i32
    %c0_i32_1 = arith.constant 0 : i32
    return %c0_i32, %c0_i32_0 : i32, i32
  }
  func.func @transform_8(%arg0: i32) -> (i32, i32) {
    %c0_i32 = arith.constant 0 : i32
    %c0_i32_0 = arith.constant 0 : i32
    return %arg0, %c0_i32 : i32, i32
  }
  func.func @transform_9(%arg0: i32) -> (i32, i32) {
    %c0_i32 = arith.constant 0 : i32
    %c0_i32_0 = arith.constant 0 : i32
    return %arg0, %c0_i32 : i32, i32
  }
  func.func @transform_10(%arg0: i32) -> (i32, i32) {
    %c0_i32 = arith.constant 0 : i32
    %c0_i32_0 = arith.constant 0 : i32
    return %arg0, %c0_i32 : i32, i32
  }
  func.func @transform_11(%arg0: i32) -> (i32, i32) {
    %c0_i32 = arith.constant 0 : i32
    %c0_i32_0 = arith.constant 0 : i32
    return %arg0, %c0_i32 : i32, i32
  }
}

</mosaic_0001>

<sc_bundles>
// kernel: kernel.11.cloned.1.call-start
scs
__scs_entry_jumppad:
0x0: {  	(pc) =	sbr.rel $0x88, $3  }
0x1: {  	(tag) =	ssettag $0x0;
	lr =	simm.s32 $0x1  }
0x2: {  	[smem:$0x3F97] =	sst lr;
	_ =	strace $0xD0000000  }
0x3: {  	_ = 	snop  }
0x4: {  	_ = 	snop  }
0x5: {  	_ = 	snop  }
0x6: {  	_ = 	snop  }
0x7: {  	_ = 	snop  }
__scs_overlays_trampoline_lowered:
0x8: {  	[smem:$0x3FA6] =	sst s0  }
0x9: {  	[smem:$0x3FA7] =	sst s1  }
0xa: {  	[smem:$0x3FA8] =	sst s2  }
0xb: {  	[smem:$0x3FA9] =	sst s3  }
0xc: {  	[smem:$0x3FAA] =	sst s4  }
0xd: {  	[smem:$0x3FAB] =	sst s5  }
0xe: {  	[smem:$0x3FAC] =	sst s6  }
0xf: {  	[smem:$0x3FAD] =	sst s7  }
0x10: {  	[smem:$0x3FAE] =	sst s8  }
0x11: {  	[smem:$0x3FAF] =	sst s9;
	s0 =	simm.s32 @!p0 $0x0  }
0x12: {  	s1 =	sld [smem:$0x3F95];
	s0 =	simm.s32 @p0 $0x1  }
0x13: {  	[smem:$0x3FB0] =	sst s0;
	s0 =	simm.s32 @!p1 $0x0  }
0x14: {  	s2 =	sld [smem:$0x3F94];
	s0 =	simm.s32 @p1 $0x1  }
0x15: {  	[smem:$0x3FB1] =	sst s0;
	s0 =	simm.s32 @!p2 $0x0  }
0x16: {  	s3 =	sld [smem:$0x3FDB];
	s0 =	simm.s32 @p2 $0x1  }
0x17: {  	s4 =	simm.s32 $0x1BF5;
	[smem:$0x3FB3] =	sst s0  }
0x18: {  	s0 =	sld [smem:$0x3F96];
	_ =	swait.ge [sflag:s4], $0x0  }
0x19: {  	s7 =	sld [smem:$0x3F97]  }
0x1a: {  	s8 =	sadd.s32 $0xFFFFE003, lr  }
0x1b: {  	s9 =	sadd.s32 $0xFFFFFEF7, lr;
	s5 =	simm.s32 $0xFFFFFFFF;
	p2 =	slt.u32 s8, $0xFFFFF086  }
0x1c: {  	p1 =	slt.u32 s9, $0xF7A;
	s5 =	simm.s32 @!p2 $0x0  }
0x1d: {  	s5 =	simm.s32 @p1 $0x1;
	p0 =	seq.s32 s7, s2  }
0x1e: {  	s7 =	smul.u32 @!p0 $0xF7A, s2;
	p2 =	seq.s32 @!p0 s5, $0x0  }
0x1f: {  	s9 =	smul.u32 $0xF7A, s1;
	s8 =	simm.s32 @!p0 $0x1BF5;
	p2 =	por !p2, p0  }
0x20: {  	[sflag:s8] =	ssyncset.s32 @!p0 $0xFFFFF086;
	s6 =	sadd.s32 @!p0 s3, s7;
	s7 =	simm.s32 @!p0 $0x108  }
0x21: {  	s3 =	sadd.s32 s3, s9;
	s6 =	sadd.s32 @!p0 $0x88, s6;
	s7 =	simm.s32 @p2 $0x1082  }
0x22: {  	[simem:s7], [sflag:s8] =	dma.local @!p0 [hbm:s6], $0xF7A  }
0x23: {  	s9 =	sor.u32 $0xD0000000, s2;
	s6 =	simm.s32 $0x108;
	_ =	swait.ge @!p0 [sflag:s8], $0x0  }
0x24: {  	s3 =	sadd.s32 $0x88, s3;
	s6 =	simm.s32 @!p1 $0x1082;
	[sflag:s4] =	ssyncset.s32 $0xFFFFF086  }
0x25: {  	[simem:s6], [sflag:s4] =	dma.local [hbm:s3], $0xF7A  }
0x26: {  	[smem:$0x3F97] =	sst s1;
	(tag) =	ssettag s2;
	_ =	strace s9  }
0x27: {  	s1 =	sld [smem:$0x3FA7]  }
0x28: {  	s2 =	sld [smem:$0x3FA8]  }
0x29: {  	s4 =	sld [smem:$0x3FAA]  }
0x2a: {  	p0 =	seq.s32 s5, $0x0;
	s5 =	sld [smem:$0x3FAB]  }
0x2b: {  	s6 =	sld [smem:$0x3FAC]  }
0x2c: {  	s7 =	sld [smem:$0x3FAD]  }
0x2d: {  	s3 =	simm.s32 $0x108;
	s8 =	sld [smem:$0x3FAE]  }
0x2e: {  	s3 =	simm.s32 @!p0 $0x1082;
	s9 =	sld [smem:$0x3FAF]  }
0x2f: {  	lr =	sadd.s32 s0, s3;
	s0 =	sld [smem:$0x3FA6]  }
0x30: {  	s3 =	sld [smem:$0x3FA9]  }
0x31: {  	[smem:$0x3FB2] =	sst s10  }
0x32: {  	s10 =	sld [smem:$0x3FB0];
	_ =	sdelay $0x3  }
0x33: {  	p0 =	seq.s32 s10, $0x1;
	s10 =	sld [smem:$0x3FB2];
	_ =	sdelay $0x3  }
0x34: {  	[smem:$0x3FB2] =	sst s10  }
0x35: {  	s10 =	sld [smem:$0x3FB1];
	_ =	sdelay $0x3  }
0x36: {  	p1 =	seq.s32 s10, $0x1;
	s10 =	sld [smem:$0x3FB2];
	_ =	sdelay $0x3  }
0x37: {  	[smem:$0x3FB2] =	sst s10  }
0x38: {  	s10 =	sld [smem:$0x3FB3]  }
0x39: {  	_ = 	snop;
	(pc) =	sbr.ind lr, $3  }
0x3a: {  	_ = 	snop  }
0x3b: {  	_ = 	snop  }
0x3c: {  	p2 =	seq.s32 s10, $0x1;
	s10 =	sld [smem:$0x3FB2]  }
0x3d: {  	_ =	shalt  }
0x3e: {  	_ =	shalt  }
0x3f: {  	_ =	shalt  }
0x40: {  	_ =	shalt  }
0x41: {  	_ =	shalt  }
0x42: {  	_ =	shalt  }
0x43: {  	_ =	shalt  }
0x44: {  	_ =	shalt  }
0x45: {  	_ =	shalt  }
0x46: {  	_ =	shalt  }
0x47: {  	_ =	shalt  }
0x48: {  	_ =	shalt  }
0x49: {  	_ =	shalt  }
0x4a: {  	_ =	shalt  }
0x4b: {  	_ =	shalt  }
0x4c: {  	_ =	shalt  }
0x4d: {  	_ =	shalt  }
0x4e: {  	_ =	shalt  }
0x4f: {  	_ =	shalt  }
0x50: {  	_ =	shalt  }
0x51: {  	_ =	shalt  }
0x52: {  	_ =	shalt  }
0x53: {  	_ =	shalt  }
0x54: {  	_ =	shalt  }
0x55: {  	_ =	shalt  }
0x56: {  	_ =	shalt  }
0x57: {  	_ =	shalt  }
0x58: {  	_ =	shalt  }
0x59: {  	_ =	shalt  }
0x5a: {  	_ =	shalt  }
0x5b: {  	_ =	shalt  }
0x5c: {  	_ =	shalt  }
0x5d: {  	_ =	shalt  }
0x5e: {  	_ =	shalt  }
0x5f: {  	_ =	shalt  }
0x60: {  	_ =	shalt  }
0x61: {  	_ =	shalt  }
0x62: {  	_ =	shalt  }
0x63: {  	_ =	shalt  }
0x64: {  	_ =	shalt  }
0x65: {  	_ =	shalt  }
0x66: {  	_ =	shalt  }
0x67: {  	_ =	shalt  }
0x68: {  	_ =	shalt  }
0x69: {  	_ =	shalt  }
0x6a: {  	_ =	shalt  }
0x6b: {  	_ =	shalt  }
0x6c: {  	_ =	shalt  }
0x6d: {  	_ =	shalt  }
0x6e: {  	_ =	shalt  }
0x6f: {  	_ =	shalt  }
0x70: {  	_ =	shalt  }
0x71: {  	_ =	shalt  }
0x72: {  	_ =	shalt  }
0x73: {  	_ =	shalt  }
0x74: {  	_ =	shalt  }
0x75: {  	_ =	shalt  }
0x76: {  	_ =	shalt  }
0x77: {  	_ =	shalt  }
0x78: {  	_ =	shalt  }
0x79: {  	_ =	shalt  }
0x7a: {  	_ =	shalt  }
0x7b: {  	_ =	shalt  }
0x7c: {  	_ =	shalt  }
0x7d: {  	_ =	shalt  }
0x7e: {  	_ =	shalt  }
0x7f: {  	_ =	shalt  }
0x80: {  	_ =	shalt  }
0x81: {  	_ =	shalt  }
0x82: {  	_ =	shalt  }
0x83: {  	_ =	shalt  }
0x84: {  	_ =	shalt  }
0x85: {  	_ =	shalt  }
0x86: {  	_ =	shalt  }
0x87: {  	_ =	shalt  }
.Lfunc_end0:
.L_simem_size_0:
called_computation.1_lowered:
.L_overlay_start_0:
0x88: {  	s2 =	sld [smem:$0x3FD9]  }
0x89: {  	s3 =	sld [smem:$0x3FFE];
	_ =	sdelay $0x1  }
0x8a: {  	s1 =	srdreg.scid  }
0x8b: {  	s0 =	sand.u32 $0x1, s1  }
0x8c: {  	s14 =	sshll.u32 s0, $0xA;
	s2 =	sadd.s32 s3, s2  }
0x8d: {  	s2 =	sadd.s32 s2, s14  }
0x8e: {  	[smem:$0x3FBE] =	sst s2  }
0x8f: {  	_ = 	snop  }
0x90: {  	s2 =	sld [smem:$0x3FD0];
	_ =	sdelay $0x2  }
0x91: {  	s15 =	simm.s32 $0xA;
	s4 =	simm.s32 $0x10  }
0x92: {  	[smem:s4], [sflag:s15] =	dma.local [hbm:s2], $0x1  }
0x93: {  	_ =	swait.eq [sflag:s15], $0x1  }
0x94: {  	[sflag:s15] =	ssyncset.done $0x0  }
0x95: {  	[sflag:s15] =	ssyncadd.s32 $0xFFFFFFFF  }
0x96: {  	s16 =	sld [smem:$0x10];
	(tm) =	ssettm $0x1  }
0x97: {  	s17 =	sld [smem:$0x3FFB];
	_ =	sdelay $0x3  }
0x98: {  	_ =	strace s17  }
0x99: {  	s3 =	sld [smem:$0x3FFC];
	_ =	sdelay $0x3  }
0x9a: {  	_ =	strace s3  }
0x9b: {  	s3 =	sld [smem:$0x3FFD];
	_ =	sdelay $0x3  }
0x9c: {  	_ =	strace s3  }
0x9d: {  	_ =	strace $0x8FFFFFFF  }
0x9e: {  	s18 =	sld [smem:$0x3FDB];
	_ =	sdelay $0x1  }
0x9f: {  	s19 =	simm.s32 $_scs_section_size  }
0xa0: {  	s5 =	simm.s32 $_size__tile_overlayer_lowered;
	s6 =	simm.s32 $_tile_overlayer_lowered  }
0xa1: {  	s22 =	simm.s32 $0x1BFF;
	s21 =	sshll.u32 s6, $0x1;
	s3 =	sadd.s32 s19, s18  }
0xa2: {  	s7 =	simm.s32 $0x0;
	s20 =	sshll.u32 s5, $0x1;
	s5 =	sadd.s32 s21, s3  }
0xa3: {  	[timem:s7], [sflag:s22] =	dma.local [hbm:s5], s20  }
0xa4: {  	_ =	swait.ge [sflag:s22], s20  }
0xa5: {  	s4 =	ssub.s32 $0x0, s20;
	[sflag:s22] =	ssyncset.done $0x0  }
0xa6: {  	[sflag:s22] =	ssyncadd.s32 s4;
	_ =	sdelay $0x1  }
0xa7: {  	s23 =	simm.s32 $0x1B8B  }
0xa8: {  	_ =	swait.ge [sflag:s23], $0x1  }
0xa9: {  	[sflag:s23] =	ssyncset.done $0x0  }
0xaa: {  	s25 =	simm.s32 $0x1B8E;
	s24 =	sld [smem:$0x3FFE];
	[sflag:s23] =	ssyncadd.s32 $0xFFFFFFFF  }
0xab: {  	s26 =	simm.s32 $execute0_lowered;
	[smem:$0x3FD2] =	sst s25  }
0xac: {  	s5 =	sshll.u32 s26, $0x1;
	_ =	strace $0x80000049;
	[dreg:$0x1] =	wrdreg $0xFFFFFFFF  }
0xad: {  	s28 =	simm.s32 $_size_execute0_lowered;
	s3 =	sadd.s32 s3, s5;
	[dreg:$0x0] =	wrdreg $0x0  }
0xae: {  	s5 =	sshll.u32 s28, $0x1;
	[dreg:$0x2] =	wrdreg s3  }
0xaf: {  	[dreg:$0x3] =	wrdreg s5  }
0xb0: {  	[dreg:$0x4] =	wrdreg $0xC0  }
0xb1: {  	_ =	task [dreg:s7], $0x5FFFF  }
0xb2: {  	[dreg:$0x1] =	wrdreg $0xFFFFFFFF  }
0xb3: {  	[dreg:$0x0] =	wrdreg $0x60  }
0xb4: {  	[dreg:$0x2] =	wrdreg s24  }
0xb5: {  	[dreg:$0x3] =	wrdreg s16  }
0xb6: {  	[dreg:$0x4] =	wrdreg $0x148000  }
0xb7: {  	[dreg:$0x5] =	wrdreg $0xA8000  }
0xb8: {  	[dreg:$0x6] =	wrdreg $0x9  }
0xb9: {  	_ =	task.clear_ibuf [dreg:s7], $0x7FFFF;
	_ =	strace $0x90000049  }
0xba: {  	s29 =	simm.s32 $0x9;
	_ =	strace $0x8000004B  }
0xbb: {  	_ =	swait.ge [sflag:s29], $0x1  }
0xbc: {  	[sflag:s29] =	ssyncadd.s32 $0xFFFFFFFF  }
0xbd: {  	_ =	strace $0x9000004B  }
0xbe: {  	_ =	sfence  }
0xbf: {  	s30 =	sld [smem:$0x0];
	_ =	sdelay $0x2  }
0xc0: {  	s31 =	sshll.u32 s1, $0xD;
	s1 =	sshrl.u32 s1, $0x2  }
0xc1: {  	s3 =	sand.u32 $0x4000, s31;
	s1 =	sadd.s32 s1, s30  }
0xc2: {  	s0 =	sor.u32 s3, s0;
	s1 =	sshll.u32 s1, $0x11  }
0xc3: {  	s0 =	sor.u32 s1, s0  }
0xc4: {  	s0 =	sadd.s32 $0x8F2B, s0  }
0xc5: {  	[sflag:s0] =	ssyncadd.remote.s32 $0x1  }
0xc6: {  	_ =	sfence.sel $0xFFFF  }
0xc7: {  	[dreg:$0x0] =	wrdreg $0xFFFFFFFF;
	(pc) =	sbr.abs _section_cstart, $3  }
0xc8: {  	[dreg:$0x1] =	wrdreg $0xFFFFFFFF  }
0xc9: {  	_ =	task.clear_ibuf [dreg:s7], $0x2FFFF;
	_ =	strace $0x9FFFFFFF  }
0xca: {  	(tm) =	ssettm $0x7FFFFFFF  }
0xcb: {  	_ =	shalt  }
tec
execute0_lowered:
.L_overlay_start_1:
0x0: {  	(tag) =	ssettag $0x1  }
0x1: {  	s0 =	rddreg [dreg:$0x0]  }
0x2: {  	s1 =	rddreg [dreg:$0x1]  }
0x3: {  	s2 =	rddreg [dreg:$0x2];
	s4 =	srdreg.scid  }
0x4: {  	s13 =	stileid.u32;
	s3 =	rddreg [dreg:$0x3];
	s28 =	simm.s32 $0x100  }
0x5: {  	s29 =	simm.s32 $0x4800;
	s30 =	simm.s32 $0x3;
	s31 =	simm.s32 $0x200  }
0x6: {  	s5 =	sand.u32 $0x1, s4;
	s6 =	smul.u32 $0xA000, s13;
	s4 =	simm.s32 $0x0  }
0x7: {  	s9 =	sadd.s32 $0xC000, s0;
	s10 =	sadd.s32 $0x2000, s0;
	s15 =	smul.u32 $0x28000, s13  }
0x8: {  	s16 =	sshll.u32 s13, $0x6;
	s7 =	smul.u32 $0xA0000, s5;
	[smem:$0x7FF] =	sst s4  }
0x9: {  	s8 =	ssub.s32 $0x2, s5;
	s5 =	sshll.u32 s5, $0x4;
	s18 =	sor.u32 $0x1C02, s16  }
0xa: {  	_ =	strace $0x8000004A;
	s14 =	sshrl.u32 s8, $0x1;
	s5 =	sor.u32 s13, s5  }
0xb: {  	s11 =	sadd.s32 s6, s2;
	s12 =	sshrl.u32 s6, $0x3;
	[dreg:$0x6] =	wrdreg s16  }
0xc: {  	s17 =	sshrl.u32 s15, $0x2;
	[dreg:$0x7] =	wrdreg s18;
	s13 =	simm.s32 $0x4  }
0xd: {  	s7 =	sadd.s32 s6, s7;
	s1 =	sadd.s32 s1, s12;
	s5 =	smul.u32 $0x2800, s5  }
0xe: {  	s26 =	sshrl.u32 s11, $0x3;
	s11 =	simm.s32 $0x7;
	s12 =	simm.s32 $0x280  }
0xf: {  	s7 =	sshrl.u32 s7, $0x3;
	[dreg:$0x5] =	wrdreg s1;
	s1 =	sadd.s32 s17, s3  }
0x10: {  	[dreg:$0x12] =	wrdreg s26;
	s26 =	simm.s32 $0x1;
	s0 =	sadd.s32 s7, s0  }
0x11: {  	s7 =	ssub.s32 s8, s14;
	s8 =	sadd.s32 s6, s3;
	s19 =	sadd.s32 $0x2000, s1  }
0x12: {  	s20 =	sadd.s32 $0x4000, s1;
	s21 =	sadd.s32 $0x6000, s1;
	[dreg:$0x8] =	wrdreg s19  }
0x13: {  	s1 =	sadd.s32 $0x8000, s1;
	s22 =	sshrl.u32 s5, $0x3;
	[dreg:$0x9] =	wrdreg s20  }
0x14: {  	s6 =	simm.s32 $0x1580;
	s14 =	simm.s32 $0x8;
	[dreg:$0xa] =	wrdreg s21  }
0x15: {  	[dreg:$0xb] =	wrdreg s1;
	s5 =	sadd.s32 s9, s22;
	s23 =	sadd.s32 s10, s22  }
0x16: {  	s1 =	sadd.s32 $0x280, s22;
	s0 =	sadd.s32 $0x16000, s0;
	s25 =	smax.u32 s7, $0x1  }
0x17: {  	s20 =	simm.s32 $0x2800;
	s21 =	simm.s32 $0x9;
	[dreg:$0xc] =	wrdreg s5  }
0x18: {  	s22 =	simm.s32 $0x2;
	s7 =	simm.s32 $0x8800;
	[dreg:$0xd] =	wrdreg s23  }
.Ltmp0:
0x19: {  	s24 =	sadd.s32 s9, s1;
	[dreg:$0x10] =	wrdreg s0;
	(pc) =	sbr.rel .LBB2_1-.Ltmp0, $4  }
0x1a: {  	s1 =	sadd.s32 s10, s1;
	[dreg:$0x11] =	wrdreg s25;
	s23 =	simm.s32 $0x1400  }
0x1b: {  	s25 =	simm.s32 $0x6800;
	s0 =	simm.s32 $0x5;
	s5 =	simm.s32 $0x180  }
0x1c: {  	s9 =	simm.s32 $0x1480;
	s10 =	simm.s32 $0x6;
	[dreg:$0xe] =	wrdreg s24  }
0x1d: {  	v0 =	vimm.f32 $0.0e+00;
	[dreg:$0xf] =	wrdreg s1;
	s24 =	simm.s32 $0x80;
	s1 =	simm.s32 $0x1500  }
.LBB2_9:
0x1e: {  	[spmem:s3] =	stream.indirect.scatter.add.f32 [tilespmem:s7], [sflag:$0x8], $0x40, s17, s24, $0xb8;
	[tilespmem:$0x1E800] =	vst v63  }
0x1f: {  	_ =	swait.ge [sflag:s13], $0x2000  }
0x20: {  	[sflag:s13] =	ssyncset.done $0x0  }
0x21: {  	[sflag:s13] =	ssyncadd.s32 $0xFFFFE000  }
0x22: {  	_ =	swait.ge [sflag:s14], $0x2000  }
0x23: {  	[sflag:s14] =	ssyncset.done $0x0  }
0x24: {  	[sflag:s14] =	ssyncadd.s32 $0xFFFFE000  }
0x25: {  	[bflag:$0x0] =	sbarrier.arrive $0xFFFF  }
0x26: {  	s15 =	rddreg [dreg:$0x6]  }
0x27: {  	s16 =	sshrl.u32 s8, $0x3;
	s18 =	rddreg [dreg:$0x10];
	s15 =	sor.u32 $0x1C09, s15  }
0x28: {  	[hbm:s18], [sflag:s15] =	dma.local [spmem:s16], $0x1400  }
0x29: {  	_ =	swait.ge [sflag:s21], $0x1400  }
0x2a: {  	s4 =	sadd.s32 $0x1, s4;
	s19 =	rddreg [dreg:$0x11]  }
0x2b: {  	p0 =	sne.s32 s4, s19  }
.Ltmp1:
0x2c: {  	_ = 	snop;
	(pc) =	sbr.rel @!p0 .LBB2_10-.Ltmp1, $3  }
0x2d: {  	_ =	sdelay $0x1  }
0x2e: {  	[sflag:s21] =	ssyncset.done $0x0  }
0x2f: {  	[sflag:s21] =	ssyncadd.s32 $0xFFFFEC00  }
.LBB2_1:
0x30: {  	s15 =	rddreg [dreg:$0x5]  }
0x31: {  	s16 =	rddreg [dreg:$0x7]  }
0x32: {  	s17 =	rddreg [dreg:$0x12]  }
0x33: {  	[spmem:s17], [sflag:s16] =	dma.local [hbm:s15], $0x1400  }
0x34: {  	s16 =	simm.s32 $0x100;
	s15 =	simm.s32 $0x0  }
.LBB2_2:
0x35: {  	p0 =	sne.s32 s16, $0x7F00;
	[tilespmem:s15+$0x2830] =	vst v0;
	s17 =	smov.u32 s16;
	s16 =	sadd.s32 $0x100, s16  }
.Ltmp2:
0x36: {  	[tilespmem:s15+$0x2820] =	vst v0;
	(pc) =	sbr.rel @p0 .LBB2_2-.Ltmp2, $3  }
0x37: {  	[tilespmem:s15+$0x2800] =	vst v0  }
0x38: {  	[tilespmem:s15+$0x2810] =	vst v0;
	_ =	sdelay $0x1  }
0x39: {  	s15 =	sshra.s32 s17, $0x2  }
0x3a: {  	[tilespmem:s15+$0x2830] =	vst v0  }
0x3b: {  	[tilespmem:s15+$0x2820] =	vst v0  }
0x3c: {  	[tilespmem:s15+$0x2800] =	vst v0  }
0x3d: {  	[tilespmem:s15+$0x2810] =	vst v0  }
0x3e: {  	[spmem:s8] =	stream.linear.scatter [tilespmem:s20], [sflag:$0x9], $0x2000, $0x38;
	[tilespmem:$0x1E800] =	vst v63  }
0x3f: {  	_ =	swait.ge [sflag:s21], $0x2000  }
0x40: {  	[sflag:s21] =	ssyncset.done $0x0  }
0x41: {  	s19 =	rddreg [dreg:$0x8];
	[sflag:s21] =	ssyncadd.s32 $0xFFFFE000  }
0x42: {  	[spmem:s19] =	stream.linear.scatter [tilespmem:s20], [sflag:$0x9], $0x2000, $0x38;
	[tilespmem:$0x1E800] =	vst v63  }
0x43: {  	_ =	swait.ge [sflag:s21], $0x2000  }
0x44: {  	[sflag:s21] =	ssyncset.done $0x0  }
0x45: {  	s16 =	rddreg [dreg:$0x9];
	[sflag:s21] =	ssyncadd.s32 $0xFFFFE000  }
0x46: {  	[spmem:s16] =	stream.linear.scatter [tilespmem:s20], [sflag:$0x9], $0x2000, $0x38;
	[tilespmem:$0x1E800] =	vst v63  }
0x47: {  	_ =	swait.ge [sflag:s21], $0x2000  }
0x48: {  	[sflag:s21] =	ssyncset.done $0x0  }
0x49: {  	s17 =	rddreg [dreg:$0xa];
	[sflag:s21] =	ssyncadd.s32 $0xFFFFE000  }
0x4a: {  	[spmem:s17] =	stream.linear.scatter [tilespmem:s20], [sflag:$0x9], $0x2000, $0x38;
	[tilespmem:$0x1E800] =	vst v63  }
0x4b: {  	_ =	swait.ge [sflag:s21], $0x2000  }
0x4c: {  	[sflag:s21] =	ssyncset.done $0x0  }
0x4d: {  	s18 =	rddreg [dreg:$0xb];
	[sflag:s21] =	ssyncadd.s32 $0xFFFFE000  }
0x4e: {  	[spmem:s18] =	stream.linear.scatter [tilespmem:s20], [sflag:$0x9], $0x2000, $0x38;
	[tilespmem:$0x1E800] =	vst v63  }
0x4f: {  	_ =	swait.ge [sflag:s21], $0x2000  }
0x50: {  	[sflag:s21] =	ssyncset.done $0x0  }
0x51: {  	[sflag:s21] =	ssyncadd.s32 $0xFFFFE000  }
0x52: {  	_ =	swait.ge [sflag:s22], $0x1400  }
0x53: {  	[sflag:s22] =	ssyncset.done $0x0  }
0x54: {  	[sflag:s22] =	ssyncadd.s32 $0xFFFFEC00  }
0x55: {  	[bflag:$0x0] =	sbarrier.arrive $0xFFFF  }
0x56: {  	s15 =	simm.s32 $0x0;
	s16 =	rddreg [dreg:$0xc]  }
0x57: {  	[tilespmem:s15], [sflag:$0x9] =	stream.linear.gather [hbm4b:s16+s15], $0x1400, $0x38;
	[tilespmem:$0x1E800] =	vst v63  }
0x58: {  	_ =	swait.ge [sflag:s21], $0x1400  }
0x59: {  	[sflag:s21] =	ssyncset.done $0x0  }
0x5a: {  	s19 =	rddreg [dreg:$0xd];
	[sflag:s21] =	ssyncadd.s32 $0xFFFFEC00  }
0x5b: {  	[tilespmem:s23], [sflag:$0x9] =	stream.linear.gather [hbm4b:s19+s15], $0x1400, $0x38;
	[tilespmem:$0x1E800] =	vst v63  }
0x5c: {  	_ =	swait.ge [sflag:s21], $0x1400  }
0x5d: {  	[sflag:s21] =	ssyncset.done $0x0  }
0x5e: {  	[sflag:s21] =	ssyncadd.s32 $0xFFFFEC00  }
0x5f: {  	[tilespmem:s20], [sflag:$0x1] =	stream.indirect.gather [spmem:s2], $0x40, s15, s24, $0xb8;
	[tilespmem:$0x1E800] =	vst v63  }
0x60: {  	_ = 	snop  }
0x61: {  	[tilespmem:s25], [sflag:$0x5] =	stream.indirect.gather [spmem:s2], $0x40, s24, s24, $0xb8;
	[tilespmem:$0x1E800] =	vst v63  }
0x62: {  	_ =	swait.ge [sflag:s26], $0x2000  }
0x63: {  	[sflag:s26] =	ssyncset.done $0x0  }
0x64: {  	[sflag:s26] =	ssyncadd.s32 $0xFFFFE000  }
0x65: {  	[tilespmem:s29], [sflag:$0x2] =	stream.indirect.gather [spmem:s2], $0x40, s28, s24, $0xb8;
	[tilespmem:$0x1E800] =	vst v63  }
0x66: {  	_ = 	snop  }
0x67: {  	[spmem:s3] =	stream.indirect.scatter.add.f32 [tilespmem:s20], [sflag:$0x3], $0x40, s23, s24, $0xb8;
	[tilespmem:$0x1E800] =	vst v63  }
0x68: {  	_ =	swait.ge [sflag:s22], $0x2000  }
0x69: {  	[sflag:s22] =	ssyncset.done $0x0  }
0x6a: {  	[sflag:s22] =	ssyncadd.s32 $0xFFFFE000  }
0x6b: {  	_ =	swait.ge [sflag:s30], $0x2000  }
0x6c: {  	[sflag:s30] =	ssyncset.done $0x0  }
0x6d: {  	[sflag:s30] =	ssyncadd.s32 $0xFFFFE000  }
0x6e: {  	[tilespmem:s20], [sflag:$0x1] =	stream.indirect.gather [spmem:s2], $0x40, s31, s24, $0xb8;
	[tilespmem:$0x1E800] =	vst v63  }
0x6f: {  	_ = 	snop  }
0x70: {  	[spmem:s3] =	stream.indirect.scatter.add.f32 [tilespmem:s29], [sflag:$0x4], $0x40, s1, s24, $0xb8;
	[tilespmem:$0x1E800] =	vst v63  }
0x71: {  	_ =	swait.ge [sflag:s0], $0x2000  }
0x72: {  	[sflag:s0] =	ssyncset.done $0x0  }
0x73: {  	[sflag:s0] =	ssyncadd.s32 $0xFFFFE000  }
0x74: {  	[tilespmem:s7], [sflag:$0x6] =	stream.indirect.gather [spmem:s2], $0x40, s5, s24, $0xb8;
	[tilespmem:$0x1E800] =	vst v63  }
0x75: {  	_ = 	snop  }
0x76: {  	[spmem:s3] =	stream.indirect.scatter.add.f32 [tilespmem:s25], [sflag:$0x7], $0x40, s9, s24, $0xb8;
	[tilespmem:$0x1E800] =	vst v63  }
0x77: {  	_ =	swait.ge [sflag:s10], $0x2000  }
0x78: {  	[sflag:s10] =	ssyncset.done $0x0  }
0x79: {  	[sflag:s10] =	ssyncadd.s32 $0xFFFFE000  }
0x7a: {  	_ =	swait.ge [sflag:s11], $0x2000  }
0x7b: {  	[sflag:s11] =	ssyncset.done $0x0  }
0x7c: {  	[sflag:s11] =	ssyncadd.s32 $0xFFFFE000  }
0x7d: {  	[tilespmem:s25], [sflag:$0x5] =	stream.indirect.gather [spmem:s2], $0x40, s12, s24, $0xb8;
	[tilespmem:$0x1E800] =	vst v63  }
0x7e: {  	_ = 	snop  }
0x7f: {  	[spmem:s3] =	stream.indirect.scatter.add.f32 [tilespmem:s7], [sflag:$0x8], $0x40, s6, s24, $0xb8;
	[tilespmem:$0x1E800] =	vst v63  }
.LBB2_4:
0x80: {  	_ =	swait.ge [sflag:s26], $0x2000  }
0x81: {  	[sflag:s26] =	ssyncset.done $0x0  }
0x82: {  	[sflag:s26] =	ssyncadd.s32 $0xFFFFE000  }
0x83: {  	_ =	swait.ge [sflag:s13], $0x2000  }
0x84: {  	s16 =	sshra.s32 s15, $0x2;
	[sflag:s13] =	ssyncset.done $0x0  }
0x85: {  	s17 =	sadd.s32 $0x300, s16;
	[sflag:s13] =	ssyncadd.s32 $0xFFFFE000  }
0x86: {  	[tilespmem:s29], [sflag:$0x2] =	stream.indirect.gather [spmem:s2], $0x40, s17, s24, $0xb8;
	[tilespmem:$0x1E800] =	vst v63  }
0x87: {  	s18 =	sadd.s32 $0x1600, s16  }
0x88: {  	[spmem:s3] =	stream.indirect.scatter.add.f32 [tilespmem:s20], [sflag:$0x3], $0x40, s18, s24, $0xb8;
	[tilespmem:$0x1E800] =	vst v63  }
0x89: {  	_ =	swait.ge [sflag:s22], $0x2000  }
0x8a: {  	[sflag:s22] =	ssyncset.done $0x0  }
0x8b: {  	[sflag:s22] =	ssyncadd.s32 $0xFFFFE000  }
0x8c: {  	p0 =	seq.s32 s15, $0x4000;
	_ =	swait.ge [sflag:s30], $0x2000  }
0x8d: {  	s19 =	simm.s32 @!p0 $0x2800;
	s17 =	sshra.s32 @!p0 s15, $0x2;
	[sflag:s30] =	ssyncset.done $0x0  }
0x8e: {  	s17 =	sadd.s32 @!p0 $0x400, s17;
	s18 =	simm.s32 @!p0 $0x80;
	[sflag:s30] =	ssyncadd.s32 $0xFFFFE000  }
0x8f: {  	[tilespmem:s19], [sflag:$0x1] =	stream.indirect.gather @!p0 [spmem:s2], $0x40, s17, s18, $0xb8;
	[tilespmem:$0x1E800] =	vst v63  }
0x90: {  	s19 =	sadd.s32 $0x1700, s16  }
0x91: {  	[spmem:s3] =	stream.indirect.scatter.add.f32 [tilespmem:s29], [sflag:$0x4], $0x40, s19, s24, $0xb8;
	[tilespmem:$0x1E800] =	vst v63  }
0x92: {  	_ =	swait.ge [sflag:s0], $0x2000  }
0x93: {  	[sflag:s0] =	ssyncset.done $0x0  }
0x94: {  	[sflag:s0] =	ssyncadd.s32 $0xFFFFE000  }
0x95: {  	_ =	swait.ge [sflag:s14], $0x2000  }
0x96: {  	[sflag:s14] =	ssyncset.done $0x0  }
0x97: {  	s18 =	sadd.s32 $0x380, s16;
	[sflag:s14] =	ssyncadd.s32 $0xFFFFE000  }
0x98: {  	[tilespmem:s7], [sflag:$0x6] =	stream.indirect.gather [spmem:s2], $0x40, s18, s24, $0xb8;
	[tilespmem:$0x1E800] =	vst v63  }
0x99: {  	s19 =	sadd.s32 $0x1680, s16  }
0x9a: {  	[spmem:s3] =	stream.indirect.scatter.add.f32 [tilespmem:s25], [sflag:$0x7], $0x40, s19, s24, $0xb8;
	[tilespmem:$0x1E800] =	vst v63  }
0x9b: {  	_ =	swait.ge [sflag:s10], $0x2000  }
.Ltmp3:
0x9c: {  	[sflag:s10] =	ssyncset.done $0x0;
	(pc) =	sbr.rel @p0 .LBB2_6-.Ltmp3, $4  }
0x9d: {  	[sflag:s10] =	ssyncadd.s32 $0xFFFFE000  }
0x9e: {  	_ =	swait.ge [sflag:s11], $0x2000  }
0x9f: {  	[sflag:s11] =	ssyncset.done $0x0  }
0xa0: {  	s17 =	sadd.s32 $0x1780, s16;
	[sflag:s11] =	ssyncadd.s32 $0xFFFFE000  }
.Ltmp4:
0xa1: {  	(pc) =	sbr.rel .LBB2_4-.Ltmp4, $4  }
0xa2: {  	s16 =	sadd.s32 $0x480, s16  }
0xa3: {  	[tilespmem:s25], [sflag:$0x5] =	stream.indirect.gather [spmem:s2], $0x40, s16, s24, $0xb8;
	[tilespmem:$0x1E800] =	vst v63  }
0xa4: {  	s15 =	sadd.s32 $0x800, s15  }
0xa5: {  	[spmem:s3] =	stream.indirect.scatter.add.f32 [tilespmem:s7], [sflag:$0x8], $0x40, s17, s24, $0xb8;
	[tilespmem:$0x1E800] =	vst v63  }
.LBB2_6:
0xa6: {  	[spmem:s3] =	stream.indirect.scatter.add.f32 [tilespmem:s7], [sflag:$0x8], $0x40, s17, s24, $0xb8;
	[tilespmem:$0x1E800] =	vst v63  }
0xa7: {  	_ =	swait.ge [sflag:s13], $0x2000  }
0xa8: {  	[sflag:s13] =	ssyncset.done $0x0  }
0xa9: {  	[sflag:s13] =	ssyncadd.s32 $0xFFFFE000  }
0xaa: {  	_ =	swait.ge [sflag:s14], $0x2000  }
0xab: {  	[sflag:s14] =	ssyncset.done $0x0  }
0xac: {  	s15 =	simm.s32 $0x0;
	s16 =	rddreg [dreg:$0xe];
	[sflag:s14] =	ssyncadd.s32 $0xFFFFE000  }
0xad: {  	[tilespmem:s15], [sflag:$0x9] =	stream.linear.gather [hbm4b:s16+s15], $0x1400, $0x38;
	[tilespmem:$0x1E800] =	vst v63  }
0xae: {  	_ =	swait.ge [sflag:s21], $0x1400  }
0xaf: {  	[sflag:s21] =	ssyncset.done $0x0  }
0xb0: {  	s19 =	rddreg [dreg:$0xf];
	[sflag:s21] =	ssyncadd.s32 $0xFFFFEC00  }
0xb1: {  	[tilespmem:s23], [sflag:$0x9] =	stream.linear.gather [hbm4b:s19+s15], $0x1400, $0x38;
	[tilespmem:$0x1E800] =	vst v63  }
0xb2: {  	_ =	swait.ge [sflag:s21], $0x1400  }
0xb3: {  	[sflag:s21] =	ssyncset.done $0x0  }
0xb4: {  	[sflag:s21] =	ssyncadd.s32 $0xFFFFEC00  }
0xb5: {  	[tilespmem:s20], [sflag:$0x1] =	stream.indirect.gather [spmem:s2], $0x40, s15, s24, $0xb8;
	[tilespmem:$0x1E800] =	vst v63  }
0xb6: {  	_ = 	snop  }
0xb7: {  	[tilespmem:s25], [sflag:$0x5] =	stream.indirect.gather [spmem:s2], $0x40, s24, s24, $0xb8;
	[tilespmem:$0x1E800] =	vst v63  }
0xb8: {  	_ =	swait.ge [sflag:s26], $0x2000  }
0xb9: {  	[sflag:s26] =	ssyncset.done $0x0  }
0xba: {  	[sflag:s26] =	ssyncadd.s32 $0xFFFFE000  }
0xbb: {  	[tilespmem:s29], [sflag:$0x2] =	stream.indirect.gather [spmem:s2], $0x40, s28, s24, $0xb8;
	[tilespmem:$0x1E800] =	vst v63  }
0xbc: {  	_ = 	snop  }
0xbd: {  	[spmem:s3] =	stream.indirect.scatter.add.f32 [tilespmem:s20], [sflag:$0x3], $0x40, s23, s24, $0xb8;
	[tilespmem:$0x1E800] =	vst v63  }
0xbe: {  	_ =	swait.ge [sflag:s22], $0x2000  }
0xbf: {  	[sflag:s22] =	ssyncset.done $0x0  }
0xc0: {  	[sflag:s22] =	ssyncadd.s32 $0xFFFFE000  }
0xc1: {  	_ =	swait.ge [sflag:s30], $0x2000  }
0xc2: {  	[sflag:s30] =	ssyncset.done $0x0  }
0xc3: {  	[sflag:s30] =	ssyncadd.s32 $0xFFFFE000  }
0xc4: {  	[tilespmem:s20], [sflag:$0x1] =	stream.indirect.gather [spmem:s2], $0x40, s31, s24, $0xb8;
	[tilespmem:$0x1E800] =	vst v63  }
0xc5: {  	_ = 	snop  }
0xc6: {  	[spmem:s3] =	stream.indirect.scatter.add.f32 [tilespmem:s29], [sflag:$0x4], $0x40, s1, s24, $0xb8;
	[tilespmem:$0x1E800] =	vst v63  }
0xc7: {  	_ =	swait.ge [sflag:s0], $0x2000  }
0xc8: {  	[sflag:s0] =	ssyncset.done $0x0  }
0xc9: {  	[sflag:s0] =	ssyncadd.s32 $0xFFFFE000  }
0xca: {  	[tilespmem:s7], [sflag:$0x6] =	stream.indirect.gather [spmem:s2], $0x40, s5, s24, $0xb8;
	[tilespmem:$0x1E800] =	vst v63  }
0xcb: {  	_ = 	snop  }
0xcc: {  	[spmem:s3] =	stream.indirect.scatter.add.f32 [tilespmem:s25], [sflag:$0x7], $0x40, s9, s24, $0xb8;
	[tilespmem:$0x1E800] =	vst v63  }
0xcd: {  	_ =	swait.ge [sflag:s10], $0x2000  }
0xce: {  	[sflag:s10] =	ssyncset.done $0x0  }
0xcf: {  	[sflag:s10] =	ssyncadd.s32 $0xFFFFE000  }
0xd0: {  	_ =	swait.ge [sflag:s11], $0x2000  }
0xd1: {  	[sflag:s11] =	ssyncset.done $0x0  }
0xd2: {  	[sflag:s11] =	ssyncadd.s32 $0xFFFFE000  }
0xd3: {  	[tilespmem:s25], [sflag:$0x5] =	stream.indirect.gather [spmem:s2], $0x40, s12, s24, $0xb8;
	[tilespmem:$0x1E800] =	vst v63  }
0xd4: {  	_ = 	snop  }
0xd5: {  	[spmem:s3] =	stream.indirect.scatter.add.f32 [tilespmem:s7], [sflag:$0x8], $0x40, s6, s24, $0xb8;
	[tilespmem:$0x1E800] =	vst v63  }
.LBB2_7:
0xd6: {  	_ =	swait.ge [sflag:s26], $0x2000  }
0xd7: {  	[sflag:s26] =	ssyncset.done $0x0  }
0xd8: {  	[sflag:s26] =	ssyncadd.s32 $0xFFFFE000  }
0xd9: {  	_ =	swait.ge [sflag:s13], $0x2000  }
0xda: {  	s16 =	sshra.s32 s15, $0x2;
	[sflag:s13] =	ssyncset.done $0x0  }
0xdb: {  	s17 =	sadd.s32 $0x300, s16;
	[sflag:s13] =	ssyncadd.s32 $0xFFFFE000  }
0xdc: {  	[tilespmem:s29], [sflag:$0x2] =	stream.indirect.gather [spmem:s2], $0x40, s17, s24, $0xb8;
	[tilespmem:$0x1E800] =	vst v63  }
0xdd: {  	s18 =	sadd.s32 $0x1600, s16  }
0xde: {  	[spmem:s3] =	stream.indirect.scatter.add.f32 [tilespmem:s20], [sflag:$0x3], $0x40, s18, s24, $0xb8;
	[tilespmem:$0x1E800] =	vst v63  }
0xdf: {  	_ =	swait.ge [sflag:s22], $0x2000  }
0xe0: {  	[sflag:s22] =	ssyncset.done $0x0  }
0xe1: {  	[sflag:s22] =	ssyncadd.s32 $0xFFFFE000  }
0xe2: {  	p0 =	seq.s32 s15, $0x4000;
	_ =	swait.ge [sflag:s30], $0x2000  }
0xe3: {  	s19 =	simm.s32 @!p0 $0x2800;
	s17 =	sshra.s32 @!p0 s15, $0x2;
	[sflag:s30] =	ssyncset.done $0x0  }
0xe4: {  	s17 =	sadd.s32 @!p0 $0x400, s17;
	s18 =	simm.s32 @!p0 $0x80;
	[sflag:s30] =	ssyncadd.s32 $0xFFFFE000  }
0xe5: {  	[tilespmem:s19], [sflag:$0x1] =	stream.indirect.gather @!p0 [spmem:s2], $0x40, s17, s18, $0xb8;
	[tilespmem:$0x1E800] =	vst v63  }
0xe6: {  	s19 =	sadd.s32 $0x1700, s16  }
0xe7: {  	[spmem:s3] =	stream.indirect.scatter.add.f32 [tilespmem:s29], [sflag:$0x4], $0x40, s19, s24, $0xb8;
	[tilespmem:$0x1E800] =	vst v63  }
0xe8: {  	_ =	swait.ge [sflag:s0], $0x2000  }
0xe9: {  	[sflag:s0] =	ssyncset.done $0x0  }
0xea: {  	[sflag:s0] =	ssyncadd.s32 $0xFFFFE000  }
0xeb: {  	_ =	swait.ge [sflag:s14], $0x2000  }
0xec: {  	[sflag:s14] =	ssyncset.done $0x0  }
0xed: {  	s18 =	sadd.s32 $0x380, s16;
	[sflag:s14] =	ssyncadd.s32 $0xFFFFE000  }
0xee: {  	[tilespmem:s7], [sflag:$0x6] =	stream.indirect.gather [spmem:s2], $0x40, s18, s24, $0xb8;
	[tilespmem:$0x1E800] =	vst v63  }
0xef: {  	s19 =	sadd.s32 $0x1680, s16  }
0xf0: {  	[spmem:s3] =	stream.indirect.scatter.add.f32 [tilespmem:s25], [sflag:$0x7], $0x40, s19, s24, $0xb8;
	[tilespmem:$0x1E800] =	vst v63  }
0xf1: {  	_ =	swait.ge [sflag:s10], $0x2000  }
.Ltmp5:
0xf2: {  	[sflag:s10] =	ssyncset.done $0x0;
	(pc) =	sbr.rel @p0 .LBB2_9-.Ltmp5, $4  }
0xf3: {  	[sflag:s10] =	ssyncadd.s32 $0xFFFFE000  }
0xf4: {  	_ =	swait.ge [sflag:s11], $0x2000  }
0xf5: {  	[sflag:s11] =	ssyncset.done $0x0  }
0xf6: {  	s17 =	sadd.s32 $0x1780, s16;
	[sflag:s11] =	ssyncadd.s32 $0xFFFFE000  }
.Ltmp6:
0xf7: {  	(pc) =	sbr.rel .LBB2_7-.Ltmp6, $4  }
0xf8: {  	s16 =	sadd.s32 $0x480, s16  }
0xf9: {  	[tilespmem:s25], [sflag:$0x5] =	stream.indirect.gather [spmem:s2], $0x40, s16, s24, $0xb8;
	[tilespmem:$0x1E800] =	vst v63  }
0xfa: {  	s15 =	sadd.s32 $0x800, s15  }
0xfb: {  	[spmem:s3] =	stream.indirect.scatter.add.f32 [tilespmem:s7], [sflag:$0x8], $0x40, s17, s24, $0xb8;
	[tilespmem:$0x1E800] =	vst v63  }
.LBB2_10:
0xfc: {  	_ =	sfence.sel $0x180000  }
0xfd: {  	[bflag:$0x0] =	sbarrier.arrive $0xFFFF  }
0xfe: {  	_ =	strace $0x9000004A  }
0xff: {  	s0 =	stileid.u32;
	[bflag:$0x2] =	sbarrier.arrive $0xFFFF  }
0x100: {  	p0 =	sne.s32 s0, $0x0;
	s0 =	rddreg [dreg:$0x4]  }
0x101: {  	s0 =	sadd.s32 @!p0 $0x100000, s0  }
0x102: {  	[sflag:s0] =	ssyncadd.tile.s32 @!p0 $0x1;
	_ =	shalt  }
.Lfunc_end2:
_tile_overlayer_lowered:
.L_overlay_start_2:
0x103: {  	(tag) =	ssettag $0x2  }
0x104: {  	s0 =	rddreg [dreg:$0x0];
	s2 =	stileid.u32  }
0x105: {  	s1 =	rddreg [dreg:$0x1];
	p0 =	sne.s32 s2, $0x0  }
0x106: {  	s3 =	rddreg [dreg:$0x2];
	[bflag:$0x3] =	sbarrier.arrive $0xFFFF;
	s2 =	simm.s32 @!p0 $0x1C09  }
0x107: {  	[timem:s3], [sflag:s2] =	dma.local @!p0 [hbm:s0], s1  }
0x108: {  	s0 =	simm.s32 @!p0 $0x9  }
0x109: {  	_ =	swait.ge @!p0 [sflag:s0], s1  }
0x10a: {  	s1 =	ssub.s32 @!p0 $0x0, s1;
	[sflag:s0] =	ssyncset.done @!p0 $0x0  }
0x10b: {  	[sflag:s0] =	ssyncadd.s32 @!p0 s1  }
0x10c: {  	[bflag:$0x3] =	sbarrier.arrive $0xFFFF  }
0x10d: {  	_ =	shalt  }

// kernel: kernel.14.cloned.1.call-start
scs
__scs_entry_jumppad:
0x0: {  	(pc) =	sbr.rel $0x88, $3  }
0x1: {  	(tag) =	ssettag $0x0;
	lr =	simm.s32 $0x1  }
0x2: {  	[smem:$0x3F97] =	sst lr;
	_ =	strace $0xD0000000  }
0x3: {  	_ = 	snop  }
0x4: {  	_ = 	snop  }
0x5: {  	_ = 	snop  }
0x6: {  	_ = 	snop  }
0x7: {  	_ = 	snop  }
__scs_overlays_trampoline_lowered:
0x8: {  	[smem:$0x3FA6] =	sst s0  }
0x9: {  	[smem:$0x3FA7] =	sst s1  }
0xa: {  	[smem:$0x3FA8] =	sst s2  }
0xb: {  	[smem:$0x3FA9] =	sst s3  }
0xc: {  	[smem:$0x3FAA] =	sst s4  }
0xd: {  	[smem:$0x3FAB] =	sst s5  }
0xe: {  	[smem:$0x3FAC] =	sst s6  }
0xf: {  	[smem:$0x3FAD] =	sst s7  }
0x10: {  	[smem:$0x3FAE] =	sst s8  }
0x11: {  	[smem:$0x3FAF] =	sst s9;
	s0 =	simm.s32 @!p0 $0x0  }
0x12: {  	s1 =	sld [smem:$0x3F95];
	s0 =	simm.s32 @p0 $0x1  }
0x13: {  	[smem:$0x3FB0] =	sst s0;
	s0 =	simm.s32 @!p1 $0x0  }
0x14: {  	s2 =	sld [smem:$0x3F94];
	s0 =	simm.s32 @p1 $0x1  }
0x15: {  	[smem:$0x3FB1] =	sst s0;
	s0 =	simm.s32 @!p2 $0x0  }
0x16: {  	s3 =	sld [smem:$0x3FDB];
	s0 =	simm.s32 @p2 $0x1  }
0x17: {  	s4 =	simm.s32 $0x1BF5;
	[smem:$0x3FB3] =	sst s0  }
0x18: {  	s0 =	sld [smem:$0x3F96];
	_ =	swait.ge [sflag:s4], $0x0  }
0x19: {  	s7 =	sld [smem:$0x3F97]  }
0x1a: {  	s8 =	sadd.s32 $0xFFFFE003, lr  }
0x1b: {  	s9 =	sadd.s32 $0xFFFFFEF7, lr;
	s5 =	simm.s32 $0xFFFFFFFF;
	p2 =	slt.u32 s8, $0xFFFFF086  }
0x1c: {  	p1 =	slt.u32 s9, $0xF7A;
	s5 =	simm.s32 @!p2 $0x0  }
0x1d: {  	s5 =	simm.s32 @p1 $0x1;
	p0 =	seq.s32 s7, s2  }
0x1e: {  	s7 =	smul.u32 @!p0 $0xF7A, s2;
	p2 =	seq.s32 @!p0 s5, $0x0  }
0x1f: {  	s9 =	smul.u32 $0xF7A, s1;
	s8 =	simm.s32 @!p0 $0x1BF5;
	p2 =	por !p2, p0  }
0x20: {  	[sflag:s8] =	ssyncset.s32 @!p0 $0xFFFFF086;
	s6 =	sadd.s32 @!p0 s3, s7;
	s7 =	simm.s32 @!p0 $0x108  }
0x21: {  	s3 =	sadd.s32 s3, s9;
	s6 =	sadd.s32 @!p0 $0x88, s6;
	s7 =	simm.s32 @p2 $0x1082  }
0x22: {  	[simem:s7], [sflag:s8] =	dma.local @!p0 [hbm:s6], $0xF7A  }
0x23: {  	s9 =	sor.u32 $0xD0000000, s2;
	s6 =	simm.s32 $0x108;
	_ =	swait.ge @!p0 [sflag:s8], $0x0  }
0x24: {  	s3 =	sadd.s32 $0x88, s3;
	s6 =	simm.s32 @!p1 $0x1082;
	[sflag:s4] =	ssyncset.s32 $0xFFFFF086  }
0x25: {  	[simem:s6], [sflag:s4] =	dma.local [hbm:s3], $0xF7A  }
0x26: {  	[smem:$0x3F97] =	sst s1;
	(tag) =	ssettag s2;
	_ =	strace s9  }
0x27: {  	s1 =	sld [smem:$0x3FA7]  }
0x28: {  	s2 =	sld [smem:$0x3FA8]  }
0x29: {  	s4 =	sld [smem:$0x3FAA]  }
0x2a: {  	p0 =	seq.s32 s5, $0x0;
	s5 =	sld [smem:$0x3FAB]  }
0x2b: {  	s6 =	sld [smem:$0x3FAC]  }
0x2c: {  	s7 =	sld [smem:$0x3FAD]  }
0x2d: {  	s3 =	simm.s32 $0x108;
	s8 =	sld [smem:$0x3FAE]  }
0x2e: {  	s3 =	simm.s32 @!p0 $0x1082;
	s9 =	sld [smem:$0x3FAF]  }
0x2f: {  	lr =	sadd.s32 s0, s3;
	s0 =	sld [smem:$0x3FA6]  }
0x30: {  	s3 =	sld [smem:$0x3FA9]  }
0x31: {  	[smem:$0x3FB2] =	sst s10  }
0x32: {  	s10 =	sld [smem:$0x3FB0];
	_ =	sdelay $0x3  }
0x33: {  	p0 =	seq.s32 s10, $0x1;
	s10 =	sld [smem:$0x3FB2];
	_ =	sdelay $0x3  }
0x34: {  	[smem:$0x3FB2] =	sst s10  }
0x35: {  	s10 =	sld [smem:$0x3FB1];
	_ =	sdelay $0x3  }
0x36: {  	p1 =	seq.s32 s10, $0x1;
	s10 =	sld [smem:$0x3FB2];
	_ =	sdelay $0x3  }
0x37: {  	[smem:$0x3FB2] =	sst s10  }
0x38: {  	s10 =	sld [smem:$0x3FB3]  }
0x39: {  	_ = 	snop;
	(pc) =	sbr.ind lr, $3  }
0x3a: {  	_ = 	snop  }
0x3b: {  	_ = 	snop  }
0x3c: {  	p2 =	seq.s32 s10, $0x1;
	s10 =	sld [smem:$0x3FB2]  }
0x3d: {  	_ =	shalt  }
0x3e: {  	_ =	shalt  }
0x3f: {  	_ =	shalt  }
0x40: {  	_ =	shalt  }
0x41: {  	_ =	shalt  }
0x42: {  	_ =	shalt  }
0x43: {  	_ =	shalt  }
0x44: {  	_ =	shalt  }
0x45: {  	_ =	shalt  }
0x46: {  	_ =	shalt  }
0x47: {  	_ =	shalt  }
0x48: {  	_ =	shalt  }
0x49: {  	_ =	shalt  }
0x4a: {  	_ =	shalt  }
0x4b: {  	_ =	shalt  }
0x4c: {  	_ =	shalt  }
0x4d: {  	_ =	shalt  }
0x4e: {  	_ =	shalt  }
0x4f: {  	_ =	shalt  }
0x50: {  	_ =	shalt  }
0x51: {  	_ =	shalt  }
0x52: {  	_ =	shalt  }
0x53: {  	_ =	shalt  }
0x54: {  	_ =	shalt  }
0x55: {  	_ =	shalt  }
0x56: {  	_ =	shalt  }
0x57: {  	_ =	shalt  }
0x58: {  	_ =	shalt  }
0x59: {  	_ =	shalt  }
0x5a: {  	_ =	shalt  }
0x5b: {  	_ =	shalt  }
0x5c: {  	_ =	shalt  }
0x5d: {  	_ =	shalt  }
0x5e: {  	_ =	shalt  }
0x5f: {  	_ =	shalt  }
0x60: {  	_ =	shalt  }
0x61: {  	_ =	shalt  }
0x62: {  	_ =	shalt  }
0x63: {  	_ =	shalt  }
0x64: {  	_ =	shalt  }
0x65: {  	_ =	shalt  }
0x66: {  	_ =	shalt  }
0x67: {  	_ =	shalt  }
0x68: {  	_ =	shalt  }
0x69: {  	_ =	shalt  }
0x6a: {  	_ =	shalt  }
0x6b: {  	_ =	shalt  }
0x6c: {  	_ =	shalt  }
0x6d: {  	_ =	shalt  }
0x6e: {  	_ =	shalt  }
0x6f: {  	_ =	shalt  }
0x70: {  	_ =	shalt  }
0x71: {  	_ =	shalt  }
0x72: {  	_ =	shalt  }
0x73: {  	_ =	shalt  }
0x74: {  	_ =	shalt  }
0x75: {  	_ =	shalt  }
0x76: {  	_ =	shalt  }
0x77: {  	_ =	shalt  }
0x78: {  	_ =	shalt  }
0x79: {  	_ =	shalt  }
0x7a: {  	_ =	shalt  }
0x7b: {  	_ =	shalt  }
0x7c: {  	_ =	shalt  }
0x7d: {  	_ =	shalt  }
0x7e: {  	_ =	shalt  }
0x7f: {  	_ =	shalt  }
0x80: {  	_ =	shalt  }
0x81: {  	_ =	shalt  }
0x82: {  	_ =	shalt  }
0x83: {  	_ =	shalt  }
0x84: {  	_ =	shalt  }
0x85: {  	_ =	shalt  }
0x86: {  	_ =	shalt  }
0x87: {  	_ =	shalt  }
.Lfunc_end0:
.L_simem_size_0:
called_computation.2_lowered:
.L_overlay_start_0:
0x88: {  	s2 =	sld [smem:$0x3FD9]  }
0x89: {  	s3 =	sld [smem:$0x3FFE];
	_ =	sdelay $0x1  }
0x8a: {  	s1 =	srdreg.scid  }
0x8b: {  	s0 =	sand.u32 $0x1, s1  }
0x8c: {  	s14 =	sshll.u32 s0, $0xA;
	s2 =	sadd.s32 s3, s2  }
0x8d: {  	s2 =	sadd.s32 s2, s14  }
0x8e: {  	[smem:$0x3FBE] =	sst s2  }
0x8f: {  	_ = 	snop  }
0x90: {  	s2 =	sld [smem:$0x3FD0];
	_ =	sdelay $0x2  }
0x91: {  	s15 =	simm.s32 $0xA;
	s4 =	simm.s32 $0x10  }
0x92: {  	[smem:s4], [sflag:s15] =	dma.local [hbm:s2], $0x1  }
0x93: {  	_ =	swait.eq [sflag:s15], $0x1  }
0x94: {  	[sflag:s15] =	ssyncset.done $0x0  }
0x95: {  	[sflag:s15] =	ssyncadd.s32 $0xFFFFFFFF  }
0x96: {  	s16 =	sld [smem:$0x10];
	(tm) =	ssettm $0x1  }
0x97: {  	s17 =	sld [smem:$0x3FFB];
	_ =	sdelay $0x3  }
0x98: {  	_ =	strace s17  }
0x99: {  	s3 =	sld [smem:$0x3FFC];
	_ =	sdelay $0x3  }
0x9a: {  	_ =	strace s3  }
0x9b: {  	s3 =	sld [smem:$0x3FFD];
	_ =	sdelay $0x3  }
0x9c: {  	_ =	strace s3  }
0x9d: {  	_ =	strace $0x8FFFFFFF  }
0x9e: {  	s18 =	sld [smem:$0x3FDB];
	_ =	sdelay $0x1  }
0x9f: {  	s19 =	simm.s32 $_scs_section_size  }
0xa0: {  	s5 =	simm.s32 $_size__tile_overlayer_lowered;
	s6 =	simm.s32 $_tile_overlayer_lowered  }
0xa1: {  	s22 =	simm.s32 $0x1BFF;
	s21 =	sshll.u32 s6, $0x1;
	s3 =	sadd.s32 s19, s18  }
0xa2: {  	s7 =	simm.s32 $0x0;
	s20 =	sshll.u32 s5, $0x1;
	s5 =	sadd.s32 s21, s3  }
0xa3: {  	[timem:s7], [sflag:s22] =	dma.local [hbm:s5], s20  }
0xa4: {  	_ =	swait.ge [sflag:s22], s20  }
0xa5: {  	s4 =	ssub.s32 $0x0, s20;
	[sflag:s22] =	ssyncset.done $0x0  }
0xa6: {  	[sflag:s22] =	ssyncadd.s32 s4;
	_ =	sdelay $0x1  }
0xa7: {  	s23 =	simm.s32 $0x1B8B  }
0xa8: {  	_ =	swait.ge [sflag:s23], $0x1  }
0xa9: {  	[sflag:s23] =	ssyncset.done $0x0  }
0xaa: {  	s25 =	simm.s32 $0x1B8E;
	s24 =	sld [smem:$0x3FFE];
	[sflag:s23] =	ssyncadd.s32 $0xFFFFFFFF  }
0xab: {  	s26 =	simm.s32 $execute0_lowered;
	[smem:$0x3FD2] =	sst s25  }
0xac: {  	s5 =	sshll.u32 s26, $0x1;
	_ =	strace $0x8000004C;
	[dreg:$0x1] =	wrdreg $0xFFFFFFFF  }
0xad: {  	s28 =	simm.s32 $_size_execute0_lowered;
	s3 =	sadd.s32 s3, s5;
	[dreg:$0x0] =	wrdreg $0x0  }
0xae: {  	s5 =	sshll.u32 s28, $0x1;
	[dreg:$0x2] =	wrdreg s3  }
0xaf: {  	[dreg:$0x3] =	wrdreg s5  }
0xb0: {  	[dreg:$0x4] =	wrdreg $0xC0  }
0xb1: {  	_ =	task [dreg:s7], $0x5FFFF  }
0xb2: {  	[dreg:$0x1] =	wrdreg $0xFFFFFFFF  }
0xb3: {  	[dreg:$0x0] =	wrdreg $0x60  }
0xb4: {  	[dreg:$0x2] =	wrdreg s24  }
0xb5: {  	[dreg:$0x3] =	wrdreg s16  }
0xb6: {  	[dreg:$0x4] =	wrdreg $0xB8000  }
0xb7: {  	[dreg:$0x5] =	wrdreg $0x68000  }
0xb8: {  	[dreg:$0x6] =	wrdreg $0x9  }
0xb9: {  	_ =	task.clear_ibuf [dreg:s7], $0x7FFFF;
	_ =	strace $0x9000004C  }
0xba: {  	s29 =	simm.s32 $0x9;
	_ =	strace $0x8000004E  }
0xbb: {  	_ =	swait.ge [sflag:s29], $0x1  }
0xbc: {  	[sflag:s29] =	ssyncadd.s32 $0xFFFFFFFF  }
0xbd: {  	_ =	strace $0x9000004E  }
0xbe: {  	_ =	sfence  }
0xbf: {  	s30 =	sld [smem:$0x0];
	_ =	sdelay $0x2  }
0xc0: {  	s31 =	sshll.u32 s1, $0xD;
	s1 =	sshrl.u32 s1, $0x2  }
0xc1: {  	s3 =	sand.u32 $0x4000, s31;
	s1 =	sadd.s32 s1, s30  }
0xc2: {  	s0 =	sor.u32 s3, s0;
	s1 =	sshll.u32 s1, $0x11  }
0xc3: {  	s0 =	sor.u32 s1, s0  }
0xc4: {  	s0 =	sadd.s32 $0x8F2B, s0  }
0xc5: {  	[sflag:s0] =	ssyncadd.remote.s32 $0x1  }
0xc6: {  	_ =	sfence.sel $0xFFFF  }
0xc7: {  	[dreg:$0x0] =	wrdreg $0xFFFFFFFF;
	(pc) =	sbr.abs _section_cstart, $3  }
0xc8: {  	[dreg:$0x1] =	wrdreg $0xFFFFFFFF  }
0xc9: {  	_ =	task.clear_ibuf [dreg:s7], $0x2FFFF;
	_ =	strace $0x9FFFFFFF  }
0xca: {  	(tm) =	ssettm $0x7FFFFFFF  }
0xcb: {  	_ =	shalt  }
tec
execute0_lowered:
.L_overlay_start_1:
0x0: {  	(tag) =	ssettag $0x1  }
0x1: {  	s0 =	rddreg [dreg:$0x0]  }
0x2: {  	s1 =	rddreg [dreg:$0x1]  }
0x3: {  	s2 =	rddreg [dreg:$0x2]  }
0x4: {  	s3 =	rddreg [dreg:$0x3]  }
0x5: {  	s4 =	simm.s32 $0x0;
	s13 =	stileid.u32;
	s6 =	srdreg.scid  }
0x6: {  	s28 =	simm.s32 $0x100;
	s29 =	simm.s32 $0x3800;
	s30 =	simm.s32 $0x3  }
0x7: {  	s31 =	simm.s32 $0x200;
	[smem:$0x7FF] =	sst s4;
	s5 =	smul.u32 $0x5000, s13  }
0x8: {  	s7 =	sadd.s32 $0xC000, s0;
	s6 =	sand.u32 $0x1, s6;
	s9 =	sadd.s32 $0x2000, s0  }
0x9: {  	s12 =	smul.u32 $0x14000, s13;
	_ =	strace $0x8000004D;
	s24 =	ssub.s32 $0x2, s6  }
0xa: {  	s11 =	sshll.u32 s6, $0x4;
	s6 =	smul.u32 $0x50000, s6;
	s8 =	sshrl.u32 s5, $0x3  }
0xb: {  	s10 =	sshrl.u32 s24, $0x1;
	s25 =	sor.u32 s13, s11;
	s26 =	sadd.s32 s5, s2  }
0xc: {  	s13 =	sshll.u32 s13, $0x6;
	s14 =	sshrl.u32 s12, $0x2;
	s11 =	simm.s32 $0x7  }
0xd: {  	s0 =	sadd.s32 s8, s0;
	s10 =	ssub.s32 s24, s10;
	[dreg:$0x6] =	wrdreg s13  }
0xe: {  	s15 =	sor.u32 $0x1C02, s13;
	s16 =	smul.u32 $0x2800, s25;
	s8 =	sadd.s32 s5, s3  }
0xf: {  	s21 =	sadd.s32 s5, s6;
	s26 =	sshrl.u32 s26, $0x3;
	[dreg:$0x7] =	wrdreg s15  }
0x10: {  	s6 =	simm.s32 $0x280;
	s0 =	sadd.s32 $0x16000, s0;
	[dreg:$0x12] =	wrdreg s26  }
0x11: {  	s25 =	smax.u32 s10, $0x1;
	[dreg:$0x5] =	wrdreg s0;
	s0 =	sadd.s32 s14, s3  }
0x12: {  	s13 =	simm.s32 $0x4;
	[dreg:$0x11] =	wrdreg s25;
	s17 =	sadd.s32 $0x1000, s0  }
0x13: {  	s26 =	simm.s32 $0x1;
	s18 =	sadd.s32 $0x2000, s0;
	[dreg:$0x8] =	wrdreg s17  }
0x14: {  	s10 =	simm.s32 $0x6;
	s19 =	sadd.s32 $0x3000, s0;
	[dreg:$0x9] =	wrdreg s18  }
0x15: {  	s12 =	sshrl.u32 s16, $0x3;
	s0 =	sadd.s32 $0x4000, s0;
	[dreg:$0xa] =	wrdreg s19  }
0x16: {  	s25 =	simm.s32 $0x4800;
	s20 =	sadd.s32 s7, s12;
	[dreg:$0xb] =	wrdreg s0  }
0x17: {  	s14 =	simm.s32 $0x8;
	s22 =	sadd.s32 s9, s12;
	[dreg:$0xc] =	wrdreg s20  }
0x18: {  	s23 =	sadd.s32 $0x280, s12;
	s12 =	simm.s32 $0x1580;
	[dreg:$0xd] =	wrdreg s22  }
0x19: {  	s0 =	sshrl.u32 s21, $0x3;
	s24 =	sadd.s32 s7, s23;
	s5 =	sadd.s32 s9, s23  }
.Ltmp0:
0x1a: {  	s20 =	simm.s32 $0x2800;
	s21 =	simm.s32 $0x9;
	(pc) =	sbr.rel .LBB2_1-.Ltmp0, $4  }
0x1b: {  	s22 =	simm.s32 $0x2;
	s23 =	simm.s32 $0x1400;
	[dreg:$0xe] =	wrdreg s24  }
0x1c: {  	s7 =	simm.s32 $0x5800;
	s9 =	simm.s32 $0x1480;
	[dreg:$0xf] =	wrdreg s5  }
0x1d: {  	s0 =	sadd.s32 s1, s0;
	s24 =	simm.s32 $0x80;
	s1 =	simm.s32 $0x5  }
0x1e: {  	v0 =	vimm.f32 $0.0e+00;
	s5 =	simm.s32 $0x180;
	[dreg:$0x10] =	wrdreg s0;
	s0 =	simm.s32 $0x1500  }
.LBB2_9:
0x1f: {  	[spmem:s3] =	stream.indirect.scatter.add.f32 [tilespmem:s7], [sflag:$0x8], $0x20, s17, s24, $0xb8;
	[tilespmem:$0x10800] =	vst v63  }
0x20: {  	_ =	swait.ge [sflag:s13], $0x1000  }
0x21: {  	[sflag:s13] =	ssyncset.done $0x0  }
0x22: {  	[sflag:s13] =	ssyncadd.s32 $0xFFFFF000  }
0x23: {  	_ =	swait.ge [sflag:s14], $0x1000  }
0x24: {  	[sflag:s14] =	ssyncset.done $0x0  }
0x25: {  	[sflag:s14] =	ssyncadd.s32 $0xFFFFF000  }
0x26: {  	[bflag:$0x0] =	sbarrier.arrive $0xFFFF  }
0x27: {  	s15 =	rddreg [dreg:$0x6]  }
0x28: {  	s16 =	sshrl.u32 s8, $0x3;
	s18 =	rddreg [dreg:$0x10];
	s15 =	sor.u32 $0x1C09, s15  }
0x29: {  	[hbm:s18], [sflag:s15] =	dma.local [spmem:s16], $0xA00  }
0x2a: {  	_ =	swait.ge [sflag:s21], $0xA00  }
0x2b: {  	s4 =	sadd.s32 $0x1, s4;
	s19 =	rddreg [dreg:$0x11]  }
0x2c: {  	p0 =	sne.s32 s4, s19  }
.Ltmp1:
0x2d: {  	_ = 	snop;
	(pc) =	sbr.rel @!p0 .LBB2_10-.Ltmp1, $3  }
0x2e: {  	_ =	sdelay $0x1  }
0x2f: {  	[sflag:s21] =	ssyncset.done $0x0  }
0x30: {  	[sflag:s21] =	ssyncadd.s32 $0xFFFFF600  }
.LBB2_1:
0x31: {  	s15 =	rddreg [dreg:$0x5]  }
0x32: {  	s16 =	rddreg [dreg:$0x7]  }
0x33: {  	s17 =	rddreg [dreg:$0x12]  }
0x34: {  	[spmem:s17], [sflag:s16] =	dma.local [hbm:s15], $0xA00  }
0x35: {  	s15 =	simm.s32 $0x80;
	s16 =	simm.s32 $0x0  }
.LBB2_2:
0x36: {  	p0 =	sne.s32 s15, $0x3F80;
	[tilespmem:s16+$0x2800] =	vst v0;
	s17 =	smov.u32 s15;
	s15 =	sadd.s32 $0x80, s15  }
.Ltmp2:
0x37: {  	[tilespmem:s16+$0x2810] =	vst v0;
	(pc) =	sbr.rel @p0 .LBB2_2-.Ltmp2, $2  }
0x38: {  	_ =	sdelay $0x2  }
0x39: {  	s16 =	sshra.s32 s17, $0x2  }
0x3a: {  	[tilespmem:s16+$0x2800] =	vst v0  }
0x3b: {  	[tilespmem:s16+$0x2810] =	vst v0  }
0x3c: {  	[spmem:s8] =	stream.linear.scatter [tilespmem:s20], [sflag:$0x9], $0x1000, $0x38;
	[tilespmem:$0x10800] =	vst v63  }
0x3d: {  	_ =	swait.ge [sflag:s21], $0x1000  }
0x3e: {  	[sflag:s21] =	ssyncset.done $0x0  }
0x3f: {  	s15 =	rddreg [dreg:$0x8];
	[sflag:s21] =	ssyncadd.s32 $0xFFFFF000  }
0x40: {  	[spmem:s15] =	stream.linear.scatter [tilespmem:s20], [sflag:$0x9], $0x1000, $0x38;
	[tilespmem:$0x10800] =	vst v63  }
0x41: {  	_ =	swait.ge [sflag:s21], $0x1000  }
0x42: {  	[sflag:s21] =	ssyncset.done $0x0  }
0x43: {  	s19 =	rddreg [dreg:$0x9];
	[sflag:s21] =	ssyncadd.s32 $0xFFFFF000  }
0x44: {  	[spmem:s19] =	stream.linear.scatter [tilespmem:s20], [sflag:$0x9], $0x1000, $0x38;
	[tilespmem:$0x10800] =	vst v63  }
0x45: {  	_ =	swait.ge [sflag:s21], $0x1000  }
0x46: {  	[sflag:s21] =	ssyncset.done $0x0  }
0x47: {  	s16 =	rddreg [dreg:$0xa];
	[sflag:s21] =	ssyncadd.s32 $0xFFFFF000  }
0x48: {  	[spmem:s16] =	stream.linear.scatter [tilespmem:s20], [sflag:$0x9], $0x1000, $0x38;
	[tilespmem:$0x10800] =	vst v63  }
0x49: {  	_ =	swait.ge [sflag:s21], $0x1000  }
0x4a: {  	[sflag:s21] =	ssyncset.done $0x0  }
0x4b: {  	s17 =	rddreg [dreg:$0xb];
	[sflag:s21] =	ssyncadd.s32 $0xFFFFF000  }
0x4c: {  	[spmem:s17] =	stream.linear.scatter [tilespmem:s20], [sflag:$0x9], $0x1000, $0x38;
	[tilespmem:$0x10800] =	vst v63  }
0x4d: {  	_ =	swait.ge [sflag:s21], $0x1000  }
0x4e: {  	[sflag:s21] =	ssyncset.done $0x0  }
0x4f: {  	[sflag:s21] =	ssyncadd.s32 $0xFFFFF000  }
0x50: {  	_ =	swait.ge [sflag:s22], $0xA00  }
0x51: {  	[sflag:s22] =	ssyncset.done $0x0  }
0x52: {  	[sflag:s22] =	ssyncadd.s32 $0xFFFFF600  }
0x53: {  	[bflag:$0x0] =	sbarrier.arrive $0xFFFF  }
0x54: {  	s15 =	simm.s32 $0x0;
	s18 =	rddreg [dreg:$0xc]  }
0x55: {  	[tilespmem:s15], [sflag:$0x9] =	stream.linear.gather [hbm4b:s18+s15], $0x1400, $0x38;
	[tilespmem:$0x10800] =	vst v63  }
0x56: {  	_ =	swait.ge [sflag:s21], $0x1400  }
0x57: {  	[sflag:s21] =	ssyncset.done $0x0  }
0x58: {  	s19 =	rddreg [dreg:$0xd];
	[sflag:s21] =	ssyncadd.s32 $0xFFFFEC00  }
0x59: {  	[tilespmem:s23], [sflag:$0x9] =	stream.linear.gather [hbm4b:s19+s15], $0x1400, $0x38;
	[tilespmem:$0x10800] =	vst v63  }
0x5a: {  	_ =	swait.ge [sflag:s21], $0x1400  }
0x5b: {  	[sflag:s21] =	ssyncset.done $0x0  }
0x5c: {  	[sflag:s21] =	ssyncadd.s32 $0xFFFFEC00  }
0x5d: {  	[tilespmem:s20], [sflag:$0x1] =	stream.indirect.gather [spmem:s2], $0x20, s15, s24, $0xb8;
	[tilespmem:$0x10800] =	vst v63  }
0x5e: {  	_ = 	snop  }
0x5f: {  	[tilespmem:s25], [sflag:$0x5] =	stream.indirect.gather [spmem:s2], $0x20, s24, s24, $0xb8;
	[tilespmem:$0x10800] =	vst v63  }
0x60: {  	_ =	swait.ge [sflag:s26], $0x1000  }
0x61: {  	[sflag:s26] =	ssyncset.done $0x0  }
0x62: {  	[sflag:s26] =	ssyncadd.s32 $0xFFFFF000  }
0x63: {  	[tilespmem:s29], [sflag:$0x2] =	stream.indirect.gather [spmem:s2], $0x20, s28, s24, $0xb8;
	[tilespmem:$0x10800] =	vst v63  }
0x64: {  	_ = 	snop  }
0x65: {  	[spmem:s3] =	stream.indirect.scatter.add.f32 [tilespmem:s20], [sflag:$0x3], $0x20, s23, s24, $0xb8;
	[tilespmem:$0x10800] =	vst v63  }
0x66: {  	_ =	swait.ge [sflag:s22], $0x1000  }
0x67: {  	[sflag:s22] =	ssyncset.done $0x0  }
0x68: {  	[sflag:s22] =	ssyncadd.s32 $0xFFFFF000  }
0x69: {  	_ =	swait.ge [sflag:s30], $0x1000  }
0x6a: {  	[sflag:s30] =	ssyncset.done $0x0  }
0x6b: {  	[sflag:s30] =	ssyncadd.s32 $0xFFFFF000  }
0x6c: {  	[tilespmem:s20], [sflag:$0x1] =	stream.indirect.gather [spmem:s2], $0x20, s31, s24, $0xb8;
	[tilespmem:$0x10800] =	vst v63  }
0x6d: {  	_ = 	snop  }
0x6e: {  	[spmem:s3] =	stream.indirect.scatter.add.f32 [tilespmem:s29], [sflag:$0x4], $0x20, s0, s24, $0xb8;
	[tilespmem:$0x10800] =	vst v63  }
0x6f: {  	_ =	swait.ge [sflag:s1], $0x1000  }
0x70: {  	[sflag:s1] =	ssyncset.done $0x0  }
0x71: {  	[sflag:s1] =	ssyncadd.s32 $0xFFFFF000  }
0x72: {  	[tilespmem:s7], [sflag:$0x6] =	stream.indirect.gather [spmem:s2], $0x20, s5, s24, $0xb8;
	[tilespmem:$0x10800] =	vst v63  }
0x73: {  	_ = 	snop  }
0x74: {  	[spmem:s3] =	stream.indirect.scatter.add.f32 [tilespmem:s25], [sflag:$0x7], $0x20, s9, s24, $0xb8;
	[tilespmem:$0x10800] =	vst v63  }
0x75: {  	_ =	swait.ge [sflag:s10], $0x1000  }
0x76: {  	[sflag:s10] =	ssyncset.done $0x0  }
0x77: {  	[sflag:s10] =	ssyncadd.s32 $0xFFFFF000  }
0x78: {  	_ =	swait.ge [sflag:s11], $0x1000  }
0x79: {  	[sflag:s11] =	ssyncset.done $0x0  }
0x7a: {  	[sflag:s11] =	ssyncadd.s32 $0xFFFFF000  }
0x7b: {  	[tilespmem:s25], [sflag:$0x5] =	stream.indirect.gather [spmem:s2], $0x20, s6, s24, $0xb8;
	[tilespmem:$0x10800] =	vst v63  }
0x7c: {  	_ = 	snop  }
0x7d: {  	[spmem:s3] =	stream.indirect.scatter.add.f32 [tilespmem:s7], [sflag:$0x8], $0x20, s12, s24, $0xb8;
	[tilespmem:$0x10800] =	vst v63  }
.LBB2_4:
0x7e: {  	_ =	swait.ge [sflag:s26], $0x1000  }
0x7f: {  	[sflag:s26] =	ssyncset.done $0x0  }
0x80: {  	[sflag:s26] =	ssyncadd.s32 $0xFFFFF000  }
0x81: {  	_ =	swait.ge [sflag:s13], $0x1000  }
0x82: {  	s16 =	sshra.s32 s15, $0x2;
	[sflag:s13] =	ssyncset.done $0x0  }
0x83: {  	s17 =	sadd.s32 $0x300, s16;
	[sflag:s13] =	ssyncadd.s32 $0xFFFFF000  }
0x84: {  	[tilespmem:s29], [sflag:$0x2] =	stream.indirect.gather [spmem:s2], $0x20, s17, s24, $0xb8;
	[tilespmem:$0x10800] =	vst v63  }
0x85: {  	s18 =	sadd.s32 $0x1600, s16  }
0x86: {  	[spmem:s3] =	stream.indirect.scatter.add.f32 [tilespmem:s20], [sflag:$0x3], $0x20, s18, s24, $0xb8;
	[tilespmem:$0x10800] =	vst v63  }
0x87: {  	_ =	swait.ge [sflag:s22], $0x1000  }
0x88: {  	[sflag:s22] =	ssyncset.done $0x0  }
0x89: {  	[sflag:s22] =	ssyncadd.s32 $0xFFFFF000  }
0x8a: {  	p0 =	seq.s32 s15, $0x4000;
	_ =	swait.ge [sflag:s30], $0x1000  }
0x8b: {  	s19 =	simm.s32 @!p0 $0x2800;
	s17 =	sshra.s32 @!p0 s15, $0x2;
	[sflag:s30] =	ssyncset.done $0x0  }
0x8c: {  	s17 =	sadd.s32 @!p0 $0x400, s17;
	s18 =	simm.s32 @!p0 $0x80;
	[sflag:s30] =	ssyncadd.s32 $0xFFFFF000  }
0x8d: {  	[tilespmem:s19], [sflag:$0x1] =	stream.indirect.gather @!p0 [spmem:s2], $0x20, s17, s18, $0xb8;
	[tilespmem:$0x10800] =	vst v63  }
0x8e: {  	s19 =	sadd.s32 $0x1700, s16  }
0x8f: {  	[spmem:s3] =	stream.indirect.scatter.add.f32 [tilespmem:s29], [sflag:$0x4], $0x20, s19, s24, $0xb8;
	[tilespmem:$0x10800] =	vst v63  }
0x90: {  	_ =	swait.ge [sflag:s1], $0x1000  }
0x91: {  	[sflag:s1] =	ssyncset.done $0x0  }
0x92: {  	[sflag:s1] =	ssyncadd.s32 $0xFFFFF000  }
0x93: {  	_ =	swait.ge [sflag:s14], $0x1000  }
0x94: {  	[sflag:s14] =	ssyncset.done $0x0  }
0x95: {  	s18 =	sadd.s32 $0x380, s16;
	[sflag:s14] =	ssyncadd.s32 $0xFFFFF000  }
0x96: {  	[tilespmem:s7], [sflag:$0x6] =	stream.indirect.gather [spmem:s2], $0x20, s18, s24, $0xb8;
	[tilespmem:$0x10800] =	vst v63  }
0x97: {  	s19 =	sadd.s32 $0x1680, s16  }
0x98: {  	[spmem:s3] =	stream.indirect.scatter.add.f32 [tilespmem:s25], [sflag:$0x7], $0x20, s19, s24, $0xb8;
	[tilespmem:$0x10800] =	vst v63  }
0x99: {  	_ =	swait.ge [sflag:s10], $0x1000  }
.Ltmp3:
0x9a: {  	[sflag:s10] =	ssyncset.done $0x0;
	(pc) =	sbr.rel @p0 .LBB2_6-.Ltmp3, $4  }
0x9b: {  	[sflag:s10] =	ssyncadd.s32 $0xFFFFF000  }
0x9c: {  	_ =	swait.ge [sflag:s11], $0x1000  }
0x9d: {  	[sflag:s11] =	ssyncset.done $0x0  }
0x9e: {  	s17 =	sadd.s32 $0x1780, s16;
	[sflag:s11] =	ssyncadd.s32 $0xFFFFF000  }
.Ltmp4:
0x9f: {  	(pc) =	sbr.rel .LBB2_4-.Ltmp4, $4  }
0xa0: {  	s16 =	sadd.s32 $0x480, s16  }
0xa1: {  	[tilespmem:s25], [sflag:$0x5] =	stream.indirect.gather [spmem:s2], $0x20, s16, s24, $0xb8;
	[tilespmem:$0x10800] =	vst v63  }
0xa2: {  	s15 =	sadd.s32 $0x800, s15  }
0xa3: {  	[spmem:s3] =	stream.indirect.scatter.add.f32 [tilespmem:s7], [sflag:$0x8], $0x20, s17, s24, $0xb8;
	[tilespmem:$0x10800] =	vst v63  }
.LBB2_6:
0xa4: {  	[spmem:s3] =	stream.indirect.scatter.add.f32 [tilespmem:s7], [sflag:$0x8], $0x20, s17, s24, $0xb8;
	[tilespmem:$0x10800] =	vst v63  }
0xa5: {  	_ =	swait.ge [sflag:s13], $0x1000  }
0xa6: {  	[sflag:s13] =	ssyncset.done $0x0  }
0xa7: {  	[sflag:s13] =	ssyncadd.s32 $0xFFFFF000  }
0xa8: {  	_ =	swait.ge [sflag:s14], $0x1000  }
0xa9: {  	[sflag:s14] =	ssyncset.done $0x0  }
0xaa: {  	s15 =	simm.s32 $0x0;
	s16 =	rddreg [dreg:$0xe];
	[sflag:s14] =	ssyncadd.s32 $0xFFFFF000  }
0xab: {  	[tilespmem:s15], [sflag:$0x9] =	stream.linear.gather [hbm4b:s16+s15], $0x1400, $0x38;
	[tilespmem:$0x10800] =	vst v63  }
0xac: {  	_ =	swait.ge [sflag:s21], $0x1400  }
0xad: {  	[sflag:s21] =	ssyncset.done $0x0  }
0xae: {  	s19 =	rddreg [dreg:$0xf];
	[sflag:s21] =	ssyncadd.s32 $0xFFFFEC00  }
0xaf: {  	[tilespmem:s23], [sflag:$0x9] =	stream.linear.gather [hbm4b:s19+s15], $0x1400, $0x38;
	[tilespmem:$0x10800] =	vst v63  }
0xb0: {  	_ =	swait.ge [sflag:s21], $0x1400  }
0xb1: {  	[sflag:s21] =	ssyncset.done $0x0  }
0xb2: {  	[sflag:s21] =	ssyncadd.s32 $0xFFFFEC00  }
0xb3: {  	[tilespmem:s20], [sflag:$0x1] =	stream.indirect.gather [spmem:s2], $0x20, s15, s24, $0xb8;
	[tilespmem:$0x10800] =	vst v63  }
0xb4: {  	_ = 	snop  }
0xb5: {  	[tilespmem:s25], [sflag:$0x5] =	stream.indirect.gather [spmem:s2], $0x20, s24, s24, $0xb8;
	[tilespmem:$0x10800] =	vst v63  }
0xb6: {  	_ =	swait.ge [sflag:s26], $0x1000  }
0xb7: {  	[sflag:s26] =	ssyncset.done $0x0  }
0xb8: {  	[sflag:s26] =	ssyncadd.s32 $0xFFFFF000  }
0xb9: {  	[tilespmem:s29], [sflag:$0x2] =	stream.indirect.gather [spmem:s2], $0x20, s28, s24, $0xb8;
	[tilespmem:$0x10800] =	vst v63  }
0xba: {  	_ = 	snop  }
0xbb: {  	[spmem:s3] =	stream.indirect.scatter.add.f32 [tilespmem:s20], [sflag:$0x3], $0x20, s23, s24, $0xb8;
	[tilespmem:$0x10800] =	vst v63  }
0xbc: {  	_ =	swait.ge [sflag:s22], $0x1000  }
0xbd: {  	[sflag:s22] =	ssyncset.done $0x0  }
0xbe: {  	[sflag:s22] =	ssyncadd.s32 $0xFFFFF000  }
0xbf: {  	_ =	swait.ge [sflag:s30], $0x1000  }
0xc0: {  	[sflag:s30] =	ssyncset.done $0x0  }
0xc1: {  	[sflag:s30] =	ssyncadd.s32 $0xFFFFF000  }
0xc2: {  	[tilespmem:s20], [sflag:$0x1] =	stream.indirect.gather [spmem:s2], $0x20, s31, s24, $0xb8;
	[tilespmem:$0x10800] =	vst v63  }
0xc3: {  	_ = 	snop  }
0xc4: {  	[spmem:s3] =	stream.indirect.scatter.add.f32 [tilespmem:s29], [sflag:$0x4], $0x20, s0, s24, $0xb8;
	[tilespmem:$0x10800] =	vst v63  }
0xc5: {  	_ =	swait.ge [sflag:s1], $0x1000  }
0xc6: {  	[sflag:s1] =	ssyncset.done $0x0  }
0xc7: {  	[sflag:s1] =	ssyncadd.s32 $0xFFFFF000  }
0xc8: {  	[tilespmem:s7], [sflag:$0x6] =	stream.indirect.gather [spmem:s2], $0x20, s5, s24, $0xb8;
	[tilespmem:$0x10800] =	vst v63  }
0xc9: {  	_ = 	snop  }
0xca: {  	[spmem:s3] =	stream.indirect.scatter.add.f32 [tilespmem:s25], [sflag:$0x7], $0x20, s9, s24, $0xb8;
	[tilespmem:$0x10800] =	vst v63  }
0xcb: {  	_ =	swait.ge [sflag:s10], $0x1000  }
0xcc: {  	[sflag:s10] =	ssyncset.done $0x0  }
0xcd: {  	[sflag:s10] =	ssyncadd.s32 $0xFFFFF000  }
0xce: {  	_ =	swait.ge [sflag:s11], $0x1000  }
0xcf: {  	[sflag:s11] =	ssyncset.done $0x0  }
0xd0: {  	[sflag:s11] =	ssyncadd.s32 $0xFFFFF000  }
0xd1: {  	[tilespmem:s25], [sflag:$0x5] =	stream.indirect.gather [spmem:s2], $0x20, s6, s24, $0xb8;
	[tilespmem:$0x10800] =	vst v63  }
0xd2: {  	_ = 	snop  }
0xd3: {  	[spmem:s3] =	stream.indirect.scatter.add.f32 [tilespmem:s7], [sflag:$0x8], $0x20, s12, s24, $0xb8;
	[tilespmem:$0x10800] =	vst v63  }
.LBB2_7:
0xd4: {  	_ =	swait.ge [sflag:s26], $0x1000  }
0xd5: {  	[sflag:s26] =	ssyncset.done $0x0  }
0xd6: {  	[sflag:s26] =	ssyncadd.s32 $0xFFFFF000  }
0xd7: {  	_ =	swait.ge [sflag:s13], $0x1000  }
0xd8: {  	s16 =	sshra.s32 s15, $0x2;
	[sflag:s13] =	ssyncset.done $0x0  }
0xd9: {  	s17 =	sadd.s32 $0x300, s16;
	[sflag:s13] =	ssyncadd.s32 $0xFFFFF000  }
0xda: {  	[tilespmem:s29], [sflag:$0x2] =	stream.indirect.gather [spmem:s2], $0x20, s17, s24, $0xb8;
	[tilespmem:$0x10800] =	vst v63  }
0xdb: {  	s18 =	sadd.s32 $0x1600, s16  }
0xdc: {  	[spmem:s3] =	stream.indirect.scatter.add.f32 [tilespmem:s20], [sflag:$0x3], $0x20, s18, s24, $0xb8;
	[tilespmem:$0x10800] =	vst v63  }
0xdd: {  	_ =	swait.ge [sflag:s22], $0x1000  }
0xde: {  	[sflag:s22] =	ssyncset.done $0x0  }
0xdf: {  	[sflag:s22] =	ssyncadd.s32 $0xFFFFF000  }
0xe0: {  	p0 =	seq.s32 s15, $0x4000;
	_ =	swait.ge [sflag:s30], $0x1000  }
0xe1: {  	s19 =	simm.s32 @!p0 $0x2800;
	s17 =	sshra.s32 @!p0 s15, $0x2;
	[sflag:s30] =	ssyncset.done $0x0  }
0xe2: {  	s17 =	sadd.s32 @!p0 $0x400, s17;
	s18 =	simm.s32 @!p0 $0x80;
	[sflag:s30] =	ssyncadd.s32 $0xFFFFF000  }
0xe3: {  	[tilespmem:s19], [sflag:$0x1] =	stream.indirect.gather @!p0 [spmem:s2], $0x20, s17, s18, $0xb8;
	[tilespmem:$0x10800] =	vst v63  }
0xe4: {  	s19 =	sadd.s32 $0x1700, s16  }
0xe5: {  	[spmem:s3] =	stream.indirect.scatter.add.f32 [tilespmem:s29], [sflag:$0x4], $0x20, s19, s24, $0xb8;
	[tilespmem:$0x10800] =	vst v63  }
0xe6: {  	_ =	swait.ge [sflag:s1], $0x1000  }
0xe7: {  	[sflag:s1] =	ssyncset.done $0x0  }
0xe8: {  	[sflag:s1] =	ssyncadd.s32 $0xFFFFF000  }
0xe9: {  	_ =	swait.ge [sflag:s14], $0x1000  }
0xea: {  	[sflag:s14] =	ssyncset.done $0x0  }
0xeb: {  	s18 =	sadd.s32 $0x380, s16;
	[sflag:s14] =	ssyncadd.s32 $0xFFFFF000  }
0xec: {  	[tilespmem:s7], [sflag:$0x6] =	stream.indirect.gather [spmem:s2], $0x20, s18, s24, $0xb8;
	[tilespmem:$0x10800] =	vst v63  }
0xed: {  	s19 =	sadd.s32 $0x1680, s16  }
0xee: {  	[spmem:s3] =	stream.indirect.scatter.add.f32 [tilespmem:s25], [sflag:$0x7], $0x20, s19, s24, $0xb8;
	[tilespmem:$0x10800] =	vst v63  }
0xef: {  	_ =	swait.ge [sflag:s10], $0x1000  }
.Ltmp5:
0xf0: {  	[sflag:s10] =	ssyncset.done $0x0;
	(pc) =	sbr.rel @p0 .LBB2_9-.Ltmp5, $4  }
0xf1: {  	[sflag:s10] =	ssyncadd.s32 $0xFFFFF000  }
0xf2: {  	_ =	swait.ge [sflag:s11], $0x1000  }
0xf3: {  	[sflag:s11] =	ssyncset.done $0x0  }
0xf4: {  	s17 =	sadd.s32 $0x1780, s16;
	[sflag:s11] =	ssyncadd.s32 $0xFFFFF000  }
.Ltmp6:
0xf5: {  	(pc) =	sbr.rel .LBB2_7-.Ltmp6, $4  }
0xf6: {  	s16 =	sadd.s32 $0x480, s16  }
0xf7: {  	[tilespmem:s25], [sflag:$0x5] =	stream.indirect.gather [spmem:s2], $0x20, s16, s24, $0xb8;
	[tilespmem:$0x10800] =	vst v63  }
0xf8: {  	s15 =	sadd.s32 $0x800, s15  }
0xf9: {  	[spmem:s3] =	stream.indirect.scatter.add.f32 [tilespmem:s7], [sflag:$0x8], $0x20, s17, s24, $0xb8;
	[tilespmem:$0x10800] =	vst v63  }
.LBB2_10:
0xfa: {  	_ =	sfence.sel $0x180000  }
0xfb: {  	[bflag:$0x0] =	sbarrier.arrive $0xFFFF  }
0xfc: {  	_ =	strace $0x9000004D  }
0xfd: {  	s0 =	stileid.u32;
	[bflag:$0x2] =	sbarrier.arrive $0xFFFF  }
0xfe: {  	p0 =	sne.s32 s0, $0x0;
	s0 =	rddreg [dreg:$0x4]  }
0xff: {  	s0 =	sadd.s32 @!p0 $0x100000, s0  }
0x100: {  	[sflag:s0] =	ssyncadd.tile.s32 @!p0 $0x1;
	_ =	shalt  }
.Lfunc_end2:
_tile_overlayer_lowered:
.L_overlay_start_2:
0x101: {  	(tag) =	ssettag $0x2  }
0x102: {  	s0 =	rddreg [dreg:$0x0];
	s2 =	stileid.u32  }
0x103: {  	s1 =	rddreg [dreg:$0x1];
	p0 =	sne.s32 s2, $0x0  }
0x104: {  	s3 =	rddreg [dreg:$0x2];
	[bflag:$0x3] =	sbarrier.arrive $0xFFFF;
	s2 =	simm.s32 @!p0 $0x1C09  }
0x105: {  	[timem:s3], [sflag:s2] =	dma.local @!p0 [hbm:s0], s1  }
0x106: {  	s0 =	simm.s32 @!p0 $0x9  }
0x107: {  	_ =	swait.ge @!p0 [sflag:s0], s1  }
0x108: {  	s1 =	ssub.s32 @!p0 $0x0, s1;
	[sflag:s0] =	ssyncset.done @!p0 $0x0  }
0x109: {  	[sflag:s0] =	ssyncadd.s32 @!p0 s1  }
0x10a: {  	[bflag:$0x3] =	sbarrier.arrive $0xFFFF  }
0x10b: {  	_ =	shalt  }

// kernel: kernel.8.cloned.1.call-start
scs
__scs_entry_jumppad:
0x0: {  	(pc) =	sbr.rel $0x88, $3  }
0x1: {  	(tag) =	ssettag $0x0;
	lr =	simm.s32 $0x1  }
0x2: {  	[smem:$0x3F97] =	sst lr;
	_ =	strace $0xD0000000  }
0x3: {  	_ = 	snop  }
0x4: {  	_ = 	snop  }
0x5: {  	_ = 	snop  }
0x6: {  	_ = 	snop  }
0x7: {  	_ = 	snop  }
__scs_overlays_trampoline_lowered:
0x8: {  	[smem:$0x3FA6] =	sst s0  }
0x9: {  	[smem:$0x3FA7] =	sst s1  }
0xa: {  	[smem:$0x3FA8] =	sst s2  }
0xb: {  	[smem:$0x3FA9] =	sst s3  }
0xc: {  	[smem:$0x3FAA] =	sst s4  }
0xd: {  	[smem:$0x3FAB] =	sst s5  }
0xe: {  	[smem:$0x3FAC] =	sst s6  }
0xf: {  	[smem:$0x3FAD] =	sst s7  }
0x10: {  	[smem:$0x3FAE] =	sst s8  }
0x11: {  	[smem:$0x3FAF] =	sst s9;
	s0 =	simm.s32 @!p0 $0x0  }
0x12: {  	s1 =	sld [smem:$0x3F95];
	s0 =	simm.s32 @p0 $0x1  }
0x13: {  	[smem:$0x3FB0] =	sst s0;
	s0 =	simm.s32 @!p1 $0x0  }
0x14: {  	s2 =	sld [smem:$0x3F94];
	s0 =	simm.s32 @p1 $0x1  }
0x15: {  	[smem:$0x3FB1] =	sst s0;
	s0 =	simm.s32 @!p2 $0x0  }
0x16: {  	s3 =	sld [smem:$0x3FDB];
	s0 =	simm.s32 @p2 $0x1  }
0x17: {  	s4 =	simm.s32 $0x1BF5;
	[smem:$0x3FB3] =	sst s0  }
0x18: {  	s0 =	sld [smem:$0x3F96];
	_ =	swait.ge [sflag:s4], $0x0  }
0x19: {  	s7 =	sld [smem:$0x3F97]  }
0x1a: {  	s8 =	sadd.s32 $0xFFFFE003, lr  }
0x1b: {  	s9 =	sadd.s32 $0xFFFFFEF7, lr;
	s5 =	simm.s32 $0xFFFFFFFF;
	p2 =	slt.u32 s8, $0xFFFFF086  }
0x1c: {  	p1 =	slt.u32 s9, $0xF7A;
	s5 =	simm.s32 @!p2 $0x0  }
0x1d: {  	s5 =	simm.s32 @p1 $0x1;
	p0 =	seq.s32 s7, s2  }
0x1e: {  	s7 =	smul.u32 @!p0 $0xF7A, s2;
	p2 =	seq.s32 @!p0 s5, $0x0  }
0x1f: {  	s9 =	smul.u32 $0xF7A, s1;
	s8 =	simm.s32 @!p0 $0x1BF5;
	p2 =	por !p2, p0  }
0x20: {  	[sflag:s8] =	ssyncset.s32 @!p0 $0xFFFFF086;
	s6 =	sadd.s32 @!p0 s3, s7;
	s7 =	simm.s32 @!p0 $0x108  }
0x21: {  	s3 =	sadd.s32 s3, s9;
	s6 =	sadd.s32 @!p0 $0x88, s6;
	s7 =	simm.s32 @p2 $0x1082  }
0x22: {  	[simem:s7], [sflag:s8] =	dma.local @!p0 [hbm:s6], $0xF7A  }
0x23: {  	s9 =	sor.u32 $0xD0000000, s2;
	s6 =	simm.s32 $0x108;
	_ =	swait.ge @!p0 [sflag:s8], $0x0  }
0x24: {  	s3 =	sadd.s32 $0x88, s3;
	s6 =	simm.s32 @!p1 $0x1082;
	[sflag:s4] =	ssyncset.s32 $0xFFFFF086  }
0x25: {  	[simem:s6], [sflag:s4] =	dma.local [hbm:s3], $0xF7A  }
0x26: {  	[smem:$0x3F97] =	sst s1;
	(tag) =	ssettag s2;
	_ =	strace s9  }
0x27: {  	s1 =	sld [smem:$0x3FA7]  }
0x28: {  	s2 =	sld [smem:$0x3FA8]  }
0x29: {  	s4 =	sld [smem:$0x3FAA]  }
0x2a: {  	p0 =	seq.s32 s5, $0x0;
	s5 =	sld [smem:$0x3FAB]  }
0x2b: {  	s6 =	sld [smem:$0x3FAC]  }
0x2c: {  	s7 =	sld [smem:$0x3FAD]  }
0x2d: {  	s3 =	simm.s32 $0x108;
	s8 =	sld [smem:$0x3FAE]  }
0x2e: {  	s3 =	simm.s32 @!p0 $0x1082;
	s9 =	sld [smem:$0x3FAF]  }
0x2f: {  	lr =	sadd.s32 s0, s3;
	s0 =	sld [smem:$0x3FA6]  }
0x30: {  	s3 =	sld [smem:$0x3FA9]  }
0x31: {  	[smem:$0x3FB2] =	sst s10  }
0x32: {  	s10 =	sld [smem:$0x3FB0];
	_ =	sdelay $0x3  }
0x33: {  	p0 =	seq.s32 s10, $0x1;
	s10 =	sld [smem:$0x3FB2];
	_ =	sdelay $0x3  }
0x34: {  	[smem:$0x3FB2] =	sst s10  }
0x35: {  	s10 =	sld [smem:$0x3FB1];
	_ =	sdelay $0x3  }
0x36: {  	p1 =	seq.s32 s10, $0x1;
	s10 =	sld [smem:$0x3FB2];
	_ =	sdelay $0x3  }
0x37: {  	[smem:$0x3FB2] =	sst s10  }
0x38: {  	s10 =	sld [smem:$0x3FB3]  }
0x39: {  	_ = 	snop;
	(pc) =	sbr.ind lr, $3  }
0x3a: {  	_ = 	snop  }
0x3b: {  	_ = 	snop  }
0x3c: {  	p2 =	seq.s32 s10, $0x1;
	s10 =	sld [smem:$0x3FB2]  }
0x3d: {  	_ =	shalt  }
0x3e: {  	_ =	shalt  }
0x3f: {  	_ =	shalt  }
0x40: {  	_ =	shalt  }
0x41: {  	_ =	shalt  }
0x42: {  	_ =	shalt  }
0x43: {  	_ =	shalt  }
0x44: {  	_ =	shalt  }
0x45: {  	_ =	shalt  }
0x46: {  	_ =	shalt  }
0x47: {  	_ =	shalt  }
0x48: {  	_ =	shalt  }
0x49: {  	_ =	shalt  }
0x4a: {  	_ =	shalt  }
0x4b: {  	_ =	shalt  }
0x4c: {  	_ =	shalt  }
0x4d: {  	_ =	shalt  }
0x4e: {  	_ =	shalt  }
0x4f: {  	_ =	shalt  }
0x50: {  	_ =	shalt  }
0x51: {  	_ =	shalt  }
0x52: {  	_ =	shalt  }
0x53: {  	_ =	shalt  }
0x54: {  	_ =	shalt  }
0x55: {  	_ =	shalt  }
0x56: {  	_ =	shalt  }
0x57: {  	_ =	shalt  }
0x58: {  	_ =	shalt  }
0x59: {  	_ =	shalt  }
0x5a: {  	_ =	shalt  }
0x5b: {  	_ =	shalt  }
0x5c: {  	_ =	shalt  }
0x5d: {  	_ =	shalt  }
0x5e: {  	_ =	shalt  }
0x5f: {  	_ =	shalt  }
0x60: {  	_ =	shalt  }
0x61: {  	_ =	shalt  }
0x62: {  	_ =	shalt  }
0x63: {  	_ =	shalt  }
0x64: {  	_ =	shalt  }
0x65: {  	_ =	shalt  }
0x66: {  	_ =	shalt  }
0x67: {  	_ =	shalt  }
0x68: {  	_ =	shalt  }
0x69: {  	_ =	shalt  }
0x6a: {  	_ =	shalt  }
0x6b: {  	_ =	shalt  }
0x6c: {  	_ =	shalt  }
0x6d: {  	_ =	shalt  }
0x6e: {  	_ =	shalt  }
0x6f: {  	_ =	shalt  }
0x70: {  	_ =	shalt  }
0x71: {  	_ =	shalt  }
0x72: {  	_ =	shalt  }
0x73: {  	_ =	shalt  }
0x74: {  	_ =	shalt  }
0x75: {  	_ =	shalt  }
0x76: {  	_ =	shalt  }
0x77: {  	_ =	shalt  }
0x78: {  	_ =	shalt  }
0x79: {  	_ =	shalt  }
0x7a: {  	_ =	shalt  }
0x7b: {  	_ =	shalt  }
0x7c: {  	_ =	shalt  }
0x7d: {  	_ =	shalt  }
0x7e: {  	_ =	shalt  }
0x7f: {  	_ =	shalt  }
0x80: {  	_ =	shalt  }
0x81: {  	_ =	shalt  }
0x82: {  	_ =	shalt  }
0x83: {  	_ =	shalt  }
0x84: {  	_ =	shalt  }
0x85: {  	_ =	shalt  }
0x86: {  	_ =	shalt  }
0x87: {  	_ =	shalt  }
.Lfunc_end0:
.L_simem_size_0:
called_computation_lowered:
.L_overlay_start_0:
0x88: {  	s2 =	sld [smem:$0x3FD9]  }
0x89: {  	s3 =	sld [smem:$0x3FFE];
	_ =	sdelay $0x1  }
0x8a: {  	s1 =	srdreg.scid  }
0x8b: {  	s0 =	sand.u32 $0x1, s1  }
0x8c: {  	s14 =	sshll.u32 s0, $0xA;
	s2 =	sadd.s32 s3, s2  }
0x8d: {  	s2 =	sadd.s32 s2, s14  }
0x8e: {  	[smem:$0x3FBE] =	sst s2  }
0x8f: {  	_ = 	snop  }
0x90: {  	s2 =	sld [smem:$0x3FD0];
	_ =	sdelay $0x2  }
0x91: {  	s15 =	simm.s32 $0xA;
	s4 =	simm.s32 $0x10  }
0x92: {  	[smem:s4], [sflag:s15] =	dma.local [hbm:s2], $0x1  }
0x93: {  	_ =	swait.eq [sflag:s15], $0x1  }
0x94: {  	[sflag:s15] =	ssyncset.done $0x0  }
0x95: {  	[sflag:s15] =	ssyncadd.s32 $0xFFFFFFFF  }
0x96: {  	s16 =	sld [smem:$0x12];
	(tm) =	ssettm $0x1  }
0x97: {  	s17 =	sld [smem:$0x3FFB];
	_ =	sdelay $0x3  }
0x98: {  	_ =	strace s17  }
0x99: {  	s3 =	sld [smem:$0x3FFC];
	_ =	sdelay $0x3  }
0x9a: {  	_ =	strace s3  }
0x9b: {  	s3 =	sld [smem:$0x3FFD];
	_ =	sdelay $0x3  }
0x9c: {  	_ =	strace s3  }
0x9d: {  	_ =	strace $0x8FFFFFFF  }
0x9e: {  	s18 =	sld [smem:$0x3FDB];
	_ =	sdelay $0x1  }
0x9f: {  	s19 =	simm.s32 $_scs_section_size  }
0xa0: {  	s5 =	simm.s32 $_size__tile_overlayer_lowered;
	s6 =	simm.s32 $_tile_overlayer_lowered  }
0xa1: {  	s22 =	simm.s32 $0x1BFF;
	s21 =	sshll.u32 s6, $0x1;
	s3 =	sadd.s32 s19, s18  }
0xa2: {  	s7 =	simm.s32 $0x0;
	s20 =	sshll.u32 s5, $0x1;
	s5 =	sadd.s32 s21, s3  }
0xa3: {  	[timem:s7], [sflag:s22] =	dma.local [hbm:s5], s20  }
0xa4: {  	_ =	swait.ge [sflag:s22], s20  }
0xa5: {  	s4 =	ssub.s32 $0x0, s20;
	[sflag:s22] =	ssyncset.done $0x0  }
0xa6: {  	[sflag:s22] =	ssyncadd.s32 s4;
	_ =	sdelay $0x1  }
0xa7: {  	s23 =	simm.s32 $0x1B8B  }
0xa8: {  	_ =	swait.ge [sflag:s23], $0x1  }
0xa9: {  	[sflag:s23] =	ssyncset.done $0x0  }
0xaa: {  	s25 =	simm.s32 $0x1B8E;
	s24 =	sld [smem:$0x3FFE];
	[sflag:s23] =	ssyncadd.s32 $0xFFFFFFFF  }
0xab: {  	s26 =	simm.s32 $execute0_lowered;
	[smem:$0x3FD2] =	sst s25  }
0xac: {  	s5 =	sshll.u32 s26, $0x1;
	_ =	strace $0x80000046;
	[dreg:$0x1] =	wrdreg $0xFFFFFFFF  }
0xad: {  	s28 =	simm.s32 $_size_execute0_lowered;
	s3 =	sadd.s32 s3, s5;
	[dreg:$0x0] =	wrdreg $0x0  }
0xae: {  	s5 =	sshll.u32 s28, $0x1;
	[dreg:$0x2] =	wrdreg s3  }
0xaf: {  	[dreg:$0x3] =	wrdreg s5  }
0xb0: {  	[dreg:$0x4] =	wrdreg $0xC0  }
0xb1: {  	_ =	task [dreg:s7], $0x5FFFF  }
0xb2: {  	[dreg:$0x1] =	wrdreg $0xFFFFFFFF  }
0xb3: {  	[dreg:$0x0] =	wrdreg $0x60  }
0xb4: {  	[dreg:$0x2] =	wrdreg s24  }
0xb5: {  	[dreg:$0x3] =	wrdreg s16  }
0xb6: {  	[dreg:$0x4] =	wrdreg $0x55000  }
0xb7: {  	[dreg:$0x5] =	wrdreg $0x9  }
0xb8: {  	_ =	task.clear_ibuf [dreg:s7], $0x6FFFF;
	_ =	strace $0x90000046  }
0xb9: {  	s29 =	simm.s32 $0x9;
	_ =	strace $0x80000048  }
0xba: {  	_ =	swait.ge [sflag:s29], $0x1  }
0xbb: {  	[sflag:s29] =	ssyncadd.s32 $0xFFFFFFFF  }
0xbc: {  	_ =	strace $0x90000048  }
0xbd: {  	_ =	sfence  }
0xbe: {  	s30 =	sld [smem:$0x0];
	_ =	sdelay $0x2  }
0xbf: {  	s31 =	sshll.u32 s1, $0xD;
	s1 =	sshrl.u32 s1, $0x2  }
0xc0: {  	s3 =	sand.u32 $0x4000, s31;
	s1 =	sadd.s32 s1, s30  }
0xc1: {  	s0 =	sor.u32 s3, s0;
	s1 =	sshll.u32 s1, $0x11  }
0xc2: {  	s0 =	sor.u32 s1, s0  }
0xc3: {  	s0 =	sadd.s32 $0x8F2B, s0  }
0xc4: {  	[sflag:s0] =	ssyncadd.remote.s32 $0x1  }
0xc5: {  	_ =	sfence.sel $0xFFFF  }
0xc6: {  	[dreg:$0x0] =	wrdreg $0xFFFFFFFF;
	(pc) =	sbr.abs _section_cstart, $3  }
0xc7: {  	[dreg:$0x1] =	wrdreg $0xFFFFFFFF  }
0xc8: {  	_ =	task.clear_ibuf [dreg:s7], $0x2FFFF;
	_ =	strace $0x9FFFFFFF  }
0xc9: {  	(tm) =	ssettm $0x7FFFFFFF  }
tec
execute0_lowered:
.L_overlay_start_1:
0x0: {  	(tag) =	ssettag $0x1  }
0x1: {  	s0 =	srdreg.scid;
	s4 =	rddreg [dreg:$0x0]  }
0x2: {  	s6 =	rddreg [dreg:$0x1];
	s3 =	sand.u32 $0x1, s0;
	s0 =	stileid.u32  }
0x3: {  	s5 =	rddreg [dreg:$0x2];
	s2 =	simm.s32 $0x0;
	s8 =	smul.u32 $0xA000, s0  }
0x4: {  	s12 =	simm.s32 $0x0;
	[smem:$0x7FF] =	sst s2;
	s9 =	smul.u32 $0x2800, s3  }
0x5: {  	s1 =	sshll.u32 s3, $0x4;
	s3 =	ssub.s32 $0x2, s3;
	s10 =	smul.u32 $0x280, s0  }
0x6: {  	s11 =	smul.u32 $0xA00, s0;
	s1 =	sor.u32 s0, s1;
	s29 =	sshrl.u32 s3, $0x1  }
0x7: {  	s7 =	smul.u32 $0x500, s1;
	s1 =	rddreg [dreg:$0x3];
	_ =	strace $0x80000047  }
0x8: {  	s30 =	sadd.s32 s10, s9;
	s8 =	sshrl.u32 s8, $0x2;
	s31 =	sshrl.u32 s11, $0x2  }
0x9: {  	s9 =	simm.s32 $0x2800;
	s11 =	simm.s32 $0x5000;
	s10 =	sshrl.u32 s30, $0x3  }
0xa: {  	s4 =	sadd.s32 s7, s4;
	s7 =	ssub.s32 s3, s29;
	s6 =	sadd.s32 s6, s10  }
0xb: {  	s10 =	simm.s32 $0x5280;
	s3 =	sadd.s32 $0x2000, s4;
	s4 =	sadd.s32 s8, s5  }
0xc: {  	v0 =	vimm.f32 $0.0e+00;
	v1 =	vimm.f32 $1.000000000e+00;
	s5 =	sadd.s32 s31, s5;
	s7 =	smax.u32 s7, $0x1;
	s8 =	simm.s32 $0x1  }
.LBB2_1:
0xd: {  	[tilespmem:s2], [sflag:$0x1] =	stream.linear.gather [hbm4b:s3+s2], $0x2800, $0x38;
	[tilespmem:$0x7D00] =	vst v63  }
0xe: {  	_ =	swait.ge [sflag:s8], $0x2800  }
0xf: {  	[sflag:s8] =	ssyncset.done $0x0  }
0x10: {  	s13 =	simm.s32 $0x0;
	[sflag:s8] =	ssyncadd.s32 $0xFFFFD800  }
.LBB2_2:
0x11: {  	p0 =	sne.s32 s13, $0x9FC0  }
.Ltmp0:
0x12: {  	_ = 	snop;
	(pc) =	sbr.rel @p0 .LBB2_2-.Ltmp0, $3  }
0x13: {  	_ =	sdelay $0x1  }
0x14: {  	s14 =	sshra.s32 s13, $0x2  }
0x15: {  	s13 =	sadd.s32 $0x40, s13;
	[tilespmem:s14+$0x2800] =	vst v0  }
0x16: {  	s13 =	simm.s32 $0x0  }
.LBB2_4:
0x17: {  	s14 =	sshra.s32 s13, $0x2  }
0x18: {  	v2 =	vld [tilespmem:s14+$0x0];
	_ =	sdelay $0x7  }
0x19: {  	[tilespmem:v2+s9+$0x0] =	vst.idx.add.f32.msk $0xffff, v1  }
0x1a: {  	v2 =	vld [tilespmem:s14+$0x10];
	_ =	sdelay $0x7  }
0x1b: {  	[tilespmem:v2+s9+$0x0] =	vst.idx.add.f32.msk $0xffff, v1  }
0x1c: {  	v2 =	vld [tilespmem:s14+$0x20];
	_ =	sdelay $0x7  }
0x1d: {  	[tilespmem:v2+s9+$0x0] =	vst.idx.add.f32.msk $0xffff, v1  }
0x1e: {  	v2 =	vld [tilespmem:s14+$0x30];
	_ =	sdelay $0x7  }
0x1f: {  	[tilespmem:v2+s9+$0x0] =	vst.idx.add.f32.msk $0xffff, v1  }
0x20: {  	v2 =	vld [tilespmem:s14+$0x40];
	_ =	sdelay $0x7  }
0x21: {  	[tilespmem:v2+s9+$0x0] =	vst.idx.add.f32.msk $0xffff, v1  }
0x22: {  	v2 =	vld [tilespmem:s14+$0x50];
	_ =	sdelay $0x7  }
0x23: {  	[tilespmem:v2+s9+$0x0] =	vst.idx.add.f32.msk $0xffff, v1  }
0x24: {  	v2 =	vld [tilespmem:s14+$0x60];
	_ =	sdelay $0x7  }
0x25: {  	[tilespmem:v2+s9+$0x0] =	vst.idx.add.f32.msk $0xffff, v1  }
0x26: {  	v2 =	vld [tilespmem:s14+$0x70];
	_ =	sdelay $0x2  }
0x27: {  	p0 =	sne.s32 s13, $0x9E00  }
.Ltmp1:
0x28: {  	_ = 	snop;
	(pc) =	sbr.rel @p0 .LBB2_4-.Ltmp1, $2  }
0x29: {  	_ =	sdelay $0x2  }
0x2a: {  	s13 =	sadd.s32 $0x200, s13;
	[tilespmem:v2+s9+$0x0] =	vst.idx.add.f32.msk $0xffff, v1  }
0x2b: {  	[spmem:s4] =	stream.linear.scatter [tilespmem:s9], [sflag:$0x1], $0x2800, $0x38;
	[tilespmem:$0x7D00] =	vst v63  }
0x2c: {  	_ =	swait.ge [sflag:s8], $0x2800  }
0x2d: {  	[sflag:s8] =	ssyncset.done $0x0  }
0x2e: {  	[sflag:s8] =	ssyncadd.s32 $0xFFFFD800  }
0x2f: {  	[bflag:$0x0] =	sbarrier.arrive $0xFFFF  }
0x30: {  	[tilespmem:$0x5000] =	vst v0  }
0x31: {  	[tilespmem:$0x5010] =	vst v0  }
0x32: {  	[tilespmem:$0x5020] =	vst v0  }
0x33: {  	[tilespmem:$0x5030] =	vst v0  }
0x34: {  	[tilespmem:$0x5040] =	vst v0  }
0x35: {  	[tilespmem:$0x5050] =	vst v0  }
0x36: {  	[tilespmem:$0x5060] =	vst v0  }
0x37: {  	[tilespmem:$0x5070] =	vst v0  }
0x38: {  	[tilespmem:$0x5080] =	vst v0  }
0x39: {  	[tilespmem:$0x5090] =	vst v0  }
0x3a: {  	[tilespmem:$0x50A0] =	vst v0  }
0x3b: {  	[tilespmem:$0x50B0] =	vst v0  }
0x3c: {  	[tilespmem:$0x50C0] =	vst v0  }
0x3d: {  	[tilespmem:$0x50D0] =	vst v0  }
0x3e: {  	[tilespmem:$0x50E0] =	vst v0  }
0x3f: {  	[tilespmem:$0x50F0] =	vst v0  }
0x40: {  	[tilespmem:$0x5100] =	vst v0  }
0x41: {  	[tilespmem:$0x5110] =	vst v0  }
0x42: {  	[tilespmem:$0x5120] =	vst v0  }
0x43: {  	[tilespmem:$0x5130] =	vst v0  }
0x44: {  	[tilespmem:$0x5140] =	vst v0  }
0x45: {  	[tilespmem:$0x5150] =	vst v0  }
0x46: {  	[tilespmem:$0x5160] =	vst v0  }
0x47: {  	[tilespmem:$0x5170] =	vst v0  }
0x48: {  	[tilespmem:$0x5180] =	vst v0  }
0x49: {  	[tilespmem:$0x5190] =	vst v0  }
0x4a: {  	[tilespmem:$0x51A0] =	vst v0  }
0x4b: {  	[tilespmem:$0x51B0] =	vst v0  }
0x4c: {  	[tilespmem:$0x51C0] =	vst v0  }
0x4d: {  	[tilespmem:$0x51D0] =	vst v0  }
0x4e: {  	[tilespmem:$0x51E0] =	vst v0  }
0x4f: {  	[tilespmem:$0x51F0] =	vst v0  }
0x50: {  	[tilespmem:$0x5200] =	vst v0  }
0x51: {  	[tilespmem:$0x5210] =	vst v0  }
0x52: {  	[tilespmem:$0x5220] =	vst v0  }
0x53: {  	[tilespmem:$0x5230] =	vst v0  }
0x54: {  	[tilespmem:$0x5240] =	vst v0  }
0x55: {  	[tilespmem:$0x5250] =	vst v0  }
0x56: {  	[tilespmem:$0x5260] =	vst v0  }
0x57: {  	s13 =	simm.s32 $0x0;
	[tilespmem:$0x5270] =	vst v0  }
.LBB2_6:
0x58: {  	s14 =	smul.u32 $0xA000, s13;
	_ =	sdelay $0x1  }
0x59: {  	s14 =	sshra.s32 s14, $0x2  }
0x5a: {  	s14 =	sadd.s32 s14, s5  }
0x5b: {  	[tilespmem:s10], [sflag:$0x1] =	stream.linear.gather [spmem:s14], $0x280, $0x38;
	[tilespmem:$0x7D00] =	vst v63  }
0x5c: {  	_ =	swait.ge [sflag:s8], $0x280  }
0x5d: {  	[sflag:s8] =	ssyncset.done $0x0  }
0x5e: {  	s14 =	simm.s32 $0x0;
	[sflag:s8] =	ssyncadd.s32 $0xFFFFFD80  }
0x5f: {  	s15 =	simm.s32 $0x40;
	v2 =	vld [tilespmem:s14+$0x5280]  }
.LBB2_7:
0x60: {  	p0 =	sne.s32 s15, $0x9C0;
	v3 =	vld [tilespmem:s14+$0x5000];
	_ =	sdelay $0x2  }
.Ltmp2:
0x61: {  	(pc) =	sbr.rel @p0 .LBB2_7-.Ltmp2, $4  }
0x62: {  	_ = 	snop  }
0x63: {  	v3 =	vadd.f32 v2, v3  }
0x64: {  	s16 =	sshra.s32 s15, $0x2  }
0x65: {  	s15 =	sadd.s32 $0x40, s15;
	v2 =	vld [tilespmem:s16+$0x5280];
	[tilespmem:s14+$0x5000] =	vst v3;
	s14 =	smov.u32 s16  }
0x66: {  	v3 =	vld [tilespmem:s14+$0x5000]  }
0x67: {  	s13 =	sadd.s32 $0x1, s13  }
0x68: {  	p0 =	sne.s32 s13, $0x10  }
.Ltmp3:
0x69: {  	_ = 	snop;
	(pc) =	sbr.rel @p0 .LBB2_6-.Ltmp3, $3  }
0x6a: {  	_ = 	snop  }
0x6b: {  	v2 =	vadd.f32 v2, v3;
	_ =	sdelay $0x1  }
0x6c: {  	[tilespmem:s14+$0x5000] =	vst v2  }
0x6d: {  	s12 =	sadd.s32 $0x1, s12  }
0x6e: {  	p0 =	sne.s32 s12, s7  }
.Ltmp4:
0x6f: {  	_ = 	snop;
	(pc) =	sbr.rel @p0 .LBB2_1-.Ltmp4, $4  }
0x70: {  	[hbm4b:s6+s2] =	stream.linear.scatter [tilespmem:s11], [sflag:$0x1], $0x280, $0x38;
	[tilespmem:$0x7D00] =	vst v63  }
0x71: {  	_ =	swait.ge [sflag:s8], $0x280  }
0x72: {  	[sflag:s8] =	ssyncset.done $0x0  }
0x73: {  	[sflag:s8] =	ssyncadd.s32 $0xFFFFFD80  }
0x74: {  	_ =	sfence.sel $0x180000  }
0x75: {  	[bflag:$0x0] =	sbarrier.arrive $0xFFFF  }
0x76: {  	p0 =	sne.s32 s0, $0x0;
	_ =	strace $0x90000047  }
0x77: {  	s0 =	sadd.s32 @!p0 $0x100000, s1;
	[bflag:$0x2] =	sbarrier.arrive $0xFFFF  }
0x78: {  	[sflag:s0] =	ssyncadd.tile.s32 @!p0 $0x1;
	_ =	shalt  }
.Lfunc_end2:
_tile_overlayer_lowered:
.L_overlay_start_2:
0x79: {  	(tag) =	ssettag $0x2  }
0x7a: {  	s0 =	rddreg [dreg:$0x0];
	s2 =	stileid.u32  }
0x7b: {  	s1 =	rddreg [dreg:$0x1];
	p0 =	sne.s32 s2, $0x0  }
0x7c: {  	s3 =	rddreg [dreg:$0x2];
	[bflag:$0x3] =	sbarrier.arrive $0xFFFF;
	s2 =	simm.s32 @!p0 $0x1C01  }
0x7d: {  	[timem:s3], [sflag:s2] =	dma.local @!p0 [hbm:s0], s1  }
0x7e: {  	s0 =	simm.s32 @!p0 $0x1  }
0x7f: {  	_ =	swait.ge @!p0 [sflag:s0], s1  }
0x80: {  	s1 =	ssub.s32 @!p0 $0x0, s1;
	[sflag:s0] =	ssyncset.done @!p0 $0x0  }
0x81: {  	[sflag:s0] =	ssyncadd.s32 @!p0 s1  }
0x82: {  	[bflag:$0x3] =	sbarrier.arrive $0xFFFF  }
0x83: {  	_ =	shalt  }

</sc_bundles>
